<compile_context>
chip_gen: v7x
topology: tpu7x:2x2x1
jax: 0.10.2.dev20260603
libtpu: 0.0.44.dev20260713+nightly
codegen_flags: <defaults>
</compile_context>

<pallas_src>
import functools

import jax
import jax.numpy as jnp
from jax import lax
from jax.experimental import pallas as pl
from jax.experimental.pallas import tpu as pltpu
from jax.experimental.pallas import tpu_sc as plsc

_B = 16384
_D = 64
_L = 16


def _build():
    info = plsc.get_sparse_core_info()
    nc, ns = info.num_cores, info.num_subcores
    nw = nc * ns
    bpw = _B // nw
    nq = 4
    qr = bpw // nq

    mesh = plsc.VectorSubcoreMesh(core_axis_name="c", subcore_axis_name="s")

    @functools.partial(
        pl.kernel,
        mesh=mesh,
        out_type=jax.ShapeDtypeStruct((nw * _L,), jnp.float32),
        scratch_types=[
            pltpu.VMEM((bpw,), jnp.int32),
            pltpu.VMEM((2, qr, _D), jnp.float32),
            pltpu.VMEM((bpw, _D), jnp.float32),
            pltpu.VMEM((_L,), jnp.float32),
            pltpu.SemaphoreType.DMA,
            pltpu.SemaphoreType.DMA,
            pltpu.SemaphoreType.DMA,
            pltpu.SemaphoreType.DMA,
            pltpu.SemaphoreType.DMA,
            pltpu.SemaphoreType.DMA,
        ],
    )
    def k(feat_hbm, lab_hbm, cent_hbm, out_hbm, idx_v, feat_v, rows_v,
          acc_v, fs0, fs1, g0, g1, g2, g3):
        fsems = (fs0, fs1)
        gsems = (g0, g1, g2, g3)
        wid = lax.axis_index("s") * nc + lax.axis_index("c")
        base = wid * bpw

        pltpu.sync_copy(lab_hbm.at[pl.ds(base, bpw)], idx_v)

        def feat_cp(q):
            return pltpu.async_copy(
                feat_hbm.at[pl.ds(base + q * qr, qr)],
                feat_v.at[q % 2], fsems[q % 2])

        feat_cp(0)
        feat_cp(1)

        def issue_quarter(q):
            def issue(g, carry, _q=q):
                c = _q * (qr // _L) + g
                labs = idx_v[pl.ds(c * _L, _L)]
                for j in range(_L):
                    pltpu.async_copy(
                        cent_hbm.at[pl.ds(labs[j], 1)],
                        rows_v.at[pl.ds(c * _L + j, 1)],
                        gsems[_q],
                    )
                return carry

            lax.fori_loop(0, qr // _L, issue, 0)

        issue_quarter(0)
        issue_quarter(1)

        acc = jnp.zeros((_L,), jnp.float32)
        for q in range(nq):
            pltpu.make_async_copy(
                feat_hbm.at[pl.ds(0, qr)], feat_v.at[q % 2], fsems[q % 2]
            ).wait()
            pltpu.make_async_copy(
                cent_hbm.at[pl.ds(0, qr)],
                rows_v.at[pl.ds(q * qr, qr)],
                gsems[q],
            ).wait()

            def body(i, acc, _q=q):
                r = _q * qr + i
                for j in range(_D // _L):
                    f = feat_v[_q % 2, i, pl.ds(j * _L, _L)]
                    cvec = rows_v[r, pl.ds(j * _L, _L)]
                    d = f - cvec
                    acc = acc + d * d
                return acc

            if q + 2 < nq:
                issue_quarter(q + 2)
            acc = lax.fori_loop(0, qr, body, acc)
            if q + 2 < nq:
                feat_cp(q + 2)

        acc_v[...] = acc
        pltpu.sync_copy(acc_v, out_hbm.at[pl.ds(wid * _L, _L)])

    return k


_K = _build()


@jax.jit
def kernel(features, labels, centers):
    partials = _K(features, labels.astype(jnp.int32), centers)
    return jnp.sum(partials) / features.shape[0]

# --- scband reference (transcript-rebuilt; emitter-appended) ---
"""Pipeline reference for scband-center-loss-45260365365960 (READ-ONLY COPY).

The authoritative reference and input builder live on the scoring server;
editing this copy changes nothing except your own understanding.
"""

import jax, jax.numpy as jnp
import numpy as np

NUM_CLASSES = 100000
FEAT_DIM = 64
BATCH = 16384


def setup_inputs(seed: int = 0) -> dict:
    key = jax.random.key(seed)
    k1, k2, k3 = jax.random.split(key, 3)
    features = jax.random.normal(k1, (BATCH, FEAT_DIM), dtype=jnp.float32)
    labels = jax.random.randint(k2, (BATCH,), 0, NUM_CLASSES, dtype=jnp.int64 if jax.config.jax_enable_x64 else jnp.int32)
    centers = jax.random.normal(k3, (NUM_CLASSES, FEAT_DIM), dtype=jnp.float32)
    return {"features": features, "labels": labels, "centers": centers}


def reference(features, labels, centers):
    # centers_batch = self.centers[labels]  -> gather rows (SparseCore-friendly)
    centers_batch = jnp.take(centers, labels, axis=0)
    diff = features - centers_batch
    loss = jnp.sum(diff ** 2) / features.shape[0]
    return loss

if __name__ == "__main__":
    import jax
    _d = setup_inputs()
    print(jax.jit(kernel)(*tuple(_d.values())))

</pallas_src>

<mosaic_0001>
#map = affine_map<(d0, d1) -> (0, 0)>
#map1 = affine_map<(d0, d1) -> (0)>
module attributes {stable_mosaic.version = 14 : i64} {
  func.func @k(%arg0: i32, %arg1: i32, %arg2: memref<16384x64xf32, #tpu.memory_space<hbm>>, %arg3: memref<16384xi32, #tpu.memory_space<hbm>>, %arg4: memref<100000x64xf32, #tpu.memory_space<hbm>>, %arg5: memref<512xf32, #tpu.memory_space<hbm>>, %arg6: memref<512xi32, #tpu.memory_space<vmem>>, %arg7: memref<2x128x64xf32, #tpu.memory_space<vmem>>, %arg8: memref<512x64xf32, #tpu.memory_space<vmem>>, %arg9: memref<16xf32, #tpu.memory_space<vmem>>, %arg10: memref<!tpu.dma_semaphore, #tpu.memory_space<semaphore_mem>>, %arg11: memref<!tpu.dma_semaphore, #tpu.memory_space<semaphore_mem>>, %arg12: memref<!tpu.dma_semaphore, #tpu.memory_space<semaphore_mem>>, %arg13: memref<!tpu.dma_semaphore, #tpu.memory_space<semaphore_mem>>, %arg14: memref<!tpu.dma_semaphore, #tpu.memory_space<semaphore_mem>>, %arg15: memref<!tpu.dma_semaphore, #tpu.memory_space<semaphore_mem>>) attributes {dimension_semantics = [#tpu.dimension_semantics<core_parallel>, #tpu.dimension_semantics<subcore_parallel>], iteration_bounds = array<i64: 2, 16>, scalar_prefetch = 0 : i64, scratch_operands = 10 : i64, tpu.core_type = #tpu.core_type<sc_vector_subcore>, window_params = [{transform_indices = #map}, {transform_indices = #map1}, {transform_indices = #map}, {transform_indices = #map1}]} {
    %mul3A = arith.constant 2 : i32
    %mul3A_0 = arith.muli %arg1, %mul3A : i32
    %add3A = arith.addi %mul3A_0, %arg0 : i32
    %mul3A_1 = arith.constant 512 : i32
    %mul3A_2 = arith.muli %add3A, %mul3A_1 : i32
    "tpu.region"() ({
      %run_scoped3A = tpu.sem_alloc : memref<!tpu.dma_semaphore, #tpu.memory_space<semaphore_mem>>
      %dma_start3A_222 = tpu.memref_slice %arg3[%mul3A_2] : memref<16384xi32, #tpu.memory_space<hbm>> -> memref<512xi32, #tpu.memory_space<hbm>>
      %dma_start3A_223 = tpu.memref_slice %arg3[%mul3A_2] : memref<16384xi32, #tpu.memory_space<hbm>> -> memref<512xi32, #tpu.memory_space<hbm>>
      tpu.enqueue_dma source(%dma_start3A_223 : memref<512xi32, #tpu.memory_space<hbm>>) target(%arg6 : memref<512xi32, #tpu.memory_space<vmem>>) target_semaphore(%run_scoped3A : memref<!tpu.dma_semaphore, #tpu.memory_space<semaphore_mem>>)
      %dma_wait3A_224 = tpu.memref_slice %arg3[%mul3A_2] : memref<16384xi32, #tpu.memory_space<hbm>> -> memref<512xi32, #tpu.memory_space<hbm>>
      %dma_wait3A_225 = tpu.memref_slice %arg3[%mul3A_2] : memref<16384xi32, #tpu.memory_space<hbm>> -> memref<512xi32, #tpu.memory_space<hbm>>
      tpu.wait_dma2 semaphore(%run_scoped3A : memref<!tpu.dma_semaphore, #tpu.memory_space<semaphore_mem>>) src(%dma_wait3A_225 : memref<512xi32, #tpu.memory_space<hbm>>) dst(%arg6 : memref<512xi32, #tpu.memory_space<vmem>>)
      tpu.yield
    }) : () -> ()
    %add3A_3 = arith.constant 0 : i32
    %add3A_4 = arith.addi %mul3A_2, %add3A_3 : i32
    %dma_start3A = arith.constant 0 : i32
    %dma_start3A_5 = arith.constant 0 : i32
    %dma_start3A_6 = arith.constant 0 : i32
    %dma_start3A_7 = tpu.memref_slice %arg7[%dma_start3A, %dma_start3A_5, %dma_start3A_6] : memref<2x128x64xf32, #tpu.memory_space<vmem>> -> memref<1x128x64xf32, #tpu.memory_space<vmem>>
    %dma_start3A_8 = tpu.memref_squeeze %dma_start3A_7 : memref<1x128x64xf32, #tpu.memory_space<vmem>> -> memref<128x64xf32, #tpu.memory_space<vmem>>
    %dma_start3A_9 = arith.constant 0 : i32
    %dma_start3A_10 = tpu.memref_slice %arg2[%add3A_4, %dma_start3A_9] : memref<16384x64xf32, #tpu.memory_space<hbm>> -> memref<128x64xf32, #tpu.memory_space<hbm>>
    %dma_start3A_11 = arith.constant 0 : i32
    %dma_start3A_12 = arith.constant 0 : i32
    %dma_start3A_13 = tpu.memref_slice %arg7[%dma_start3A, %dma_start3A_11, %dma_start3A_12] : memref<2x128x64xf32, #tpu.memory_space<vmem>> -> memref<1x128x64xf32, #tpu.memory_space<vmem>>
    %dma_start3A_14 = tpu.memref_squeeze %dma_start3A_13 : memref<1x128x64xf32, #tpu.memory_space<vmem>> -> memref<128x64xf32, #tpu.memory_space<vmem>>
    %dma_start3A_15 = arith.constant 0 : i32
    %dma_start3A_16 = tpu.memref_slice %arg2[%add3A_4, %dma_start3A_15] : memref<16384x64xf32, #tpu.memory_space<hbm>> -> memref<128x64xf32, #tpu.memory_space<hbm>>
    tpu.enqueue_dma source(%dma_start3A_16 : memref<128x64xf32, #tpu.memory_space<hbm>>) target(%dma_start3A_14 : memref<128x64xf32, #tpu.memory_space<vmem>>) target_semaphore(%arg10 : memref<!tpu.dma_semaphore, #tpu.memory_space<semaphore_mem>>)
    %add3A_17 = arith.constant 128 : i32
    %add3A_18 = arith.addi %mul3A_2, %add3A_17 : i32
    %dma_start3A_19 = arith.constant 1 : i32
    %dma_start3A_20 = arith.constant 0 : i32
    %dma_start3A_21 = arith.constant 0 : i32
    %dma_start3A_22 = tpu.memref_slice %arg7[%dma_start3A_19, %dma_start3A_20, %dma_start3A_21] : memref<2x128x64xf32, #tpu.memory_space<vmem>> -> memref<1x128x64xf32, #tpu.memory_space<vmem>>
    %dma_start3A_23 = tpu.memref_squeeze %dma_start3A_22 : memref<1x128x64xf32, #tpu.memory_space<vmem>> -> memref<128x64xf32, #tpu.memory_space<vmem>>
    %dma_start3A_24 = arith.constant 0 : i32
    %dma_start3A_25 = tpu.memref_slice %arg2[%add3A_18, %dma_start3A_24] : memref<16384x64xf32, #tpu.memory_space<hbm>> -> memref<128x64xf32, #tpu.memory_space<hbm>>
    %dma_start3A_26 = arith.constant 0 : i32
    %dma_start3A_27 = arith.constant 0 : i32
    %dma_start3A_28 = tpu.memref_slice %arg7[%dma_start3A_19, %dma_start3A_26, %dma_start3A_27] : memref<2x128x64xf32, #tpu.memory_space<vmem>> -> memref<1x128x64xf32, #tpu.memory_space<vmem>>
    %dma_start3A_29 = tpu.memref_squeeze %dma_start3A_28 : memref<1x128x64xf32, #tpu.memory_space<vmem>> -> memref<128x64xf32, #tpu.memory_space<vmem>>
    %dma_start3A_30 = arith.constant 0 : i32
    %dma_start3A_31 = tpu.memref_slice %arg2[%add3A_18, %dma_start3A_30] : memref<16384x64xf32, #tpu.memory_space<hbm>> -> memref<128x64xf32, #tpu.memory_space<hbm>>
    tpu.enqueue_dma source(%dma_start3A_31 : memref<128x64xf32, #tpu.memory_space<hbm>>) target(%dma_start3A_29 : memref<128x64xf32, #tpu.memory_space<vmem>>) target_semaphore(%arg11 : memref<!tpu.dma_semaphore, #tpu.memory_space<semaphore_mem>>)
    %scan3A = arith.constant 0 : i32
    %scan3A_32 = arith.constant 0 : i32
    %scan3A_33 = arith.constant 8 : i32
    %scan3A_34 = arith.addi %scan3A_32, %scan3A_33 : i32
    %scan3A_35 = arith.constant 1 : i32
    scf.for %scan3A_222 = %scan3A_32 to %scan3A_34 step %scan3A_35  : i32 {
      %add3A_223 = arith.constant 0 : i32
      %add3A_224 = arith.addi %add3A_223, %scan3A_222 : i32
      %mul3A_225 = arith.constant 16 : i32
      %mul3A_226 = arith.muli %add3A_224, %mul3A_225 : i32
      %get3A = arith.index_cast %mul3A_226 : i32 to index
      %get3A_227 = tpu.vector_load %arg6[%get3A] {strides = array<i32>} : memref<512xi32, #tpu.memory_space<vmem>>, vector<16xi32>,
      %get3A_228 = vector.shape_cast %get3A_227 : vector<16xi32> to vector<16xi32>
      %slice3A = vector.extract_strided_slice %get3A_228 {offsets = [0], sizes = [1], strides = [1]} : vector<16xi32> to vector<1xi32>
      %squeeze3A = vector.extract %slice3A[0] : i32 from vector<1xi32>
      %mul3A_229 = arith.constant 16 : i32
      %mul3A_230 = arith.muli %add3A_224, %mul3A_229 : i32
      %add3A_231 = arith.constant 0 : i32
      %add3A_232 = arith.addi %mul3A_230, %add3A_231 : i32
      %dma_start3A_233 = arith.constant 0 : i32
      %dma_start3A_234 = tpu.memref_slice %arg8[%add3A_232, %dma_start3A_233] : memref<512x64xf32, #tpu.memory_space<vmem>> -> memref<1x64xf32, #tpu.memory_space<vmem>>
      %dma_start3A_235 = arith.constant 0 : i32
      %dma_start3A_236 = tpu.memref_slice %arg4[%squeeze3A, %dma_start3A_235] : memref<100000x64xf32, #tpu.memory_space<hbm>> -> memref<1x64xf32, #tpu.memory_space<hbm>>
      %dma_start3A_237 = arith.constant 0 : i32
      %dma_start3A_238 = tpu.memref_slice %arg8[%add3A_232, %dma_start3A_237] : memref<512x64xf32, #tpu.memory_space<vmem>> -> memref<1x64xf32, #tpu.memory_space<vmem>>
      %dma_start3A_239 = arith.constant 0 : i32
      %dma_start3A_240 = tpu.memref_slice %arg4[%squeeze3A, %dma_start3A_239] : memref<100000x64xf32, #tpu.memory_space<hbm>> -> memref<1x64xf32, #tpu.memory_space<hbm>>
      tpu.enqueue_dma source(%dma_start3A_240 : memref<1x64xf32, #tpu.memory_space<hbm>>) target(%dma_start3A_238 : memref<1x64xf32, #tpu.memory_space<vmem>>) target_semaphore(%arg12 : memref<!tpu.dma_semaphore, #tpu.memory_space<semaphore_mem>>)
      %slice3A_241 = vector.extract_strided_slice %get3A_228 {offsets = [1], sizes = [1], strides = [1]} : vector<16xi32> to vector<1xi32>
      %squeeze3A_242 = vector.extract %slice3A_241[0] : i32 from vector<1xi32>
      %mul3A_243 = arith.constant 16 : i32
      %mul3A_244 = arith.muli %add3A_224, %mul3A_243 : i32
      %add3A_245 = arith.constant 1 : i32
      %add3A_246 = arith.addi %mul3A_244, %add3A_245 : i32
      %dma_start3A_247 = arith.constant 0 : i32
      %dma_start3A_248 = tpu.memref_slice %arg8[%add3A_246, %dma_start3A_247] : memref<512x64xf32, #tpu.memory_space<vmem>> -> memref<1x64xf32, #tpu.memory_space<vmem>>
      %dma_start3A_249 = arith.constant 0 : i32
      %dma_start3A_250 = tpu.memref_slice %arg4[%squeeze3A_242, %dma_start3A_249] : memref<100000x64xf32, #tpu.memory_space<hbm>> -> memref<1x64xf32, #tpu.memory_space<hbm>>
      %dma_start3A_251 = arith.constant 0 : i32
      %dma_start3A_252 = tpu.memref_slice %arg8[%add3A_246, %dma_start3A_251] : memref<512x64xf32, #tpu.memory_space<vmem>> -> memref<1x64xf32, #tpu.memory_space<vmem>>
      %dma_start3A_253 = arith.constant 0 : i32
      %dma_start3A_254 = tpu.memref_slice %arg4[%squeeze3A_242, %dma_start3A_253] : memref<100000x64xf32, #tpu.memory_space<hbm>> -> memref<1x64xf32, #tpu.memory_space<hbm>>
      tpu.enqueue_dma source(%dma_start3A_254 : memref<1x64xf32, #tpu.memory_space<hbm>>) target(%dma_start3A_252 : memref<1x64xf32, #tpu.memory_space<vmem>>) target_semaphore(%arg12 : memref<!tpu.dma_semaphore, #tpu.memory_space<semaphore_mem>>)
      %slice3A_255 = vector.extract_strided_slice %get3A_228 {offsets = [2], sizes = [1], strides = [1]} : vector<16xi32> to vector<1xi32>
      %squeeze3A_256 = vector.extract %slice3A_255[0] : i32 from vector<1xi32>
      %mul3A_257 = arith.constant 16 : i32
      %mul3A_258 = arith.muli %add3A_224, %mul3A_257 : i32
      %add3A_259 = arith.constant 2 : i32
      %add3A_260 = arith.addi %mul3A_258, %add3A_259 : i32
      %dma_start3A_261 = arith.constant 0 : i32
      %dma_start3A_262 = tpu.memref_slice %arg8[%add3A_260, %dma_start3A_261] : memref<512x64xf32, #tpu.memory_space<vmem>> -> memref<1x64xf32, #tpu.memory_space<vmem>>
      %dma_start3A_263 = arith.constant 0 : i32
      %dma_start3A_264 = tpu.memref_slice %arg4[%squeeze3A_256, %dma_start3A_263] : memref<100000x64xf32, #tpu.memory_space<hbm>> -> memref<1x64xf32, #tpu.memory_space<hbm>>
      %dma_start3A_265 = arith.constant 0 : i32
      %dma_start3A_266 = tpu.memref_slice %arg8[%add3A_260, %dma_start3A_265] : memref<512x64xf32, #tpu.memory_space<vmem>> -> memref<1x64xf32, #tpu.memory_space<vmem>>
      %dma_start3A_267 = arith.constant 0 : i32
      %dma_start3A_268 = tpu.memref_slice %arg4[%squeeze3A_256, %dma_start3A_267] : memref<100000x64xf32, #tpu.memory_space<hbm>> -> memref<1x64xf32, #tpu.memory_space<hbm>>
      tpu.enqueue_dma source(%dma_start3A_268 : memref<1x64xf32, #tpu.memory_space<hbm>>) target(%dma_start3A_266 : memref<1x64xf32, #tpu.memory_space<vmem>>) target_semaphore(%arg12 : memref<!tpu.dma_semaphore, #tpu.memory_space<semaphore_mem>>)
      %slice3A_269 = vector.extract_strided_slice %get3A_228 {offsets = [3], sizes = [1], strides = [1]} : vector<16xi32> to vector<1xi32>
      %squeeze3A_270 = vector.extract %slice3A_269[0] : i32 from vector<1xi32>
      %mul3A_271 = arith.constant 16 : i32
      %mul3A_272 = arith.muli %add3A_224, %mul3A_271 : i32
      %add3A_273 = arith.constant 3 : i32
      %add3A_274 = arith.addi %mul3A_272, %add3A_273 : i32
      %dma_start3A_275 = arith.constant 0 : i32
      %dma_start3A_276 = tpu.memref_slice %arg8[%add3A_274, %dma_start3A_275] : memref<512x64xf32, #tpu.memory_space<vmem>> -> memref<1x64xf32, #tpu.memory_space<vmem>>
      %dma_start3A_277 = arith.constant 0 : i32
      %dma_start3A_278 = tpu.memref_slice %arg4[%squeeze3A_270, %dma_start3A_277] : memref<100000x64xf32, #tpu.memory_space<hbm>> -> memref<1x64xf32, #tpu.memory_space<hbm>>
      %dma_start3A_279 = arith.constant 0 : i32
      %dma_start3A_280 = tpu.memref_slice %arg8[%add3A_274, %dma_start3A_279] : memref<512x64xf32, #tpu.memory_space<vmem>> -> memref<1x64xf32, #tpu.memory_space<vmem>>
      %dma_start3A_281 = arith.constant 0 : i32
      %dma_start3A_282 = tpu.memref_slice %arg4[%squeeze3A_270, %dma_start3A_281] : memref<100000x64xf32, #tpu.memory_space<hbm>> -> memref<1x64xf32, #tpu.memory_space<hbm>>
      tpu.enqueue_dma source(%dma_start3A_282 : memref<1x64xf32, #tpu.memory_space<hbm>>) target(%dma_start3A_280 : memref<1x64xf32, #tpu.memory_space<vmem>>) target_semaphore(%arg12 : memref<!tpu.dma_semaphore, #tpu.memory_space<semaphore_mem>>)
      %slice3A_283 = vector.extract_strided_slice %get3A_228 {offsets = [4], sizes = [1], strides = [1]} : vector<16xi32> to vector<1xi32>
      %squeeze3A_284 = vector.extract %slice3A_283[0] : i32 from vector<1xi32>
      %mul3A_285 = arith.constant 16 : i32
      %mul3A_286 = arith.muli %add3A_224, %mul3A_285 : i32
      %add3A_287 = arith.constant 4 : i32
      %add3A_288 = arith.addi %mul3A_286, %add3A_287 : i32
      %dma_start3A_289 = arith.constant 0 : i32
      %dma_start3A_290 = tpu.memref_slice %arg8[%add3A_288, %dma_start3A_289] : memref<512x64xf32, #tpu.memory_space<vmem>> -> memref<1x64xf32, #tpu.memory_space<vmem>>
      %dma_start3A_291 = arith.constant 0 : i32
      %dma_start3A_292 = tpu.memref_slice %arg4[%squeeze3A_284, %dma_start3A_291] : memref<100000x64xf32, #tpu.memory_space<hbm>> -> memref<1x64xf32, #tpu.memory_space<hbm>>
      %dma_start3A_293 = arith.constant 0 : i32
      %dma_start3A_294 = tpu.memref_slice %arg8[%add3A_288, %dma_start3A_293] : memref<512x64xf32, #tpu.memory_space<vmem>> -> memref<1x64xf32, #tpu.memory_space<vmem>>
      %dma_start3A_295 = arith.constant 0 : i32
      %dma_start3A_296 = tpu.memref_slice %arg4[%squeeze3A_284, %dma_start3A_295] : memref<100000x64xf32, #tpu.memory_space<hbm>> -> memref<1x64xf32, #tpu.memory_space<hbm>>
      tpu.enqueue_dma source(%dma_start3A_296 : memref<1x64xf32, #tpu.memory_space<hbm>>) target(%dma_start3A_294 : memref<1x64xf32, #tpu.memory_space<vmem>>) target_semaphore(%arg12 : memref<!tpu.dma_semaphore, #tpu.memory_space<semaphore_mem>>)
      %slice3A_297 = vector.extract_strided_slice %get3A_228 {offsets = [5], sizes = [1], strides = [1]} : vector<16xi32> to vector<1xi32>
      %squeeze3A_298 = vector.extract %slice3A_297[0] : i32 from vector<1xi32>
      %mul3A_299 = arith.constant 16 : i32
      %mul3A_300 = arith.muli %add3A_224, %mul3A_299 : i32
      %add3A_301 = arith.constant 5 : i32
      %add3A_302 = arith.addi %mul3A_300, %add3A_301 : i32
      %dma_start3A_303 = arith.constant 0 : i32
      %dma_start3A_304 = tpu.memref_slice %arg8[%add3A_302, %dma_start3A_303] : memref<512x64xf32, #tpu.memory_space<vmem>> -> memref<1x64xf32, #tpu.memory_space<vmem>>
      %dma_start3A_305 = arith.constant 0 : i32
      %dma_start3A_306 = tpu.memref_slice %arg4[%squeeze3A_298, %dma_start3A_305] : memref<100000x64xf32, #tpu.memory_space<hbm>> -> memref<1x64xf32, #tpu.memory_space<hbm>>
      %dma_start3A_307 = arith.constant 0 : i32
      %dma_start3A_308 = tpu.memref_slice %arg8[%add3A_302, %dma_start3A_307] : memref<512x64xf32, #tpu.memory_space<vmem>> -> memref<1x64xf32, #tpu.memory_space<vmem>>
      %dma_start3A_309 = arith.constant 0 : i32
      %dma_start3A_310 = tpu.memref_slice %arg4[%squeeze3A_298, %dma_start3A_309] : memref<100000x64xf32, #tpu.memory_space<hbm>> -> memref<1x64xf32, #tpu.memory_space<hbm>>
      tpu.enqueue_dma source(%dma_start3A_310 : memref<1x64xf32, #tpu.memory_space<hbm>>) target(%dma_start3A_308 : memref<1x64xf32, #tpu.memory_space<vmem>>) target_semaphore(%arg12 : memref<!tpu.dma_semaphore, #tpu.memory_space<semaphore_mem>>)
      %slice3A_311 = vector.extract_strided_slice %get3A_228 {offsets = [6], sizes = [1], strides = [1]} : vector<16xi32> to vector<1xi32>
      %squeeze3A_312 = vector.extract %slice3A_311[0] : i32 from vector<1xi32>
      %mul3A_313 = arith.constant 16 : i32
      %mul3A_314 = arith.muli %add3A_224, %mul3A_313 : i32
      %add3A_315 = arith.constant 6 : i32
      %add3A_316 = arith.addi %mul3A_314, %add3A_315 : i32
      %dma_start3A_317 = arith.constant 0 : i32
      %dma_start3A_318 = tpu.memref_slice %arg8[%add3A_316, %dma_start3A_317] : memref<512x64xf32, #tpu.memory_space<vmem>> -> memref<1x64xf32, #tpu.memory_space<vmem>>
      %dma_start3A_319 = arith.constant 0 : i32
      %dma_start3A_320 = tpu.memref_slice %arg4[%squeeze3A_312, %dma_start3A_319] : memref<100000x64xf32, #tpu.memory_space<hbm>> -> memref<1x64xf32, #tpu.memory_space<hbm>>
      %dma_start3A_321 = arith.constant 0 : i32
      %dma_start3A_322 = tpu.memref_slice %arg8[%add3A_316, %dma_start3A_321] : memref<512x64xf32, #tpu.memory_space<vmem>> -> memref<1x64xf32, #tpu.memory_space<vmem>>
      %dma_start3A_323 = arith.constant 0 : i32
      %dma_start3A_324 = tpu.memref_slice %arg4[%squeeze3A_312, %dma_start3A_323] : memref<100000x64xf32, #tpu.memory_space<hbm>> -> memref<1x64xf32, #tpu.memory_space<hbm>>
      tpu.enqueue_dma source(%dma_start3A_324 : memref<1x64xf32, #tpu.memory_space<hbm>>) target(%dma_start3A_322 : memref<1x64xf32, #tpu.memory_space<vmem>>) target_semaphore(%arg12 : memref<!tpu.dma_semaphore, #tpu.memory_space<semaphore_mem>>)
      %slice3A_325 = vector.extract_strided_slice %get3A_228 {offsets = [7], sizes = [1], strides = [1]} : vector<16xi32> to vector<1xi32>
      %squeeze3A_326 = vector.extract %slice3A_325[0] : i32 from vector<1xi32>
      %mul3A_327 = arith.constant 16 : i32
      %mul3A_328 = arith.muli %add3A_224, %mul3A_327 : i32
      %add3A_329 = arith.constant 7 : i32
      %add3A_330 = arith.addi %mul3A_328, %add3A_329 : i32
      %dma_start3A_331 = arith.constant 0 : i32
      %dma_start3A_332 = tpu.memref_slice %arg8[%add3A_330, %dma_start3A_331] : memref<512x64xf32, #tpu.memory_space<vmem>> -> memref<1x64xf32, #tpu.memory_space<vmem>>
      %dma_start3A_333 = arith.constant 0 : i32
      %dma_start3A_334 = tpu.memref_slice %arg4[%squeeze3A_326, %dma_start3A_333] : memref<100000x64xf32, #tpu.memory_space<hbm>> -> memref<1x64xf32, #tpu.memory_space<hbm>>
      %dma_start3A_335 = arith.constant 0 : i32
      %dma_start3A_336 = tpu.memref_slice %arg8[%add3A_330, %dma_start3A_335] : memref<512x64xf32, #tpu.memory_space<vmem>> -> memref<1x64xf32, #tpu.memory_space<vmem>>
      %dma_start3A_337 = arith.constant 0 : i32
      %dma_start3A_338 = tpu.memref_slice %arg4[%squeeze3A_326, %dma_start3A_337] : memref<100000x64xf32, #tpu.memory_space<hbm>> -> memref<1x64xf32, #tpu.memory_space<hbm>>
      tpu.enqueue_dma source(%dma_start3A_338 : memref<1x64xf32, #tpu.memory_space<hbm>>) target(%dma_start3A_336 : memref<1x64xf32, #tpu.memory_space<vmem>>) target_semaphore(%arg12 : memref<!tpu.dma_semaphore, #tpu.memory_space<semaphore_mem>>)
      %slice3A_339 = vector.extract_strided_slice %get3A_228 {offsets = [8], sizes = [1], strides = [1]} : vector<16xi32> to vector<1xi32>
      %squeeze3A_340 = vector.extract %slice3A_339[0] : i32 from vector<1xi32>
      %mul3A_341 = arith.constant 16 : i32
      %mul3A_342 = arith.muli %add3A_224, %mul3A_341 : i32
      %add3A_343 = arith.constant 8 : i32
      %add3A_344 = arith.addi %mul3A_342, %add3A_343 : i32
      %dma_start3A_345 = arith.constant 0 : i32
      %dma_start3A_346 = tpu.memref_slice %arg8[%add3A_344, %dma_start3A_345] : memref<512x64xf32, #tpu.memory_space<vmem>> -> memref<1x64xf32, #tpu.memory_space<vmem>>
      %dma_start3A_347 = arith.constant 0 : i32
      %dma_start3A_348 = tpu.memref_slice %arg4[%squeeze3A_340, %dma_start3A_347] : memref<100000x64xf32, #tpu.memory_space<hbm>> -> memref<1x64xf32, #tpu.memory_space<hbm>>
      %dma_start3A_349 = arith.constant 0 : i32
      %dma_start3A_350 = tpu.memref_slice %arg8[%add3A_344, %dma_start3A_349] : memref<512x64xf32, #tpu.memory_space<vmem>> -> memref<1x64xf32, #tpu.memory_space<vmem>>
      %dma_start3A_351 = arith.constant 0 : i32
      %dma_start3A_352 = tpu.memref_slice %arg4[%squeeze3A_340, %dma_start3A_351] : memref<100000x64xf32, #tpu.memory_space<hbm>> -> memref<1x64xf32, #tpu.memory_space<hbm>>
      tpu.enqueue_dma source(%dma_start3A_352 : memref<1x64xf32, #tpu.memory_space<hbm>>) target(%dma_start3A_350 : memref<1x64xf32, #tpu.memory_space<vmem>>) target_semaphore(%arg12 : memref<!tpu.dma_semaphore, #tpu.memory_space<semaphore_mem>>)
      %slice3A_353 = vector.extract_strided_slice %get3A_228 {offsets = [9], sizes = [1], strides = [1]} : vector<16xi32> to vector<1xi32>
      %squeeze3A_354 = vector.extract %slice3A_353[0] : i32 from vector<1xi32>
      %mul3A_355 = arith.constant 16 : i32
      %mul3A_356 = arith.muli %add3A_224, %mul3A_355 : i32
      %add3A_357 = arith.constant 9 : i32
      %add3A_358 = arith.addi %mul3A_356, %add3A_357 : i32
      %dma_start3A_359 = arith.constant 0 : i32
      %dma_start3A_360 = tpu.memref_slice %arg8[%add3A_358, %dma_start3A_359] : memref<512x64xf32, #tpu.memory_space<vmem>> -> memref<1x64xf32, #tpu.memory_space<vmem>>
      %dma_start3A_361 = arith.constant 0 : i32
      %dma_start3A_362 = tpu.memref_slice %arg4[%squeeze3A_354, %dma_start3A_361] : memref<100000x64xf32, #tpu.memory_space<hbm>> -> memref<1x64xf32, #tpu.memory_space<hbm>>
      %dma_start3A_363 = arith.constant 0 : i32
      %dma_start3A_364 = tpu.memref_slice %arg8[%add3A_358, %dma_start3A_363] : memref<512x64xf32, #tpu.memory_space<vmem>> -> memref<1x64xf32, #tpu.memory_space<vmem>>
      %dma_start3A_365 = arith.constant 0 : i32
      %dma_start3A_366 = tpu.memref_slice %arg4[%squeeze3A_354, %dma_start3A_365] : memref<100000x64xf32, #tpu.memory_space<hbm>> -> memref<1x64xf32, #tpu.memory_space<hbm>>
      tpu.enqueue_dma source(%dma_start3A_366 : memref<1x64xf32, #tpu.memory_space<hbm>>) target(%dma_start3A_364 : memref<1x64xf32, #tpu.memory_space<vmem>>) target_semaphore(%arg12 : memref<!tpu.dma_semaphore, #tpu.memory_space<semaphore_mem>>)
      %slice3A_367 = vector.extract_strided_slice %get3A_228 {offsets = [10], sizes = [1], strides = [1]} : vector<16xi32> to vector<1xi32>
      %squeeze3A_368 = vector.extract %slice3A_367[0] : i32 from vector<1xi32>
      %mul3A_369 = arith.constant 16 : i32
      %mul3A_370 = arith.muli %add3A_224, %mul3A_369 : i32
      %add3A_371 = arith.constant 10 : i32
      %add3A_372 = arith.addi %mul3A_370, %add3A_371 : i32
      %dma_start3A_373 = arith.constant 0 : i32
      %dma_start3A_374 = tpu.memref_slice %arg8[%add3A_372, %dma_start3A_373] : memref<512x64xf32, #tpu.memory_space<vmem>> -> memref<1x64xf32, #tpu.memory_space<vmem>>
      %dma_start3A_375 = arith.constant 0 : i32
      %dma_start3A_376 = tpu.memref_slice %arg4[%squeeze3A_368, %dma_start3A_375] : memref<100000x64xf32, #tpu.memory_space<hbm>> -> memref<1x64xf32, #tpu.memory_space<hbm>>
      %dma_start3A_377 = arith.constant 0 : i32
      %dma_start3A_378 = tpu.memref_slice %arg8[%add3A_372, %dma_start3A_377] : memref<512x64xf32, #tpu.memory_space<vmem>> -> memref<1x64xf32, #tpu.memory_space<vmem>>
      %dma_start3A_379 = arith.constant 0 : i32
      %dma_start3A_380 = tpu.memref_slice %arg4[%squeeze3A_368, %dma_start3A_379] : memref<100000x64xf32, #tpu.memory_space<hbm>> -> memref<1x64xf32, #tpu.memory_space<hbm>>
      tpu.enqueue_dma source(%dma_start3A_380 : memref<1x64xf32, #tpu.memory_space<hbm>>) target(%dma_start3A_378 : memref<1x64xf32, #tpu.memory_space<vmem>>) target_semaphore(%arg12 : memref<!tpu.dma_semaphore, #tpu.memory_space<semaphore_mem>>)
      %slice3A_381 = vector.extract_strided_slice %get3A_228 {offsets = [11], sizes = [1], strides = [1]} : vector<16xi32> to vector<1xi32>
      %squeeze3A_382 = vector.extract %slice3A_381[0] : i32 from vector<1xi32>
      %mul3A_383 = arith.constant 16 : i32
      %mul3A_384 = arith.muli %add3A_224, %mul3A_383 : i32
      %add3A_385 = arith.constant 11 : i32
      %add3A_386 = arith.addi %mul3A_384, %add3A_385 : i32
      %dma_start3A_387 = arith.constant 0 : i32
      %dma_start3A_388 = tpu.memref_slice %arg8[%add3A_386, %dma_start3A_387] : memref<512x64xf32, #tpu.memory_space<vmem>> -> memref<1x64xf32, #tpu.memory_space<vmem>>
      %dma_start3A_389 = arith.constant 0 : i32
      %dma_start3A_390 = tpu.memref_slice %arg4[%squeeze3A_382, %dma_start3A_389] : memref<100000x64xf32, #tpu.memory_space<hbm>> -> memref<1x64xf32, #tpu.memory_space<hbm>>
      %dma_start3A_391 = arith.constant 0 : i32
      %dma_start3A_392 = tpu.memref_slice %arg8[%add3A_386, %dma_start3A_391] : memref<512x64xf32, #tpu.memory_space<vmem>> -> memref<1x64xf32, #tpu.memory_space<vmem>>
      %dma_start3A_393 = arith.constant 0 : i32
      %dma_start3A_394 = tpu.memref_slice %arg4[%squeeze3A_382, %dma_start3A_393] : memref<100000x64xf32, #tpu.memory_space<hbm>> -> memref<1x64xf32, #tpu.memory_space<hbm>>
      tpu.enqueue_dma source(%dma_start3A_394 : memref<1x64xf32, #tpu.memory_space<hbm>>) target(%dma_start3A_392 : memref<1x64xf32, #tpu.memory_space<vmem>>) target_semaphore(%arg12 : memref<!tpu.dma_semaphore, #tpu.memory_space<semaphore_mem>>)
      %slice3A_395 = vector.extract_strided_slice %get3A_228 {offsets = [12], sizes = [1], strides = [1]} : vector<16xi32> to vector<1xi32>
      %squeeze3A_396 = vector.extract %slice3A_395[0] : i32 from vector<1xi32>
      %mul3A_397 = arith.constant 16 : i32
      %mul3A_398 = arith.muli %add3A_224, %mul3A_397 : i32
      %add3A_399 = arith.constant 12 : i32
      %add3A_400 = arith.addi %mul3A_398, %add3A_399 : i32
      %dma_start3A_401 = arith.constant 0 : i32
      %dma_start3A_402 = tpu.memref_slice %arg8[%add3A_400, %dma_start3A_401] : memref<512x64xf32, #tpu.memory_space<vmem>> -> memref<1x64xf32, #tpu.memory_space<vmem>>
      %dma_start3A_403 = arith.constant 0 : i32
      %dma_start3A_404 = tpu.memref_slice %arg4[%squeeze3A_396, %dma_start3A_403] : memref<100000x64xf32, #tpu.memory_space<hbm>> -> memref<1x64xf32, #tpu.memory_space<hbm>>
      %dma_start3A_405 = arith.constant 0 : i32
      %dma_start3A_406 = tpu.memref_slice %arg8[%add3A_400, %dma_start3A_405] : memref<512x64xf32, #tpu.memory_space<vmem>> -> memref<1x64xf32, #tpu.memory_space<vmem>>
      %dma_start3A_407 = arith.constant 0 : i32
      %dma_start3A_408 = tpu.memref_slice %arg4[%squeeze3A_396, %dma_start3A_407] : memref<100000x64xf32, #tpu.memory_space<hbm>> -> memref<1x64xf32, #tpu.memory_space<hbm>>
      tpu.enqueue_dma source(%dma_start3A_408 : memref<1x64xf32, #tpu.memory_space<hbm>>) target(%dma_start3A_406 : memref<1x64xf32, #tpu.memory_space<vmem>>) target_semaphore(%arg12 : memref<!tpu.dma_semaphore, #tpu.memory_space<semaphore_mem>>)
      %slice3A_409 = vector.extract_strided_slice %get3A_228 {offsets = [13], sizes = [1], strides = [1]} : vector<16xi32> to vector<1xi32>
      %squeeze3A_410 = vector.extract %slice3A_409[0] : i32 from vector<1xi32>
      %mul3A_411 = arith.constant 16 : i32
      %mul3A_412 = arith.muli %add3A_224, %mul3A_411 : i32
      %add3A_413 = arith.constant 13 : i32
      %add3A_414 = arith.addi %mul3A_412, %add3A_413 : i32
      %dma_start3A_415 = arith.constant 0 : i32
      %dma_start3A_416 = tpu.memref_slice %arg8[%add3A_414, %dma_start3A_415] : memref<512x64xf32, #tpu.memory_space<vmem>> -> memref<1x64xf32, #tpu.memory_space<vmem>>
      %dma_start3A_417 = arith.constant 0 : i32
      %dma_start3A_418 = tpu.memref_slice %arg4[%squeeze3A_410, %dma_start3A_417] : memref<100000x64xf32, #tpu.memory_space<hbm>> -> memref<1x64xf32, #tpu.memory_space<hbm>>
      %dma_start3A_419 = arith.constant 0 : i32
      %dma_start3A_420 = tpu.memref_slice %arg8[%add3A_414, %dma_start3A_419] : memref<512x64xf32, #tpu.memory_space<vmem>> -> memref<1x64xf32, #tpu.memory_space<vmem>>
      %dma_start3A_421 = arith.constant 0 : i32
      %dma_start3A_422 = tpu.memref_slice %arg4[%squeeze3A_410, %dma_start3A_421] : memref<100000x64xf32, #tpu.memory_space<hbm>> -> memref<1x64xf32, #tpu.memory_space<hbm>>
      tpu.enqueue_dma source(%dma_start3A_422 : memref<1x64xf32, #tpu.memory_space<hbm>>) target(%dma_start3A_420 : memref<1x64xf32, #tpu.memory_space<vmem>>) target_semaphore(%arg12 : memref<!tpu.dma_semaphore, #tpu.memory_space<semaphore_mem>>)
      %slice3A_423 = vector.extract_strided_slice %get3A_228 {offsets = [14], sizes = [1], strides = [1]} : vector<16xi32> to vector<1xi32>
      %squeeze3A_424 = vector.extract %slice3A_423[0] : i32 from vector<1xi32>
      %mul3A_425 = arith.constant 16 : i32
      %mul3A_426 = arith.muli %add3A_224, %mul3A_425 : i32
      %add3A_427 = arith.constant 14 : i32
      %add3A_428 = arith.addi %mul3A_426, %add3A_427 : i32
      %dma_start3A_429 = arith.constant 0 : i32
      %dma_start3A_430 = tpu.memref_slice %arg8[%add3A_428, %dma_start3A_429] : memref<512x64xf32, #tpu.memory_space<vmem>> -> memref<1x64xf32, #tpu.memory_space<vmem>>
      %dma_start3A_431 = arith.constant 0 : i32
      %dma_start3A_432 = tpu.memref_slice %arg4[%squeeze3A_424, %dma_start3A_431] : memref<100000x64xf32, #tpu.memory_space<hbm>> -> memref<1x64xf32, #tpu.memory_space<hbm>>
      %dma_start3A_433 = arith.constant 0 : i32
      %dma_start3A_434 = tpu.memref_slice %arg8[%add3A_428, %dma_start3A_433] : memref<512x64xf32, #tpu.memory_space<vmem>> -> memref<1x64xf32, #tpu.memory_space<vmem>>
      %dma_start3A_435 = arith.constant 0 : i32
      %dma_start3A_436 = tpu.memref_slice %arg4[%squeeze3A_424, %dma_start3A_435] : memref<100000x64xf32, #tpu.memory_space<hbm>> -> memref<1x64xf32, #tpu.memory_space<hbm>>
      tpu.enqueue_dma source(%dma_start3A_436 : memref<1x64xf32, #tpu.memory_space<hbm>>) target(%dma_start3A_434 : memref<1x64xf32, #tpu.memory_space<vmem>>) target_semaphore(%arg12 : memref<!tpu.dma_semaphore, #tpu.memory_space<semaphore_mem>>)
      %slice3A_437 = vector.extract_strided_slice %get3A_228 {offsets = [15], sizes = [1], strides = [1]} : vector<16xi32> to vector<1xi32>
      %squeeze3A_438 = vector.extract %slice3A_437[0] : i32 from vector<1xi32>
      %mul3A_439 = arith.constant 16 : i32
      %mul3A_440 = arith.muli %add3A_224, %mul3A_439 : i32
      %add3A_441 = arith.constant 15 : i32
      %add3A_442 = arith.addi %mul3A_440, %add3A_441 : i32
      %dma_start3A_443 = arith.constant 0 : i32
      %dma_start3A_444 = tpu.memref_slice %arg8[%add3A_442, %dma_start3A_443] : memref<512x64xf32, #tpu.memory_space<vmem>> -> memref<1x64xf32, #tpu.memory_space<vmem>>
      %dma_start3A_445 = arith.constant 0 : i32
      %dma_start3A_446 = tpu.memref_slice %arg4[%squeeze3A_438, %dma_start3A_445] : memref<100000x64xf32, #tpu.memory_space<hbm>> -> memref<1x64xf32, #tpu.memory_space<hbm>>
      %dma_start3A_447 = arith.constant 0 : i32
      %dma_start3A_448 = tpu.memref_slice %arg8[%add3A_442, %dma_start3A_447] : memref<512x64xf32, #tpu.memory_space<vmem>> -> memref<1x64xf32, #tpu.memory_space<vmem>>
      %dma_start3A_449 = arith.constant 0 : i32
      %dma_start3A_450 = tpu.memref_slice %arg4[%squeeze3A_438, %dma_start3A_449] : memref<100000x64xf32, #tpu.memory_space<hbm>> -> memref<1x64xf32, #tpu.memory_space<hbm>>
      tpu.enqueue_dma source(%dma_start3A_450 : memref<1x64xf32, #tpu.memory_space<hbm>>) target(%dma_start3A_448 : memref<1x64xf32, #tpu.memory_space<vmem>>) target_semaphore(%arg12 : memref<!tpu.dma_semaphore, #tpu.memory_space<semaphore_mem>>)
    }
    %scan3A_36 = arith.constant 8 : i32
    %scan3A_37 = arith.constant 0 : i32
    %scan3A_38 = arith.constant 0 : i32
    %scan3A_39 = arith.constant 8 : i32
    %scan3A_40 = arith.addi %scan3A_38, %scan3A_39 : i32
    %scan3A_41 = arith.constant 1 : i32
    scf.for %scan3A_222 = %scan3A_38 to %scan3A_40 step %scan3A_41  : i32 {
      %add3A_223 = arith.constant 8 : i32
      %add3A_224 = arith.addi %add3A_223, %scan3A_222 : i32
      %mul3A_225 = arith.constant 16 : i32
      %mul3A_226 = arith.muli %add3A_224, %mul3A_225 : i32
      %get3A = arith.index_cast %mul3A_226 : i32 to index
      %get3A_227 = tpu.vector_load %arg6[%get3A] {strides = array<i32>} : memref<512xi32, #tpu.memory_space<vmem>>, vector<16xi32>,
      %get3A_228 = vector.shape_cast %get3A_227 : vector<16xi32> to vector<16xi32>
      %slice3A = vector.extract_strided_slice %get3A_228 {offsets = [0], sizes = [1], strides = [1]} : vector<16xi32> to vector<1xi32>
      %squeeze3A = vector.extract %slice3A[0] : i32 from vector<1xi32>
      %mul3A_229 = arith.constant 16 : i32
      %mul3A_230 = arith.muli %add3A_224, %mul3A_229 : i32
      %add3A_231 = arith.constant 0 : i32
      %add3A_232 = arith.addi %mul3A_230, %add3A_231 : i32
      %dma_start3A_233 = arith.constant 0 : i32
      %dma_start3A_234 = tpu.memref_slice %arg8[%add3A_232, %dma_start3A_233] : memref<512x64xf32, #tpu.memory_space<vmem>> -> memref<1x64xf32, #tpu.memory_space<vmem>>
      %dma_start3A_235 = arith.constant 0 : i32
      %dma_start3A_236 = tpu.memref_slice %arg4[%squeeze3A, %dma_start3A_235] : memref<100000x64xf32, #tpu.memory_space<hbm>> -> memref<1x64xf32, #tpu.memory_space<hbm>>
      %dma_start3A_237 = arith.constant 0 : i32
      %dma_start3A_238 = tpu.memref_slice %arg8[%add3A_232, %dma_start3A_237] : memref<512x64xf32, #tpu.memory_space<vmem>> -> memref<1x64xf32, #tpu.memory_space<vmem>>
      %dma_start3A_239 = arith.constant 0 : i32
      %dma_start3A_240 = tpu.memref_slice %arg4[%squeeze3A, %dma_start3A_239] : memref<100000x64xf32, #tpu.memory_space<hbm>> -> memref<1x64xf32, #tpu.memory_space<hbm>>
      tpu.enqueue_dma source(%dma_start3A_240 : memref<1x64xf32, #tpu.memory_space<hbm>>) target(%dma_start3A_238 : memref<1x64xf32, #tpu.memory_space<vmem>>) target_semaphore(%arg13 : memref<!tpu.dma_semaphore, #tpu.memory_space<semaphore_mem>>)
      %slice3A_241 = vector.extract_strided_slice %get3A_228 {offsets = [1], sizes = [1], strides = [1]} : vector<16xi32> to vector<1xi32>
      %squeeze3A_242 = vector.extract %slice3A_241[0] : i32 from vector<1xi32>
      %mul3A_243 = arith.constant 16 : i32
      %mul3A_244 = arith.muli %add3A_224, %mul3A_243 : i32
      %add3A_245 = arith.constant 1 : i32
      %add3A_246 = arith.addi %mul3A_244, %add3A_245 : i32
      %dma_start3A_247 = arith.constant 0 : i32
      %dma_start3A_248 = tpu.memref_slice %arg8[%add3A_246, %dma_start3A_247] : memref<512x64xf32, #tpu.memory_space<vmem>> -> memref<1x64xf32, #tpu.memory_space<vmem>>
      %dma_start3A_249 = arith.constant 0 : i32
      %dma_start3A_250 = tpu.memref_slice %arg4[%squeeze3A_242, %dma_start3A_249] : memref<100000x64xf32, #tpu.memory_space<hbm>> -> memref<1x64xf32, #tpu.memory_space<hbm>>
      %dma_start3A_251 = arith.constant 0 : i32
      %dma_start3A_252 = tpu.memref_slice %arg8[%add3A_246, %dma_start3A_251] : memref<512x64xf32, #tpu.memory_space<vmem>> -> memref<1x64xf32, #tpu.memory_space<vmem>>
      %dma_start3A_253 = arith.constant 0 : i32
      %dma_start3A_254 = tpu.memref_slice %arg4[%squeeze3A_242, %dma_start3A_253] : memref<100000x64xf32, #tpu.memory_space<hbm>> -> memref<1x64xf32, #tpu.memory_space<hbm>>
      tpu.enqueue_dma source(%dma_start3A_254 : memref<1x64xf32, #tpu.memory_space<hbm>>) target(%dma_start3A_252 : memref<1x64xf32, #tpu.memory_space<vmem>>) target_semaphore(%arg13 : memref<!tpu.dma_semaphore, #tpu.memory_space<semaphore_mem>>)
      %slice3A_255 = vector.extract_strided_slice %get3A_228 {offsets = [2], sizes = [1], strides = [1]} : vector<16xi32> to vector<1xi32>
      %squeeze3A_256 = vector.extract %slice3A_255[0] : i32 from vector<1xi32>
      %mul3A_257 = arith.constant 16 : i32
      %mul3A_258 = arith.muli %add3A_224, %mul3A_257 : i32
      %add3A_259 = arith.constant 2 : i32
      %add3A_260 = arith.addi %mul3A_258, %add3A_259 : i32
      %dma_start3A_261 = arith.constant 0 : i32
      %dma_start3A_262 = tpu.memref_slice %arg8[%add3A_260, %dma_start3A_261] : memref<512x64xf32, #tpu.memory_space<vmem>> -> memref<1x64xf32, #tpu.memory_space<vmem>>
      %dma_start3A_263 = arith.constant 0 : i32
      %dma_start3A_264 = tpu.memref_slice %arg4[%squeeze3A_256, %dma_start3A_263] : memref<100000x64xf32, #tpu.memory_space<hbm>> -> memref<1x64xf32, #tpu.memory_space<hbm>>
      %dma_start3A_265 = arith.constant 0 : i32
      %dma_start3A_266 = tpu.memref_slice %arg8[%add3A_260, %dma_start3A_265] : memref<512x64xf32, #tpu.memory_space<vmem>> -> memref<1x64xf32, #tpu.memory_space<vmem>>
      %dma_start3A_267 = arith.constant 0 : i32
      %dma_start3A_268 = tpu.memref_slice %arg4[%squeeze3A_256, %dma_start3A_267] : memref<100000x64xf32, #tpu.memory_space<hbm>> -> memref<1x64xf32, #tpu.memory_space<hbm>>
      tpu.enqueue_dma source(%dma_start3A_268 : memref<1x64xf32, #tpu.memory_space<hbm>>) target(%dma_start3A_266 : memref<1x64xf32, #tpu.memory_space<vmem>>) target_semaphore(%arg13 : memref<!tpu.dma_semaphore, #tpu.memory_space<semaphore_mem>>)
      %slice3A_269 = vector.extract_strided_slice %get3A_228 {offsets = [3], sizes = [1], strides = [1]} : vector<16xi32> to vector<1xi32>
      %squeeze3A_270 = vector.extract %slice3A_269[0] : i32 from vector<1xi32>
      %mul3A_271 = arith.constant 16 : i32
      %mul3A_272 = arith.muli %add3A_224, %mul3A_271 : i32
      %add3A_273 = arith.constant 3 : i32
      %add3A_274 = arith.addi %mul3A_272, %add3A_273 : i32
      %dma_start3A_275 = arith.constant 0 : i32
      %dma_start3A_276 = tpu.memref_slice %arg8[%add3A_274, %dma_start3A_275] : memref<512x64xf32, #tpu.memory_space<vmem>> -> memref<1x64xf32, #tpu.memory_space<vmem>>
      %dma_start3A_277 = arith.constant 0 : i32
      %dma_start3A_278 = tpu.memref_slice %arg4[%squeeze3A_270, %dma_start3A_277] : memref<100000x64xf32, #tpu.memory_space<hbm>> -> memref<1x64xf32, #tpu.memory_space<hbm>>
      %dma_start3A_279 = arith.constant 0 : i32
      %dma_start3A_280 = tpu.memref_slice %arg8[%add3A_274, %dma_start3A_279] : memref<512x64xf32, #tpu.memory_space<vmem>> -> memref<1x64xf32, #tpu.memory_space<vmem>>
      %dma_start3A_281 = arith.constant 0 : i32
      %dma_start3A_282 = tpu.memref_slice %arg4[%squeeze3A_270, %dma_start3A_281] : memref<100000x64xf32, #tpu.memory_space<hbm>> -> memref<1x64xf32, #tpu.memory_space<hbm>>
      tpu.enqueue_dma source(%dma_start3A_282 : memref<1x64xf32, #tpu.memory_space<hbm>>) target(%dma_start3A_280 : memref<1x64xf32, #tpu.memory_space<vmem>>) target_semaphore(%arg13 : memref<!tpu.dma_semaphore, #tpu.memory_space<semaphore_mem>>)
      %slice3A_283 = vector.extract_strided_slice %get3A_228 {offsets = [4], sizes = [1], strides = [1]} : vector<16xi32> to vector<1xi32>
      %squeeze3A_284 = vector.extract %slice3A_283[0] : i32 from vector<1xi32>
      %mul3A_285 = arith.constant 16 : i32
      %mul3A_286 = arith.muli %add3A_224, %mul3A_285 : i32
      %add3A_287 = arith.constant 4 : i32
      %add3A_288 = arith.addi %mul3A_286, %add3A_287 : i32
      %dma_start3A_289 = arith.constant 0 : i32
      %dma_start3A_290 = tpu.memref_slice %arg8[%add3A_288, %dma_start3A_289] : memref<512x64xf32, #tpu.memory_space<vmem>> -> memref<1x64xf32, #tpu.memory_space<vmem>>
      %dma_start3A_291 = arith.constant 0 : i32
      %dma_start3A_292 = tpu.memref_slice %arg4[%squeeze3A_284, %dma_start3A_291] : memref<100000x64xf32, #tpu.memory_space<hbm>> -> memref<1x64xf32, #tpu.memory_space<hbm>>
      %dma_start3A_293 = arith.constant 0 : i32
      %dma_start3A_294 = tpu.memref_slice %arg8[%add3A_288, %dma_start3A_293] : memref<512x64xf32, #tpu.memory_space<vmem>> -> memref<1x64xf32, #tpu.memory_space<vmem>>
      %dma_start3A_295 = arith.constant 0 : i32
      %dma_start3A_296 = tpu.memref_slice %arg4[%squeeze3A_284, %dma_start3A_295] : memref<100000x64xf32, #tpu.memory_space<hbm>> -> memref<1x64xf32, #tpu.memory_space<hbm>>
      tpu.enqueue_dma source(%dma_start3A_296 : memref<1x64xf32, #tpu.memory_space<hbm>>) target(%dma_start3A_294 : memref<1x64xf32, #tpu.memory_space<vmem>>) target_semaphore(%arg13 : memref<!tpu.dma_semaphore, #tpu.memory_space<semaphore_mem>>)
      %slice3A_297 = vector.extract_strided_slice %get3A_228 {offsets = [5], sizes = [1], strides = [1]} : vector<16xi32> to vector<1xi32>
      %squeeze3A_298 = vector.extract %slice3A_297[0] : i32 from vector<1xi32>
      %mul3A_299 = arith.constant 16 : i32
      %mul3A_300 = arith.muli %add3A_224, %mul3A_299 : i32
      %add3A_301 = arith.constant 5 : i32
      %add3A_302 = arith.addi %mul3A_300, %add3A_301 : i32
      %dma_start3A_303 = arith.constant 0 : i32
      %dma_start3A_304 = tpu.memref_slice %arg8[%add3A_302, %dma_start3A_303] : memref<512x64xf32, #tpu.memory_space<vmem>> -> memref<1x64xf32, #tpu.memory_space<vmem>>
      %dma_start3A_305 = arith.constant 0 : i32
      %dma_start3A_306 = tpu.memref_slice %arg4[%squeeze3A_298, %dma_start3A_305] : memref<100000x64xf32, #tpu.memory_space<hbm>> -> memref<1x64xf32, #tpu.memory_space<hbm>>
      %dma_start3A_307 = arith.constant 0 : i32
      %dma_start3A_308 = tpu.memref_slice %arg8[%add3A_302, %dma_start3A_307] : memref<512x64xf32, #tpu.memory_space<vmem>> -> memref<1x64xf32, #tpu.memory_space<vmem>>
      %dma_start3A_309 = arith.constant 0 : i32
      %dma_start3A_310 = tpu.memref_slice %arg4[%squeeze3A_298, %dma_start3A_309] : memref<100000x64xf32, #tpu.memory_space<hbm>> -> memref<1x64xf32, #tpu.memory_space<hbm>>
      tpu.enqueue_dma source(%dma_start3A_310 : memref<1x64xf32, #tpu.memory_space<hbm>>) target(%dma_start3A_308 : memref<1x64xf32, #tpu.memory_space<vmem>>) target_semaphore(%arg13 : memref<!tpu.dma_semaphore, #tpu.memory_space<semaphore_mem>>)
      %slice3A_311 = vector.extract_strided_slice %get3A_228 {offsets = [6], sizes = [1], strides = [1]} : vector<16xi32> to vector<1xi32>
      %squeeze3A_312 = vector.extract %slice3A_311[0] : i32 from vector<1xi32>
      %mul3A_313 = arith.constant 16 : i32
      %mul3A_314 = arith.muli %add3A_224, %mul3A_313 : i32
      %add3A_315 = arith.constant 6 : i32
      %add3A_316 = arith.addi %mul3A_314, %add3A_315 : i32
      %dma_start3A_317 = arith.constant 0 : i32
      %dma_start3A_318 = tpu.memref_slice %arg8[%add3A_316, %dma_start3A_317] : memref<512x64xf32, #tpu.memory_space<vmem>> -> memref<1x64xf32, #tpu.memory_space<vmem>>
      %dma_start3A_319 = arith.constant 0 : i32
      %dma_start3A_320 = tpu.memref_slice %arg4[%squeeze3A_312, %dma_start3A_319] : memref<100000x64xf32, #tpu.memory_space<hbm>> -> memref<1x64xf32, #tpu.memory_space<hbm>>
      %dma_start3A_321 = arith.constant 0 : i32
      %dma_start3A_322 = tpu.memref_slice %arg8[%add3A_316, %dma_start3A_321] : memref<512x64xf32, #tpu.memory_space<vmem>> -> memref<1x64xf32, #tpu.memory_space<vmem>>
      %dma_start3A_323 = arith.constant 0 : i32
      %dma_start3A_324 = tpu.memref_slice %arg4[%squeeze3A_312, %dma_start3A_323] : memref<100000x64xf32, #tpu.memory_space<hbm>> -> memref<1x64xf32, #tpu.memory_space<hbm>>
      tpu.enqueue_dma source(%dma_start3A_324 : memref<1x64xf32, #tpu.memory_space<hbm>>) target(%dma_start3A_322 : memref<1x64xf32, #tpu.memory_space<vmem>>) target_semaphore(%arg13 : memref<!tpu.dma_semaphore, #tpu.memory_space<semaphore_mem>>)
      %slice3A_325 = vector.extract_strided_slice %get3A_228 {offsets = [7], sizes = [1], strides = [1]} : vector<16xi32> to vector<1xi32>
      %squeeze3A_326 = vector.extract %slice3A_325[0] : i32 from vector<1xi32>
      %mul3A_327 = arith.constant 16 : i32
      %mul3A_328 = arith.muli %add3A_224, %mul3A_327 : i32
      %add3A_329 = arith.constant 7 : i32
      %add3A_330 = arith.addi %mul3A_328, %add3A_329 : i32
      %dma_start3A_331 = arith.constant 0 : i32
      %dma_start3A_332 = tpu.memref_slice %arg8[%add3A_330, %dma_start3A_331] : memref<512x64xf32, #tpu.memory_space<vmem>> -> memref<1x64xf32, #tpu.memory_space<vmem>>
      %dma_start3A_333 = arith.constant 0 : i32
      %dma_start3A_334 = tpu.memref_slice %arg4[%squeeze3A_326, %dma_start3A_333] : memref<100000x64xf32, #tpu.memory_space<hbm>> -> memref<1x64xf32, #tpu.memory_space<hbm>>
      %dma_start3A_335 = arith.constant 0 : i32
      %dma_start3A_336 = tpu.memref_slice %arg8[%add3A_330, %dma_start3A_335] : memref<512x64xf32, #tpu.memory_space<vmem>> -> memref<1x64xf32, #tpu.memory_space<vmem>>
      %dma_start3A_337 = arith.constant 0 : i32
      %dma_start3A_338 = tpu.memref_slice %arg4[%squeeze3A_326, %dma_start3A_337] : memref<100000x64xf32, #tpu.memory_space<hbm>> -> memref<1x64xf32, #tpu.memory_space<hbm>>
      tpu.enqueue_dma source(%dma_start3A_338 : memref<1x64xf32, #tpu.memory_space<hbm>>) target(%dma_start3A_336 : memref<1x64xf32, #tpu.memory_space<vmem>>) target_semaphore(%arg13 : memref<!tpu.dma_semaphore, #tpu.memory_space<semaphore_mem>>)
      %slice3A_339 = vector.extract_strided_slice %get3A_228 {offsets = [8], sizes = [1], strides = [1]} : vector<16xi32> to vector<1xi32>
      %squeeze3A_340 = vector.extract %slice3A_339[0] : i32 from vector<1xi32>
      %mul3A_341 = arith.constant 16 : i32
      %mul3A_342 = arith.muli %add3A_224, %mul3A_341 : i32
      %add3A_343 = arith.constant 8 : i32
      %add3A_344 = arith.addi %mul3A_342, %add3A_343 : i32
      %dma_start3A_345 = arith.constant 0 : i32
      %dma_start3A_346 = tpu.memref_slice %arg8[%add3A_344, %dma_start3A_345] : memref<512x64xf32, #tpu.memory_space<vmem>> -> memref<1x64xf32, #tpu.memory_space<vmem>>
      %dma_start3A_347 = arith.constant 0 : i32
      %dma_start3A_348 = tpu.memref_slice %arg4[%squeeze3A_340, %dma_start3A_347] : memref<100000x64xf32, #tpu.memory_space<hbm>> -> memref<1x64xf32, #tpu.memory_space<hbm>>
      %dma_start3A_349 = arith.constant 0 : i32
      %dma_start3A_350 = tpu.memref_slice %arg8[%add3A_344, %dma_start3A_349] : memref<512x64xf32, #tpu.memory_space<vmem>> -> memref<1x64xf32, #tpu.memory_space<vmem>>
      %dma_start3A_351 = arith.constant 0 : i32
      %dma_start3A_352 = tpu.memref_slice %arg4[%squeeze3A_340, %dma_start3A_351] : memref<100000x64xf32, #tpu.memory_space<hbm>> -> memref<1x64xf32, #tpu.memory_space<hbm>>
      tpu.enqueue_dma source(%dma_start3A_352 : memref<1x64xf32, #tpu.memory_space<hbm>>) target(%dma_start3A_350 : memref<1x64xf32, #tpu.memory_space<vmem>>) target_semaphore(%arg13 : memref<!tpu.dma_semaphore, #tpu.memory_space<semaphore_mem>>)
      %slice3A_353 = vector.extract_strided_slice %get3A_228 {offsets = [9], sizes = [1], strides = [1]} : vector<16xi32> to vector<1xi32>
      %squeeze3A_354 = vector.extract %slice3A_353[0] : i32 from vector<1xi32>
      %mul3A_355 = arith.constant 16 : i32
      %mul3A_356 = arith.muli %add3A_224, %mul3A_355 : i32
      %add3A_357 = arith.constant 9 : i32
      %add3A_358 = arith.addi %mul3A_356, %add3A_357 : i32
      %dma_start3A_359 = arith.constant 0 : i32
      %dma_start3A_360 = tpu.memref_slice %arg8[%add3A_358, %dma_start3A_359] : memref<512x64xf32, #tpu.memory_space<vmem>> -> memref<1x64xf32, #tpu.memory_space<vmem>>
      %dma_start3A_361 = arith.constant 0 : i32
      %dma_start3A_362 = tpu.memref_slice %arg4[%squeeze3A_354, %dma_start3A_361] : memref<100000x64xf32, #tpu.memory_space<hbm>> -> memref<1x64xf32, #tpu.memory_space<hbm>>
      %dma_start3A_363 = arith.constant 0 : i32
      %dma_start3A_364 = tpu.memref_slice %arg8[%add3A_358, %dma_start3A_363] : memref<512x64xf32, #tpu.memory_space<vmem>> -> memref<1x64xf32, #tpu.memory_space<vmem>>
      %dma_start3A_365 = arith.constant 0 : i32
      %dma_start3A_366 = tpu.memref_slice %arg4[%squeeze3A_354, %dma_start3A_365] : memref<100000x64xf32, #tpu.memory_space<hbm>> -> memref<1x64xf32, #tpu.memory_space<hbm>>
      tpu.enqueue_dma source(%dma_start3A_366 : memref<1x64xf32, #tpu.memory_space<hbm>>) target(%dma_start3A_364 : memref<1x64xf32, #tpu.memory_space<vmem>>) target_semaphore(%arg13 : memref<!tpu.dma_semaphore, #tpu.memory_space<semaphore_mem>>)
      %slice3A_367 = vector.extract_strided_slice %get3A_228 {offsets = [10], sizes = [1], strides = [1]} : vector<16xi32> to vector<1xi32>
      %squeeze3A_368 = vector.extract %slice3A_367[0] : i32 from vector<1xi32>
      %mul3A_369 = arith.constant 16 : i32
      %mul3A_370 = arith.muli %add3A_224, %mul3A_369 : i32
      %add3A_371 = arith.constant 10 : i32
      %add3A_372 = arith.addi %mul3A_370, %add3A_371 : i32
      %dma_start3A_373 = arith.constant 0 : i32
      %dma_start3A_374 = tpu.memref_slice %arg8[%add3A_372, %dma_start3A_373] : memref<512x64xf32, #tpu.memory_space<vmem>> -> memref<1x64xf32, #tpu.memory_space<vmem>>
      %dma_start3A_375 = arith.constant 0 : i32
      %dma_start3A_376 = tpu.memref_slice %arg4[%squeeze3A_368, %dma_start3A_375] : memref<100000x64xf32, #tpu.memory_space<hbm>> -> memref<1x64xf32, #tpu.memory_space<hbm>>
      %dma_start3A_377 = arith.constant 0 : i32
      %dma_start3A_378 = tpu.memref_slice %arg8[%add3A_372, %dma_start3A_377] : memref<512x64xf32, #tpu.memory_space<vmem>> -> memref<1x64xf32, #tpu.memory_space<vmem>>
      %dma_start3A_379 = arith.constant 0 : i32
      %dma_start3A_380 = tpu.memref_slice %arg4[%squeeze3A_368, %dma_start3A_379] : memref<100000x64xf32, #tpu.memory_space<hbm>> -> memref<1x64xf32, #tpu.memory_space<hbm>>
      tpu.enqueue_dma source(%dma_start3A_380 : memref<1x64xf32, #tpu.memory_space<hbm>>) target(%dma_start3A_378 : memref<1x64xf32, #tpu.memory_space<vmem>>) target_semaphore(%arg13 : memref<!tpu.dma_semaphore, #tpu.memory_space<semaphore_mem>>)
      %slice3A_381 = vector.extract_strided_slice %get3A_228 {offsets = [11], sizes = [1], strides = [1]} : vector<16xi32> to vector<1xi32>
      %squeeze3A_382 = vector.extract %slice3A_381[0] : i32 from vector<1xi32>
      %mul3A_383 = arith.constant 16 : i32
      %mul3A_384 = arith.muli %add3A_224, %mul3A_383 : i32
      %add3A_385 = arith.constant 11 : i32
      %add3A_386 = arith.addi %mul3A_384, %add3A_385 : i32
      %dma_start3A_387 = arith.constant 0 : i32
      %dma_start3A_388 = tpu.memref_slice %arg8[%add3A_386, %dma_start3A_387] : memref<512x64xf32, #tpu.memory_space<vmem>> -> memref<1x64xf32, #tpu.memory_space<vmem>>
      %dma_start3A_389 = arith.constant 0 : i32
      %dma_start3A_390 = tpu.memref_slice %arg4[%squeeze3A_382, %dma_start3A_389] : memref<100000x64xf32, #tpu.memory_space<hbm>> -> memref<1x64xf32, #tpu.memory_space<hbm>>
      %dma_start3A_391 = arith.constant 0 : i32
      %dma_start3A_392 = tpu.memref_slice %arg8[%add3A_386, %dma_start3A_391] : memref<512x64xf32, #tpu.memory_space<vmem>> -> memref<1x64xf32, #tpu.memory_space<vmem>>
      %dma_start3A_393 = arith.constant 0 : i32
      %dma_start3A_394 = tpu.memref_slice %arg4[%squeeze3A_382, %dma_start3A_393] : memref<100000x64xf32, #tpu.memory_space<hbm>> -> memref<1x64xf32, #tpu.memory_space<hbm>>
      tpu.enqueue_dma source(%dma_start3A_394 : memref<1x64xf32, #tpu.memory_space<hbm>>) target(%dma_start3A_392 : memref<1x64xf32, #tpu.memory_space<vmem>>) target_semaphore(%arg13 : memref<!tpu.dma_semaphore, #tpu.memory_space<semaphore_mem>>)
      %slice3A_395 = vector.extract_strided_slice %get3A_228 {offsets = [12], sizes = [1], strides = [1]} : vector<16xi32> to vector<1xi32>
      %squeeze3A_396 = vector.extract %slice3A_395[0] : i32 from vector<1xi32>
      %mul3A_397 = arith.constant 16 : i32
      %mul3A_398 = arith.muli %add3A_224, %mul3A_397 : i32
      %add3A_399 = arith.constant 12 : i32
      %add3A_400 = arith.addi %mul3A_398, %add3A_399 : i32
      %dma_start3A_401 = arith.constant 0 : i32
      %dma_start3A_402 = tpu.memref_slice %arg8[%add3A_400, %dma_start3A_401] : memref<512x64xf32, #tpu.memory_space<vmem>> -> memref<1x64xf32, #tpu.memory_space<vmem>>
      %dma_start3A_403 = arith.constant 0 : i32
      %dma_start3A_404 = tpu.memref_slice %arg4[%squeeze3A_396, %dma_start3A_403] : memref<100000x64xf32, #tpu.memory_space<hbm>> -> memref<1x64xf32, #tpu.memory_space<hbm>>
      %dma_start3A_405 = arith.constant 0 : i32
      %dma_start3A_406 = tpu.memref_slice %arg8[%add3A_400, %dma_start3A_405] : memref<512x64xf32, #tpu.memory_space<vmem>> -> memref<1x64xf32, #tpu.memory_space<vmem>>
      %dma_start3A_407 = arith.constant 0 : i32
      %dma_start3A_408 = tpu.memref_slice %arg4[%squeeze3A_396, %dma_start3A_407] : memref<100000x64xf32, #tpu.memory_space<hbm>> -> memref<1x64xf32, #tpu.memory_space<hbm>>
      tpu.enqueue_dma source(%dma_start3A_408 : memref<1x64xf32, #tpu.memory_space<hbm>>) target(%dma_start3A_406 : memref<1x64xf32, #tpu.memory_space<vmem>>) target_semaphore(%arg13 : memref<!tpu.dma_semaphore, #tpu.memory_space<semaphore_mem>>)
      %slice3A_409 = vector.extract_strided_slice %get3A_228 {offsets = [13], sizes = [1], strides = [1]} : vector<16xi32> to vector<1xi32>
      %squeeze3A_410 = vector.extract %slice3A_409[0] : i32 from vector<1xi32>
      %mul3A_411 = arith.constant 16 : i32
      %mul3A_412 = arith.muli %add3A_224, %mul3A_411 : i32
      %add3A_413 = arith.constant 13 : i32
      %add3A_414 = arith.addi %mul3A_412, %add3A_413 : i32
      %dma_start3A_415 = arith.constant 0 : i32
      %dma_start3A_416 = tpu.memref_slice %arg8[%add3A_414, %dma_start3A_415] : memref<512x64xf32, #tpu.memory_space<vmem>> -> memref<1x64xf32, #tpu.memory_space<vmem>>
      %dma_start3A_417 = arith.constant 0 : i32
      %dma_start3A_418 = tpu.memref_slice %arg4[%squeeze3A_410, %dma_start3A_417] : memref<100000x64xf32, #tpu.memory_space<hbm>> -> memref<1x64xf32, #tpu.memory_space<hbm>>
      %dma_start3A_419 = arith.constant 0 : i32
      %dma_start3A_420 = tpu.memref_slice %arg8[%add3A_414, %dma_start3A_419] : memref<512x64xf32, #tpu.memory_space<vmem>> -> memref<1x64xf32, #tpu.memory_space<vmem>>
      %dma_start3A_421 = arith.constant 0 : i32
      %dma_start3A_422 = tpu.memref_slice %arg4[%squeeze3A_410, %dma_start3A_421] : memref<100000x64xf32, #tpu.memory_space<hbm>> -> memref<1x64xf32, #tpu.memory_space<hbm>>
      tpu.enqueue_dma source(%dma_start3A_422 : memref<1x64xf32, #tpu.memory_space<hbm>>) target(%dma_start3A_420 : memref<1x64xf32, #tpu.memory_space<vmem>>) target_semaphore(%arg13 : memref<!tpu.dma_semaphore, #tpu.memory_space<semaphore_mem>>)
      %slice3A_423 = vector.extract_strided_slice %get3A_228 {offsets = [14], sizes = [1], strides = [1]} : vector<16xi32> to vector<1xi32>
      %squeeze3A_424 = vector.extract %slice3A_423[0] : i32 from vector<1xi32>
      %mul3A_425 = arith.constant 16 : i32
      %mul3A_426 = arith.muli %add3A_224, %mul3A_425 : i32
      %add3A_427 = arith.constant 14 : i32
      %add3A_428 = arith.addi %mul3A_426, %add3A_427 : i32
      %dma_start3A_429 = arith.constant 0 : i32
      %dma_start3A_430 = tpu.memref_slice %arg8[%add3A_428, %dma_start3A_429] : memref<512x64xf32, #tpu.memory_space<vmem>> -> memref<1x64xf32, #tpu.memory_space<vmem>>
      %dma_start3A_431 = arith.constant 0 : i32
      %dma_start3A_432 = tpu.memref_slice %arg4[%squeeze3A_424, %dma_start3A_431] : memref<100000x64xf32, #tpu.memory_space<hbm>> -> memref<1x64xf32, #tpu.memory_space<hbm>>
      %dma_start3A_433 = arith.constant 0 : i32
      %dma_start3A_434 = tpu.memref_slice %arg8[%add3A_428, %dma_start3A_433] : memref<512x64xf32, #tpu.memory_space<vmem>> -> memref<1x64xf32, #tpu.memory_space<vmem>>
      %dma_start3A_435 = arith.constant 0 : i32
      %dma_start3A_436 = tpu.memref_slice %arg4[%squeeze3A_424, %dma_start3A_435] : memref<100000x64xf32, #tpu.memory_space<hbm>> -> memref<1x64xf32, #tpu.memory_space<hbm>>
      tpu.enqueue_dma source(%dma_start3A_436 : memref<1x64xf32, #tpu.memory_space<hbm>>) target(%dma_start3A_434 : memref<1x64xf32, #tpu.memory_space<vmem>>) target_semaphore(%arg13 : memref<!tpu.dma_semaphore, #tpu.memory_space<semaphore_mem>>)
      %slice3A_437 = vector.extract_strided_slice %get3A_228 {offsets = [15], sizes = [1], strides = [1]} : vector<16xi32> to vector<1xi32>
      %squeeze3A_438 = vector.extract %slice3A_437[0] : i32 from vector<1xi32>
      %mul3A_439 = arith.constant 16 : i32
      %mul3A_440 = arith.muli %add3A_224, %mul3A_439 : i32
      %add3A_441 = arith.constant 15 : i32
      %add3A_442 = arith.addi %mul3A_440, %add3A_441 : i32
      %dma_start3A_443 = arith.constant 0 : i32
      %dma_start3A_444 = tpu.memref_slice %arg8[%add3A_442, %dma_start3A_443] : memref<512x64xf32, #tpu.memory_space<vmem>> -> memref<1x64xf32, #tpu.memory_space<vmem>>
      %dma_start3A_445 = arith.constant 0 : i32
      %dma_start3A_446 = tpu.memref_slice %arg4[%squeeze3A_438, %dma_start3A_445] : memref<100000x64xf32, #tpu.memory_space<hbm>> -> memref<1x64xf32, #tpu.memory_space<hbm>>
      %dma_start3A_447 = arith.constant 0 : i32
      %dma_start3A_448 = tpu.memref_slice %arg8[%add3A_442, %dma_start3A_447] : memref<512x64xf32, #tpu.memory_space<vmem>> -> memref<1x64xf32, #tpu.memory_space<vmem>>
      %dma_start3A_449 = arith.constant 0 : i32
      %dma_start3A_450 = tpu.memref_slice %arg4[%squeeze3A_438, %dma_start3A_449] : memref<100000x64xf32, #tpu.memory_space<hbm>> -> memref<1x64xf32, #tpu.memory_space<hbm>>
      tpu.enqueue_dma source(%dma_start3A_450 : memref<1x64xf32, #tpu.memory_space<hbm>>) target(%dma_start3A_448 : memref<1x64xf32, #tpu.memory_space<vmem>>) target_semaphore(%arg13 : memref<!tpu.dma_semaphore, #tpu.memory_space<semaphore_mem>>)
    }
    %scan3A_42 = arith.constant 8 : i32
    %broadcast_in_dim3A = arith.constant 0.000000e+00 : f32
    %broadcast_in_dim3A_43 = vector.broadcast %broadcast_in_dim3A : f32 to vector<16xf32>
    %dma_wait3A = arith.constant 0 : i32
    %dma_wait3A_44 = arith.constant 0 : i32
    %dma_wait3A_45 = arith.constant 0 : i32
    %dma_wait3A_46 = tpu.memref_slice %arg7[%dma_wait3A, %dma_wait3A_44, %dma_wait3A_45] : memref<2x128x64xf32, #tpu.memory_space<vmem>> -> memref<1x128x64xf32, #tpu.memory_space<vmem>>
    %dma_wait3A_47 = tpu.memref_squeeze %dma_wait3A_46 : memref<1x128x64xf32, #tpu.memory_space<vmem>> -> memref<128x64xf32, #tpu.memory_space<vmem>>
    %dma_wait3A_48 = arith.constant 0 : i32
    %dma_wait3A_49 = arith.constant 0 : i32
    %dma_wait3A_50 = tpu.memref_slice %arg2[%dma_wait3A_48, %dma_wait3A_49] : memref<16384x64xf32, #tpu.memory_space<hbm>> -> memref<128x64xf32, #tpu.memory_space<hbm>>
    %dma_wait3A_51 = arith.constant 0 : i32
    %dma_wait3A_52 = arith.constant 0 : i32
    %dma_wait3A_53 = tpu.memref_slice %arg7[%dma_wait3A, %dma_wait3A_51, %dma_wait3A_52] : memref<2x128x64xf32, #tpu.memory_space<vmem>> -> memref<1x128x64xf32, #tpu.memory_space<vmem>>
    %dma_wait3A_54 = tpu.memref_squeeze %dma_wait3A_53 : memref<1x128x64xf32, #tpu.memory_space<vmem>> -> memref<128x64xf32, #tpu.memory_space<vmem>>
    %dma_wait3A_55 = arith.constant 0 : i32
    %dma_wait3A_56 = arith.constant 0 : i32
    %dma_wait3A_57 = tpu.memref_slice %arg2[%dma_wait3A_55, %dma_wait3A_56] : memref<16384x64xf32, #tpu.memory_space<hbm>> -> memref<128x64xf32, #tpu.memory_space<hbm>>
    tpu.wait_dma2 semaphore(%arg10 : memref<!tpu.dma_semaphore, #tpu.memory_space<semaphore_mem>>) src(%dma_wait3A_57 : memref<128x64xf32, #tpu.memory_space<hbm>>) dst(%dma_wait3A_54 : memref<128x64xf32, #tpu.memory_space<vmem>>)
    %dma_wait3A_58 = arith.constant 0 : i32
    %dma_wait3A_59 = arith.constant 0 : i32
    %dma_wait3A_60 = tpu.memref_slice %arg8[%dma_wait3A_58, %dma_wait3A_59] : memref<512x64xf32, #tpu.memory_space<vmem>> -> memref<128x64xf32, #tpu.memory_space<vmem>>
    %dma_wait3A_61 = arith.constant 0 : i32
    %dma_wait3A_62 = arith.constant 0 : i32
    %dma_wait3A_63 = tpu.memref_slice %arg4[%dma_wait3A_61, %dma_wait3A_62] : memref<100000x64xf32, #tpu.memory_space<hbm>> -> memref<128x64xf32, #tpu.memory_space<hbm>>
    %dma_wait3A_64 = arith.constant 0 : i32
    %dma_wait3A_65 = arith.constant 0 : i32
    %dma_wait3A_66 = tpu.memref_slice %arg8[%dma_wait3A_64, %dma_wait3A_65] : memref<512x64xf32, #tpu.memory_space<vmem>> -> memref<128x64xf32, #tpu.memory_space<vmem>>
    %dma_wait3A_67 = arith.constant 0 : i32
    %dma_wait3A_68 = arith.constant 0 : i32
    %dma_wait3A_69 = tpu.memref_slice %arg4[%dma_wait3A_67, %dma_wait3A_68] : memref<100000x64xf32, #tpu.memory_space<hbm>> -> memref<128x64xf32, #tpu.memory_space<hbm>>
    tpu.wait_dma2 semaphore(%arg12 : memref<!tpu.dma_semaphore, #tpu.memory_space<semaphore_mem>>) src(%dma_wait3A_69 : memref<128x64xf32, #tpu.memory_space<hbm>>) dst(%dma_wait3A_66 : memref<128x64xf32, #tpu.memory_space<vmem>>)
    %scan3A_70 = arith.constant 0 : i32
    %scan3A_71 = arith.constant 0 : i32
    %scan3A_72 = arith.constant 8 : i32
    %scan3A_73 = arith.addi %scan3A_71, %scan3A_72 : i32
    %scan3A_74 = arith.constant 1 : i32
    scf.for %scan3A_222 = %scan3A_71 to %scan3A_73 step %scan3A_74  : i32 {
      %add3A_223 = arith.constant 16 : i32
      %add3A_224 = arith.addi %add3A_223, %scan3A_222 : i32
      %mul3A_225 = arith.constant 16 : i32
      %mul3A_226 = arith.muli %add3A_224, %mul3A_225 : i32
      %get3A = arith.index_cast %mul3A_226 : i32 to index
      %get3A_227 = tpu.vector_load %arg6[%get3A] {strides = array<i32>} : memref<512xi32, #tpu.memory_space<vmem>>, vector<16xi32>,
      %get3A_228 = vector.shape_cast %get3A_227 : vector<16xi32> to vector<16xi32>
      %slice3A = vector.extract_strided_slice %get3A_228 {offsets = [0], sizes = [1], strides = [1]} : vector<16xi32> to vector<1xi32>
      %squeeze3A = vector.extract %slice3A[0] : i32 from vector<1xi32>
      %mul3A_229 = arith.constant 16 : i32
      %mul3A_230 = arith.muli %add3A_224, %mul3A_229 : i32
      %add3A_231 = arith.constant 0 : i32
      %add3A_232 = arith.addi %mul3A_230, %add3A_231 : i32
      %dma_start3A_233 = arith.constant 0 : i32
      %dma_start3A_234 = tpu.memref_slice %arg8[%add3A_232, %dma_start3A_233] : memref<512x64xf32, #tpu.memory_space<vmem>> -> memref<1x64xf32, #tpu.memory_space<vmem>>
      %dma_start3A_235 = arith.constant 0 : i32
      %dma_start3A_236 = tpu.memref_slice %arg4[%squeeze3A, %dma_start3A_235] : memref<100000x64xf32, #tpu.memory_space<hbm>> -> memref<1x64xf32, #tpu.memory_space<hbm>>
      %dma_start3A_237 = arith.constant 0 : i32
      %dma_start3A_238 = tpu.memref_slice %arg8[%add3A_232, %dma_start3A_237] : memref<512x64xf32, #tpu.memory_space<vmem>> -> memref<1x64xf32, #tpu.memory_space<vmem>>
      %dma_start3A_239 = arith.constant 0 : i32
      %dma_start3A_240 = tpu.memref_slice %arg4[%squeeze3A, %dma_start3A_239] : memref<100000x64xf32, #tpu.memory_space<hbm>> -> memref<1x64xf32, #tpu.memory_space<hbm>>
      tpu.enqueue_dma source(%dma_start3A_240 : memref<1x64xf32, #tpu.memory_space<hbm>>) target(%dma_start3A_238 : memref<1x64xf32, #tpu.memory_space<vmem>>) target_semaphore(%arg14 : memref<!tpu.dma_semaphore, #tpu.memory_space<semaphore_mem>>)
      %slice3A_241 = vector.extract_strided_slice %get3A_228 {offsets = [1], sizes = [1], strides = [1]} : vector<16xi32> to vector<1xi32>
      %squeeze3A_242 = vector.extract %slice3A_241[0] : i32 from vector<1xi32>
      %mul3A_243 = arith.constant 16 : i32
      %mul3A_244 = arith.muli %add3A_224, %mul3A_243 : i32
      %add3A_245 = arith.constant 1 : i32
      %add3A_246 = arith.addi %mul3A_244, %add3A_245 : i32
      %dma_start3A_247 = arith.constant 0 : i32
      %dma_start3A_248 = tpu.memref_slice %arg8[%add3A_246, %dma_start3A_247] : memref<512x64xf32, #tpu.memory_space<vmem>> -> memref<1x64xf32, #tpu.memory_space<vmem>>
      %dma_start3A_249 = arith.constant 0 : i32
      %dma_start3A_250 = tpu.memref_slice %arg4[%squeeze3A_242, %dma_start3A_249] : memref<100000x64xf32, #tpu.memory_space<hbm>> -> memref<1x64xf32, #tpu.memory_space<hbm>>
      %dma_start3A_251 = arith.constant 0 : i32
      %dma_start3A_252 = tpu.memref_slice %arg8[%add3A_246, %dma_start3A_251] : memref<512x64xf32, #tpu.memory_space<vmem>> -> memref<1x64xf32, #tpu.memory_space<vmem>>
      %dma_start3A_253 = arith.constant 0 : i32
      %dma_start3A_254 = tpu.memref_slice %arg4[%squeeze3A_242, %dma_start3A_253] : memref<100000x64xf32, #tpu.memory_space<hbm>> -> memref<1x64xf32, #tpu.memory_space<hbm>>
      tpu.enqueue_dma source(%dma_start3A_254 : memref<1x64xf32, #tpu.memory_space<hbm>>) target(%dma_start3A_252 : memref<1x64xf32, #tpu.memory_space<vmem>>) target_semaphore(%arg14 : memref<!tpu.dma_semaphore, #tpu.memory_space<semaphore_mem>>)
      %slice3A_255 = vector.extract_strided_slice %get3A_228 {offsets = [2], sizes = [1], strides = [1]} : vector<16xi32> to vector<1xi32>
      %squeeze3A_256 = vector.extract %slice3A_255[0] : i32 from vector<1xi32>
      %mul3A_257 = arith.constant 16 : i32
      %mul3A_258 = arith.muli %add3A_224, %mul3A_257 : i32
      %add3A_259 = arith.constant 2 : i32
      %add3A_260 = arith.addi %mul3A_258, %add3A_259 : i32
      %dma_start3A_261 = arith.constant 0 : i32
      %dma_start3A_262 = tpu.memref_slice %arg8[%add3A_260, %dma_start3A_261] : memref<512x64xf32, #tpu.memory_space<vmem>> -> memref<1x64xf32, #tpu.memory_space<vmem>>
      %dma_start3A_263 = arith.constant 0 : i32
      %dma_start3A_264 = tpu.memref_slice %arg4[%squeeze3A_256, %dma_start3A_263] : memref<100000x64xf32, #tpu.memory_space<hbm>> -> memref<1x64xf32, #tpu.memory_space<hbm>>
      %dma_start3A_265 = arith.constant 0 : i32
      %dma_start3A_266 = tpu.memref_slice %arg8[%add3A_260, %dma_start3A_265] : memref<512x64xf32, #tpu.memory_space<vmem>> -> memref<1x64xf32, #tpu.memory_space<vmem>>
      %dma_start3A_267 = arith.constant 0 : i32
      %dma_start3A_268 = tpu.memref_slice %arg4[%squeeze3A_256, %dma_start3A_267] : memref<100000x64xf32, #tpu.memory_space<hbm>> -> memref<1x64xf32, #tpu.memory_space<hbm>>
      tpu.enqueue_dma source(%dma_start3A_268 : memref<1x64xf32, #tpu.memory_space<hbm>>) target(%dma_start3A_266 : memref<1x64xf32, #tpu.memory_space<vmem>>) target_semaphore(%arg14 : memref<!tpu.dma_semaphore, #tpu.memory_space<semaphore_mem>>)
      %slice3A_269 = vector.extract_strided_slice %get3A_228 {offsets = [3], sizes = [1], strides = [1]} : vector<16xi32> to vector<1xi32>
      %squeeze3A_270 = vector.extract %slice3A_269[0] : i32 from vector<1xi32>
      %mul3A_271 = arith.constant 16 : i32
      %mul3A_272 = arith.muli %add3A_224, %mul3A_271 : i32
      %add3A_273 = arith.constant 3 : i32
      %add3A_274 = arith.addi %mul3A_272, %add3A_273 : i32
      %dma_start3A_275 = arith.constant 0 : i32
      %dma_start3A_276 = tpu.memref_slice %arg8[%add3A_274, %dma_start3A_275] : memref<512x64xf32, #tpu.memory_space<vmem>> -> memref<1x64xf32, #tpu.memory_space<vmem>>
      %dma_start3A_277 = arith.constant 0 : i32
      %dma_start3A_278 = tpu.memref_slice %arg4[%squeeze3A_270, %dma_start3A_277] : memref<100000x64xf32, #tpu.memory_space<hbm>> -> memref<1x64xf32, #tpu.memory_space<hbm>>
      %dma_start3A_279 = arith.constant 0 : i32
      %dma_start3A_280 = tpu.memref_slice %arg8[%add3A_274, %dma_start3A_279] : memref<512x64xf32, #tpu.memory_space<vmem>> -> memref<1x64xf32, #tpu.memory_space<vmem>>
      %dma_start3A_281 = arith.constant 0 : i32
      %dma_start3A_282 = tpu.memref_slice %arg4[%squeeze3A_270, %dma_start3A_281] : memref<100000x64xf32, #tpu.memory_space<hbm>> -> memref<1x64xf32, #tpu.memory_space<hbm>>
      tpu.enqueue_dma source(%dma_start3A_282 : memref<1x64xf32, #tpu.memory_space<hbm>>) target(%dma_start3A_280 : memref<1x64xf32, #tpu.memory_space<vmem>>) target_semaphore(%arg14 : memref<!tpu.dma_semaphore, #tpu.memory_space<semaphore_mem>>)
      %slice3A_283 = vector.extract_strided_slice %get3A_228 {offsets = [4], sizes = [1], strides = [1]} : vector<16xi32> to vector<1xi32>
      %squeeze3A_284 = vector.extract %slice3A_283[0] : i32 from vector<1xi32>
      %mul3A_285 = arith.constant 16 : i32
      %mul3A_286 = arith.muli %add3A_224, %mul3A_285 : i32
      %add3A_287 = arith.constant 4 : i32
      %add3A_288 = arith.addi %mul3A_286, %add3A_287 : i32
      %dma_start3A_289 = arith.constant 0 : i32
      %dma_start3A_290 = tpu.memref_slice %arg8[%add3A_288, %dma_start3A_289] : memref<512x64xf32, #tpu.memory_space<vmem>> -> memref<1x64xf32, #tpu.memory_space<vmem>>
      %dma_start3A_291 = arith.constant 0 : i32
      %dma_start3A_292 = tpu.memref_slice %arg4[%squeeze3A_284, %dma_start3A_291] : memref<100000x64xf32, #tpu.memory_space<hbm>> -> memref<1x64xf32, #tpu.memory_space<hbm>>
      %dma_start3A_293 = arith.constant 0 : i32
      %dma_start3A_294 = tpu.memref_slice %arg8[%add3A_288, %dma_start3A_293] : memref<512x64xf32, #tpu.memory_space<vmem>> -> memref<1x64xf32, #tpu.memory_space<vmem>>
      %dma_start3A_295 = arith.constant 0 : i32
      %dma_start3A_296 = tpu.memref_slice %arg4[%squeeze3A_284, %dma_start3A_295] : memref<100000x64xf32, #tpu.memory_space<hbm>> -> memref<1x64xf32, #tpu.memory_space<hbm>>
      tpu.enqueue_dma source(%dma_start3A_296 : memref<1x64xf32, #tpu.memory_space<hbm>>) target(%dma_start3A_294 : memref<1x64xf32, #tpu.memory_space<vmem>>) target_semaphore(%arg14 : memref<!tpu.dma_semaphore, #tpu.memory_space<semaphore_mem>>)
      %slice3A_297 = vector.extract_strided_slice %get3A_228 {offsets = [5], sizes = [1], strides = [1]} : vector<16xi32> to vector<1xi32>
      %squeeze3A_298 = vector.extract %slice3A_297[0] : i32 from vector<1xi32>
      %mul3A_299 = arith.constant 16 : i32
      %mul3A_300 = arith.muli %add3A_224, %mul3A_299 : i32
      %add3A_301 = arith.constant 5 : i32
      %add3A_302 = arith.addi %mul3A_300, %add3A_301 : i32
      %dma_start3A_303 = arith.constant 0 : i32
      %dma_start3A_304 = tpu.memref_slice %arg8[%add3A_302, %dma_start3A_303] : memref<512x64xf32, #tpu.memory_space<vmem>> -> memref<1x64xf32, #tpu.memory_space<vmem>>
      %dma_start3A_305 = arith.constant 0 : i32
      %dma_start3A_306 = tpu.memref_slice %arg4[%squeeze3A_298, %dma_start3A_305] : memref<100000x64xf32, #tpu.memory_space<hbm>> -> memref<1x64xf32, #tpu.memory_space<hbm>>
      %dma_start3A_307 = arith.constant 0 : i32
      %dma_start3A_308 = tpu.memref_slice %arg8[%add3A_302, %dma_start3A_307] : memref<512x64xf32, #tpu.memory_space<vmem>> -> memref<1x64xf32, #tpu.memory_space<vmem>>
      %dma_start3A_309 = arith.constant 0 : i32
      %dma_start3A_310 = tpu.memref_slice %arg4[%squeeze3A_298, %dma_start3A_309] : memref<100000x64xf32, #tpu.memory_space<hbm>> -> memref<1x64xf32, #tpu.memory_space<hbm>>
      tpu.enqueue_dma source(%dma_start3A_310 : memref<1x64xf32, #tpu.memory_space<hbm>>) target(%dma_start3A_308 : memref<1x64xf32, #tpu.memory_space<vmem>>) target_semaphore(%arg14 : memref<!tpu.dma_semaphore, #tpu.memory_space<semaphore_mem>>)
      %slice3A_311 = vector.extract_strided_slice %get3A_228 {offsets = [6], sizes = [1], strides = [1]} : vector<16xi32> to vector<1xi32>
      %squeeze3A_312 = vector.extract %slice3A_311[0] : i32 from vector<1xi32>
      %mul3A_313 = arith.constant 16 : i32
      %mul3A_314 = arith.muli %add3A_224, %mul3A_313 : i32
      %add3A_315 = arith.constant 6 : i32
      %add3A_316 = arith.addi %mul3A_314, %add3A_315 : i32
      %dma_start3A_317 = arith.constant 0 : i32
      %dma_start3A_318 = tpu.memref_slice %arg8[%add3A_316, %dma_start3A_317] : memref<512x64xf32, #tpu.memory_space<vmem>> -> memref<1x64xf32, #tpu.memory_space<vmem>>
      %dma_start3A_319 = arith.constant 0 : i32
      %dma_start3A_320 = tpu.memref_slice %arg4[%squeeze3A_312, %dma_start3A_319] : memref<100000x64xf32, #tpu.memory_space<hbm>> -> memref<1x64xf32, #tpu.memory_space<hbm>>
      %dma_start3A_321 = arith.constant 0 : i32
      %dma_start3A_322 = tpu.memref_slice %arg8[%add3A_316, %dma_start3A_321] : memref<512x64xf32, #tpu.memory_space<vmem>> -> memref<1x64xf32, #tpu.memory_space<vmem>>
      %dma_start3A_323 = arith.constant 0 : i32
      %dma_start3A_324 = tpu.memref_slice %arg4[%squeeze3A_312, %dma_start3A_323] : memref<100000x64xf32, #tpu.memory_space<hbm>> -> memref<1x64xf32, #tpu.memory_space<hbm>>
      tpu.enqueue_dma source(%dma_start3A_324 : memref<1x64xf32, #tpu.memory_space<hbm>>) target(%dma_start3A_322 : memref<1x64xf32, #tpu.memory_space<vmem>>) target_semaphore(%arg14 : memref<!tpu.dma_semaphore, #tpu.memory_space<semaphore_mem>>)
      %slice3A_325 = vector.extract_strided_slice %get3A_228 {offsets = [7], sizes = [1], strides = [1]} : vector<16xi32> to vector<1xi32>
      %squeeze3A_326 = vector.extract %slice3A_325[0] : i32 from vector<1xi32>
      %mul3A_327 = arith.constant 16 : i32
      %mul3A_328 = arith.muli %add3A_224, %mul3A_327 : i32
      %add3A_329 = arith.constant 7 : i32
      %add3A_330 = arith.addi %mul3A_328, %add3A_329 : i32
      %dma_start3A_331 = arith.constant 0 : i32
      %dma_start3A_332 = tpu.memref_slice %arg8[%add3A_330, %dma_start3A_331] : memref<512x64xf32, #tpu.memory_space<vmem>> -> memref<1x64xf32, #tpu.memory_space<vmem>>
      %dma_start3A_333 = arith.constant 0 : i32
      %dma_start3A_334 = tpu.memref_slice %arg4[%squeeze3A_326, %dma_start3A_333] : memref<100000x64xf32, #tpu.memory_space<hbm>> -> memref<1x64xf32, #tpu.memory_space<hbm>>
      %dma_start3A_335 = arith.constant 0 : i32
      %dma_start3A_336 = tpu.memref_slice %arg8[%add3A_330, %dma_start3A_335] : memref<512x64xf32, #tpu.memory_space<vmem>> -> memref<1x64xf32, #tpu.memory_space<vmem>>
      %dma_start3A_337 = arith.constant 0 : i32
      %dma_start3A_338 = tpu.memref_slice %arg4[%squeeze3A_326, %dma_start3A_337] : memref<100000x64xf32, #tpu.memory_space<hbm>> -> memref<1x64xf32, #tpu.memory_space<hbm>>
      tpu.enqueue_dma source(%dma_start3A_338 : memref<1x64xf32, #tpu.memory_space<hbm>>) target(%dma_start3A_336 : memref<1x64xf32, #tpu.memory_space<vmem>>) target_semaphore(%arg14 : memref<!tpu.dma_semaphore, #tpu.memory_space<semaphore_mem>>)
      %slice3A_339 = vector.extract_strided_slice %get3A_228 {offsets = [8], sizes = [1], strides = [1]} : vector<16xi32> to vector<1xi32>
      %squeeze3A_340 = vector.extract %slice3A_339[0] : i32 from vector<1xi32>
      %mul3A_341 = arith.constant 16 : i32
      %mul3A_342 = arith.muli %add3A_224, %mul3A_341 : i32
      %add3A_343 = arith.constant 8 : i32
      %add3A_344 = arith.addi %mul3A_342, %add3A_343 : i32
      %dma_start3A_345 = arith.constant 0 : i32
      %dma_start3A_346 = tpu.memref_slice %arg8[%add3A_344, %dma_start3A_345] : memref<512x64xf32, #tpu.memory_space<vmem>> -> memref<1x64xf32, #tpu.memory_space<vmem>>
      %dma_start3A_347 = arith.constant 0 : i32
      %dma_start3A_348 = tpu.memref_slice %arg4[%squeeze3A_340, %dma_start3A_347] : memref<100000x64xf32, #tpu.memory_space<hbm>> -> memref<1x64xf32, #tpu.memory_space<hbm>>
      %dma_start3A_349 = arith.constant 0 : i32
      %dma_start3A_350 = tpu.memref_slice %arg8[%add3A_344, %dma_start3A_349] : memref<512x64xf32, #tpu.memory_space<vmem>> -> memref<1x64xf32, #tpu.memory_space<vmem>>
      %dma_start3A_351 = arith.constant 0 : i32
      %dma_start3A_352 = tpu.memref_slice %arg4[%squeeze3A_340, %dma_start3A_351] : memref<100000x64xf32, #tpu.memory_space<hbm>> -> memref<1x64xf32, #tpu.memory_space<hbm>>
      tpu.enqueue_dma source(%dma_start3A_352 : memref<1x64xf32, #tpu.memory_space<hbm>>) target(%dma_start3A_350 : memref<1x64xf32, #tpu.memory_space<vmem>>) target_semaphore(%arg14 : memref<!tpu.dma_semaphore, #tpu.memory_space<semaphore_mem>>)
      %slice3A_353 = vector.extract_strided_slice %get3A_228 {offsets = [9], sizes = [1], strides = [1]} : vector<16xi32> to vector<1xi32>
      %squeeze3A_354 = vector.extract %slice3A_353[0] : i32 from vector<1xi32>
      %mul3A_355 = arith.constant 16 : i32
      %mul3A_356 = arith.muli %add3A_224, %mul3A_355 : i32
      %add3A_357 = arith.constant 9 : i32
      %add3A_358 = arith.addi %mul3A_356, %add3A_357 : i32
      %dma_start3A_359 = arith.constant 0 : i32
      %dma_start3A_360 = tpu.memref_slice %arg8[%add3A_358, %dma_start3A_359] : memref<512x64xf32, #tpu.memory_space<vmem>> -> memref<1x64xf32, #tpu.memory_space<vmem>>
      %dma_start3A_361 = arith.constant 0 : i32
      %dma_start3A_362 = tpu.memref_slice %arg4[%squeeze3A_354, %dma_start3A_361] : memref<100000x64xf32, #tpu.memory_space<hbm>> -> memref<1x64xf32, #tpu.memory_space<hbm>>
      %dma_start3A_363 = arith.constant 0 : i32
      %dma_start3A_364 = tpu.memref_slice %arg8[%add3A_358, %dma_start3A_363] : memref<512x64xf32, #tpu.memory_space<vmem>> -> memref<1x64xf32, #tpu.memory_space<vmem>>
      %dma_start3A_365 = arith.constant 0 : i32
      %dma_start3A_366 = tpu.memref_slice %arg4[%squeeze3A_354, %dma_start3A_365] : memref<100000x64xf32, #tpu.memory_space<hbm>> -> memref<1x64xf32, #tpu.memory_space<hbm>>
      tpu.enqueue_dma source(%dma_start3A_366 : memref<1x64xf32, #tpu.memory_space<hbm>>) target(%dma_start3A_364 : memref<1x64xf32, #tpu.memory_space<vmem>>) target_semaphore(%arg14 : memref<!tpu.dma_semaphore, #tpu.memory_space<semaphore_mem>>)
      %slice3A_367 = vector.extract_strided_slice %get3A_228 {offsets = [10], sizes = [1], strides = [1]} : vector<16xi32> to vector<1xi32>
      %squeeze3A_368 = vector.extract %slice3A_367[0] : i32 from vector<1xi32>
      %mul3A_369 = arith.constant 16 : i32
      %mul3A_370 = arith.muli %add3A_224, %mul3A_369 : i32
      %add3A_371 = arith.constant 10 : i32
      %add3A_372 = arith.addi %mul3A_370, %add3A_371 : i32
      %dma_start3A_373 = arith.constant 0 : i32
      %dma_start3A_374 = tpu.memref_slice %arg8[%add3A_372, %dma_start3A_373] : memref<512x64xf32, #tpu.memory_space<vmem>> -> memref<1x64xf32, #tpu.memory_space<vmem>>
      %dma_start3A_375 = arith.constant 0 : i32
      %dma_start3A_376 = tpu.memref_slice %arg4[%squeeze3A_368, %dma_start3A_375] : memref<100000x64xf32, #tpu.memory_space<hbm>> -> memref<1x64xf32, #tpu.memory_space<hbm>>
      %dma_start3A_377 = arith.constant 0 : i32
      %dma_start3A_378 = tpu.memref_slice %arg8[%add3A_372, %dma_start3A_377] : memref<512x64xf32, #tpu.memory_space<vmem>> -> memref<1x64xf32, #tpu.memory_space<vmem>>
      %dma_start3A_379 = arith.constant 0 : i32
      %dma_start3A_380 = tpu.memref_slice %arg4[%squeeze3A_368, %dma_start3A_379] : memref<100000x64xf32, #tpu.memory_space<hbm>> -> memref<1x64xf32, #tpu.memory_space<hbm>>
      tpu.enqueue_dma source(%dma_start3A_380 : memref<1x64xf32, #tpu.memory_space<hbm>>) target(%dma_start3A_378 : memref<1x64xf32, #tpu.memory_space<vmem>>) target_semaphore(%arg14 : memref<!tpu.dma_semaphore, #tpu.memory_space<semaphore_mem>>)
      %slice3A_381 = vector.extract_strided_slice %get3A_228 {offsets = [11], sizes = [1], strides = [1]} : vector<16xi32> to vector<1xi32>
      %squeeze3A_382 = vector.extract %slice3A_381[0] : i32 from vector<1xi32>
      %mul3A_383 = arith.constant 16 : i32
      %mul3A_384 = arith.muli %add3A_224, %mul3A_383 : i32
      %add3A_385 = arith.constant 11 : i32
      %add3A_386 = arith.addi %mul3A_384, %add3A_385 : i32
      %dma_start3A_387 = arith.constant 0 : i32
      %dma_start3A_388 = tpu.memref_slice %arg8[%add3A_386, %dma_start3A_387] : memref<512x64xf32, #tpu.memory_space<vmem>> -> memref<1x64xf32, #tpu.memory_space<vmem>>
      %dma_start3A_389 = arith.constant 0 : i32
      %dma_start3A_390 = tpu.memref_slice %arg4[%squeeze3A_382, %dma_start3A_389] : memref<100000x64xf32, #tpu.memory_space<hbm>> -> memref<1x64xf32, #tpu.memory_space<hbm>>
      %dma_start3A_391 = arith.constant 0 : i32
      %dma_start3A_392 = tpu.memref_slice %arg8[%add3A_386, %dma_start3A_391] : memref<512x64xf32, #tpu.memory_space<vmem>> -> memref<1x64xf32, #tpu.memory_space<vmem>>
      %dma_start3A_393 = arith.constant 0 : i32
      %dma_start3A_394 = tpu.memref_slice %arg4[%squeeze3A_382, %dma_start3A_393] : memref<100000x64xf32, #tpu.memory_space<hbm>> -> memref<1x64xf32, #tpu.memory_space<hbm>>
      tpu.enqueue_dma source(%dma_start3A_394 : memref<1x64xf32, #tpu.memory_space<hbm>>) target(%dma_start3A_392 : memref<1x64xf32, #tpu.memory_space<vmem>>) target_semaphore(%arg14 : memref<!tpu.dma_semaphore, #tpu.memory_space<semaphore_mem>>)
      %slice3A_395 = vector.extract_strided_slice %get3A_228 {offsets = [12], sizes = [1], strides = [1]} : vector<16xi32> to vector<1xi32>
      %squeeze3A_396 = vector.extract %slice3A_395[0] : i32 from vector<1xi32>
      %mul3A_397 = arith.constant 16 : i32
      %mul3A_398 = arith.muli %add3A_224, %mul3A_397 : i32
      %add3A_399 = arith.constant 12 : i32
      %add3A_400 = arith.addi %mul3A_398, %add3A_399 : i32
      %dma_start3A_401 = arith.constant 0 : i32
      %dma_start3A_402 = tpu.memref_slice %arg8[%add3A_400, %dma_start3A_401] : memref<512x64xf32, #tpu.memory_space<vmem>> -> memref<1x64xf32, #tpu.memory_space<vmem>>
      %dma_start3A_403 = arith.constant 0 : i32
      %dma_start3A_404 = tpu.memref_slice %arg4[%squeeze3A_396, %dma_start3A_403] : memref<100000x64xf32, #tpu.memory_space<hbm>> -> memref<1x64xf32, #tpu.memory_space<hbm>>
      %dma_start3A_405 = arith.constant 0 : i32
      %dma_start3A_406 = tpu.memref_slice %arg8[%add3A_400, %dma_start3A_405] : memref<512x64xf32, #tpu.memory_space<vmem>> -> memref<1x64xf32, #tpu.memory_space<vmem>>
      %dma_start3A_407 = arith.constant 0 : i32
      %dma_start3A_408 = tpu.memref_slice %arg4[%squeeze3A_396, %dma_start3A_407] : memref<100000x64xf32, #tpu.memory_space<hbm>> -> memref<1x64xf32, #tpu.memory_space<hbm>>
      tpu.enqueue_dma source(%dma_start3A_408 : memref<1x64xf32, #tpu.memory_space<hbm>>) target(%dma_start3A_406 : memref<1x64xf32, #tpu.memory_space<vmem>>) target_semaphore(%arg14 : memref<!tpu.dma_semaphore, #tpu.memory_space<semaphore_mem>>)
      %slice3A_409 = vector.extract_strided_slice %get3A_228 {offsets = [13], sizes = [1], strides = [1]} : vector<16xi32> to vector<1xi32>
      %squeeze3A_410 = vector.extract %slice3A_409[0] : i32 from vector<1xi32>
      %mul3A_411 = arith.constant 16 : i32
      %mul3A_412 = arith.muli %add3A_224, %mul3A_411 : i32
      %add3A_413 = arith.constant 13 : i32
      %add3A_414 = arith.addi %mul3A_412, %add3A_413 : i32
      %dma_start3A_415 = arith.constant 0 : i32
      %dma_start3A_416 = tpu.memref_slice %arg8[%add3A_414, %dma_start3A_415] : memref<512x64xf32, #tpu.memory_space<vmem>> -> memref<1x64xf32, #tpu.memory_space<vmem>>
      %dma_start3A_417 = arith.constant 0 : i32
      %dma_start3A_418 = tpu.memref_slice %arg4[%squeeze3A_410, %dma_start3A_417] : memref<100000x64xf32, #tpu.memory_space<hbm>> -> memref<1x64xf32, #tpu.memory_space<hbm>>
      %dma_start3A_419 = arith.constant 0 : i32
      %dma_start3A_420 = tpu.memref_slice %arg8[%add3A_414, %dma_start3A_419] : memref<512x64xf32, #tpu.memory_space<vmem>> -> memref<1x64xf32, #tpu.memory_space<vmem>>
      %dma_start3A_421 = arith.constant 0 : i32
      %dma_start3A_422 = tpu.memref_slice %arg4[%squeeze3A_410, %dma_start3A_421] : memref<100000x64xf32, #tpu.memory_space<hbm>> -> memref<1x64xf32, #tpu.memory_space<hbm>>
      tpu.enqueue_dma source(%dma_start3A_422 : memref<1x64xf32, #tpu.memory_space<hbm>>) target(%dma_start3A_420 : memref<1x64xf32, #tpu.memory_space<vmem>>) target_semaphore(%arg14 : memref<!tpu.dma_semaphore, #tpu.memory_space<semaphore_mem>>)
      %slice3A_423 = vector.extract_strided_slice %get3A_228 {offsets = [14], sizes = [1], strides = [1]} : vector<16xi32> to vector<1xi32>
      %squeeze3A_424 = vector.extract %slice3A_423[0] : i32 from vector<1xi32>
      %mul3A_425 = arith.constant 16 : i32
      %mul3A_426 = arith.muli %add3A_224, %mul3A_425 : i32
      %add3A_427 = arith.constant 14 : i32
      %add3A_428 = arith.addi %mul3A_426, %add3A_427 : i32
      %dma_start3A_429 = arith.constant 0 : i32
      %dma_start3A_430 = tpu.memref_slice %arg8[%add3A_428, %dma_start3A_429] : memref<512x64xf32, #tpu.memory_space<vmem>> -> memref<1x64xf32, #tpu.memory_space<vmem>>
      %dma_start3A_431 = arith.constant 0 : i32
      %dma_start3A_432 = tpu.memref_slice %arg4[%squeeze3A_424, %dma_start3A_431] : memref<100000x64xf32, #tpu.memory_space<hbm>> -> memref<1x64xf32, #tpu.memory_space<hbm>>
      %dma_start3A_433 = arith.constant 0 : i32
      %dma_start3A_434 = tpu.memref_slice %arg8[%add3A_428, %dma_start3A_433] : memref<512x64xf32, #tpu.memory_space<vmem>> -> memref<1x64xf32, #tpu.memory_space<vmem>>
      %dma_start3A_435 = arith.constant 0 : i32
      %dma_start3A_436 = tpu.memref_slice %arg4[%squeeze3A_424, %dma_start3A_435] : memref<100000x64xf32, #tpu.memory_space<hbm>> -> memref<1x64xf32, #tpu.memory_space<hbm>>
      tpu.enqueue_dma source(%dma_start3A_436 : memref<1x64xf32, #tpu.memory_space<hbm>>) target(%dma_start3A_434 : memref<1x64xf32, #tpu.memory_space<vmem>>) target_semaphore(%arg14 : memref<!tpu.dma_semaphore, #tpu.memory_space<semaphore_mem>>)
      %slice3A_437 = vector.extract_strided_slice %get3A_228 {offsets = [15], sizes = [1], strides = [1]} : vector<16xi32> to vector<1xi32>
      %squeeze3A_438 = vector.extract %slice3A_437[0] : i32 from vector<1xi32>
      %mul3A_439 = arith.constant 16 : i32
      %mul3A_440 = arith.muli %add3A_224, %mul3A_439 : i32
      %add3A_441 = arith.constant 15 : i32
      %add3A_442 = arith.addi %mul3A_440, %add3A_441 : i32
      %dma_start3A_443 = arith.constant 0 : i32
      %dma_start3A_444 = tpu.memref_slice %arg8[%add3A_442, %dma_start3A_443] : memref<512x64xf32, #tpu.memory_space<vmem>> -> memref<1x64xf32, #tpu.memory_space<vmem>>
      %dma_start3A_445 = arith.constant 0 : i32
      %dma_start3A_446 = tpu.memref_slice %arg4[%squeeze3A_438, %dma_start3A_445] : memref<100000x64xf32, #tpu.memory_space<hbm>> -> memref<1x64xf32, #tpu.memory_space<hbm>>
      %dma_start3A_447 = arith.constant 0 : i32
      %dma_start3A_448 = tpu.memref_slice %arg8[%add3A_442, %dma_start3A_447] : memref<512x64xf32, #tpu.memory_space<vmem>> -> memref<1x64xf32, #tpu.memory_space<vmem>>
      %dma_start3A_449 = arith.constant 0 : i32
      %dma_start3A_450 = tpu.memref_slice %arg4[%squeeze3A_438, %dma_start3A_449] : memref<100000x64xf32, #tpu.memory_space<hbm>> -> memref<1x64xf32, #tpu.memory_space<hbm>>
      tpu.enqueue_dma source(%dma_start3A_450 : memref<1x64xf32, #tpu.memory_space<hbm>>) target(%dma_start3A_448 : memref<1x64xf32, #tpu.memory_space<vmem>>) target_semaphore(%arg14 : memref<!tpu.dma_semaphore, #tpu.memory_space<semaphore_mem>>)
    }
    %scan3A_75 = arith.constant 8 : i32
    %scan3A_76 = arith.constant 0 : i32
    %scan3A_77 = arith.constant 128 : i32
    %scan3A_78 = arith.addi %scan3A_76, %scan3A_77 : i32
    %scan3A_79 = arith.constant 1 : i32
    %scan3A_80 = scf.for %scan3A_222 = %scan3A_76 to %scan3A_78 step %scan3A_79 iter_args(%scan3A_223 = %broadcast_in_dim3A_43) -> (vector<16xf32>)  : i32 {
      %add3A_224 = arith.constant 0 : i32
      %add3A_225 = arith.addi %add3A_224, %scan3A_222 : i32
      %get3A = arith.constant 0 : i32
      %get3A_226 = arith.index_cast %get3A : i32 to index
      %get3A_227 = arith.index_cast %scan3A_222 : i32 to index
      %get3A_228 = arith.constant 0 : index
      %get3A_229 = tpu.vector_load %arg7[%get3A_226, %get3A_227, %get3A_228] {strides = array<i32>} : memref<2x128x64xf32, #tpu.memory_space<vmem>>, vector<1x1x16xf32>,
      %get3A_230 = vector.shape_cast %get3A_229 : vector<1x1x16xf32> to vector<16xf32>
      %get3A_231 = arith.index_cast %add3A_225 : i32 to index
      %get3A_232 = arith.constant 0 : index
      %get3A_233 = tpu.vector_load %arg8[%get3A_231, %get3A_232] {strides = array<i32>} : memref<512x64xf32, #tpu.memory_space<vmem>>, vector<1x16xf32>,
      %get3A_234 = vector.shape_cast %get3A_233 : vector<1x16xf32> to vector<16xf32>
      %sub3A = arith.subf %get3A_230, %get3A_234 : vector<16xf32>
      %mul3A_235 = arith.mulf %sub3A, %sub3A : vector<16xf32>
      %add3A_236 = arith.addf %scan3A_223, %mul3A_235 : vector<16xf32>
      %get3A_237 = arith.constant 0 : i32
      %get3A_238 = arith.index_cast %get3A_237 : i32 to index
      %get3A_239 = arith.index_cast %scan3A_222 : i32 to index
      %get3A_240 = arith.constant 16 : index
      %get3A_241 = tpu.vector_load %arg7[%get3A_238, %get3A_239, %get3A_240] {strides = array<i32>} : memref<2x128x64xf32, #tpu.memory_space<vmem>>, vector<1x1x16xf32>,
      %get3A_242 = vector.shape_cast %get3A_241 : vector<1x1x16xf32> to vector<16xf32>
      %get3A_243 = arith.index_cast %add3A_225 : i32 to index
      %get3A_244 = arith.constant 16 : index
      %get3A_245 = tpu.vector_load %arg8[%get3A_243, %get3A_244] {strides = array<i32>} : memref<512x64xf32, #tpu.memory_space<vmem>>, vector<1x16xf32>,
      %get3A_246 = vector.shape_cast %get3A_245 : vector<1x16xf32> to vector<16xf32>
      %sub3A_247 = arith.subf %get3A_242, %get3A_246 : vector<16xf32>
      %mul3A_248 = arith.mulf %sub3A_247, %sub3A_247 : vector<16xf32>
      %add3A_249 = arith.addf %add3A_236, %mul3A_248 : vector<16xf32>
      %get3A_250 = arith.constant 0 : i32
      %get3A_251 = arith.index_cast %get3A_250 : i32 to index
      %get3A_252 = arith.index_cast %scan3A_222 : i32 to index
      %get3A_253 = arith.constant 32 : index
      %get3A_254 = tpu.vector_load %arg7[%get3A_251, %get3A_252, %get3A_253] {strides = array<i32>} : memref<2x128x64xf32, #tpu.memory_space<vmem>>, vector<1x1x16xf32>,
      %get3A_255 = vector.shape_cast %get3A_254 : vector<1x1x16xf32> to vector<16xf32>
      %get3A_256 = arith.index_cast %add3A_225 : i32 to index
      %get3A_257 = arith.constant 32 : index
      %get3A_258 = tpu.vector_load %arg8[%get3A_256, %get3A_257] {strides = array<i32>} : memref<512x64xf32, #tpu.memory_space<vmem>>, vector<1x16xf32>,
      %get3A_259 = vector.shape_cast %get3A_258 : vector<1x16xf32> to vector<16xf32>
      %sub3A_260 = arith.subf %get3A_255, %get3A_259 : vector<16xf32>
      %mul3A_261 = arith.mulf %sub3A_260, %sub3A_260 : vector<16xf32>
      %add3A_262 = arith.addf %add3A_249, %mul3A_261 : vector<16xf32>
      %get3A_263 = arith.constant 0 : i32
      %get3A_264 = arith.index_cast %get3A_263 : i32 to index
      %get3A_265 = arith.index_cast %scan3A_222 : i32 to index
      %get3A_266 = arith.constant 48 : index
      %get3A_267 = tpu.vector_load %arg7[%get3A_264, %get3A_265, %get3A_266] {strides = array<i32>} : memref<2x128x64xf32, #tpu.memory_space<vmem>>, vector<1x1x16xf32>,
      %get3A_268 = vector.shape_cast %get3A_267 : vector<1x1x16xf32> to vector<16xf32>
      %get3A_269 = arith.index_cast %add3A_225 : i32 to index
      %get3A_270 = arith.constant 48 : index
      %get3A_271 = tpu.vector_load %arg8[%get3A_269, %get3A_270] {strides = array<i32>} : memref<512x64xf32, #tpu.memory_space<vmem>>, vector<1x16xf32>,
      %get3A_272 = vector.shape_cast %get3A_271 : vector<1x16xf32> to vector<16xf32>
      %sub3A_273 = arith.subf %get3A_268, %get3A_272 : vector<16xf32>
      %mul3A_274 = arith.mulf %sub3A_273, %sub3A_273 : vector<16xf32>
      %add3A_275 = arith.addf %add3A_262, %mul3A_274 : vector<16xf32>
      scf.yield %add3A_275 : vector<16xf32>
    }
    %scan3A_81 = arith.constant 128 : i32
    %add3A_82 = arith.constant 256 : i32
    %add3A_83 = arith.addi %mul3A_2, %add3A_82 : i32
    %dma_start3A_84 = arith.constant 0 : i32
    %dma_start3A_85 = arith.constant 0 : i32
    %dma_start3A_86 = arith.constant 0 : i32
    %dma_start3A_87 = tpu.memref_slice %arg7[%dma_start3A_84, %dma_start3A_85, %dma_start3A_86] : memref<2x128x64xf32, #tpu.memory_space<vmem>> -> memref<1x128x64xf32, #tpu.memory_space<vmem>>
    %dma_start3A_88 = tpu.memref_squeeze %dma_start3A_87 : memref<1x128x64xf32, #tpu.memory_space<vmem>> -> memref<128x64xf32, #tpu.memory_space<vmem>>
    %dma_start3A_89 = arith.constant 0 : i32
    %dma_start3A_90 = tpu.memref_slice %arg2[%add3A_83, %dma_start3A_89] : memref<16384x64xf32, #tpu.memory_space<hbm>> -> memref<128x64xf32, #tpu.memory_space<hbm>>
    %dma_start3A_91 = arith.constant 0 : i32
    %dma_start3A_92 = arith.constant 0 : i32
    %dma_start3A_93 = tpu.memref_slice %arg7[%dma_start3A_84, %dma_start3A_91, %dma_start3A_92] : memref<2x128x64xf32, #tpu.memory_space<vmem>> -> memref<1x128x64xf32, #tpu.memory_space<vmem>>
    %dma_start3A_94 = tpu.memref_squeeze %dma_start3A_93 : memref<1x128x64xf32, #tpu.memory_space<vmem>> -> memref<128x64xf32, #tpu.memory_space<vmem>>
    %dma_start3A_95 = arith.constant 0 : i32
    %dma_start3A_96 = tpu.memref_slice %arg2[%add3A_83, %dma_start3A_95] : memref<16384x64xf32, #tpu.memory_space<hbm>> -> memref<128x64xf32, #tpu.memory_space<hbm>>
    tpu.enqueue_dma source(%dma_start3A_96 : memref<128x64xf32, #tpu.memory_space<hbm>>) target(%dma_start3A_94 : memref<128x64xf32, #tpu.memory_space<vmem>>) target_semaphore(%arg10 : memref<!tpu.dma_semaphore, #tpu.memory_space<semaphore_mem>>)
    %dma_wait3A_97 = arith.constant 1 : i32
    %dma_wait3A_98 = arith.constant 0 : i32
    %dma_wait3A_99 = arith.constant 0 : i32
    %dma_wait3A_100 = tpu.memref_slice %arg7[%dma_wait3A_97, %dma_wait3A_98, %dma_wait3A_99] : memref<2x128x64xf32, #tpu.memory_space<vmem>> -> memref<1x128x64xf32, #tpu.memory_space<vmem>>
    %dma_wait3A_101 = tpu.memref_squeeze %dma_wait3A_100 : memref<1x128x64xf32, #tpu.memory_space<vmem>> -> memref<128x64xf32, #tpu.memory_space<vmem>>
    %dma_wait3A_102 = arith.constant 0 : i32
    %dma_wait3A_103 = arith.constant 0 : i32
    %dma_wait3A_104 = tpu.memref_slice %arg2[%dma_wait3A_102, %dma_wait3A_103] : memref<16384x64xf32, #tpu.memory_space<hbm>> -> memref<128x64xf32, #tpu.memory_space<hbm>>
    %dma_wait3A_105 = arith.constant 0 : i32
    %dma_wait3A_106 = arith.constant 0 : i32
    %dma_wait3A_107 = tpu.memref_slice %arg7[%dma_wait3A_97, %dma_wait3A_105, %dma_wait3A_106] : memref<2x128x64xf32, #tpu.memory_space<vmem>> -> memref<1x128x64xf32, #tpu.memory_space<vmem>>
    %dma_wait3A_108 = tpu.memref_squeeze %dma_wait3A_107 : memref<1x128x64xf32, #tpu.memory_space<vmem>> -> memref<128x64xf32, #tpu.memory_space<vmem>>
    %dma_wait3A_109 = arith.constant 0 : i32
    %dma_wait3A_110 = arith.constant 0 : i32
    %dma_wait3A_111 = tpu.memref_slice %arg2[%dma_wait3A_109, %dma_wait3A_110] : memref<16384x64xf32, #tpu.memory_space<hbm>> -> memref<128x64xf32, #tpu.memory_space<hbm>>
    tpu.wait_dma2 semaphore(%arg11 : memref<!tpu.dma_semaphore, #tpu.memory_space<semaphore_mem>>) src(%dma_wait3A_111 : memref<128x64xf32, #tpu.memory_space<hbm>>) dst(%dma_wait3A_108 : memref<128x64xf32, #tpu.memory_space<vmem>>)
    %dma_wait3A_112 = arith.constant 128 : i32
    %dma_wait3A_113 = arith.constant 0 : i32
    %dma_wait3A_114 = tpu.memref_slice %arg8[%dma_wait3A_112, %dma_wait3A_113] : memref<512x64xf32, #tpu.memory_space<vmem>> -> memref<128x64xf32, #tpu.memory_space<vmem>>
    %dma_wait3A_115 = arith.constant 0 : i32
    %dma_wait3A_116 = arith.constant 0 : i32
    %dma_wait3A_117 = tpu.memref_slice %arg4[%dma_wait3A_115, %dma_wait3A_116] : memref<100000x64xf32, #tpu.memory_space<hbm>> -> memref<128x64xf32, #tpu.memory_space<hbm>>
    %dma_wait3A_118 = arith.constant 128 : i32
    %dma_wait3A_119 = arith.constant 0 : i32
    %dma_wait3A_120 = tpu.memref_slice %arg8[%dma_wait3A_118, %dma_wait3A_119] : memref<512x64xf32, #tpu.memory_space<vmem>> -> memref<128x64xf32, #tpu.memory_space<vmem>>
    %dma_wait3A_121 = arith.constant 0 : i32
    %dma_wait3A_122 = arith.constant 0 : i32
    %dma_wait3A_123 = tpu.memref_slice %arg4[%dma_wait3A_121, %dma_wait3A_122] : memref<100000x64xf32, #tpu.memory_space<hbm>> -> memref<128x64xf32, #tpu.memory_space<hbm>>
    tpu.wait_dma2 semaphore(%arg13 : memref<!tpu.dma_semaphore, #tpu.memory_space<semaphore_mem>>) src(%dma_wait3A_123 : memref<128x64xf32, #tpu.memory_space<hbm>>) dst(%dma_wait3A_120 : memref<128x64xf32, #tpu.memory_space<vmem>>)
    %scan3A_124 = arith.constant 0 : i32
    %scan3A_125 = arith.constant 0 : i32
    %scan3A_126 = arith.constant 8 : i32
    %scan3A_127 = arith.addi %scan3A_125, %scan3A_126 : i32
    %scan3A_128 = arith.constant 1 : i32
    scf.for %scan3A_222 = %scan3A_125 to %scan3A_127 step %scan3A_128  : i32 {
      %add3A_223 = arith.constant 24 : i32
      %add3A_224 = arith.addi %add3A_223, %scan3A_222 : i32
      %mul3A_225 = arith.constant 16 : i32
      %mul3A_226 = arith.muli %add3A_224, %mul3A_225 : i32
      %get3A = arith.index_cast %mul3A_226 : i32 to index
      %get3A_227 = tpu.vector_load %arg6[%get3A] {strides = array<i32>} : memref<512xi32, #tpu.memory_space<vmem>>, vector<16xi32>,
      %get3A_228 = vector.shape_cast %get3A_227 : vector<16xi32> to vector<16xi32>
      %slice3A = vector.extract_strided_slice %get3A_228 {offsets = [0], sizes = [1], strides = [1]} : vector<16xi32> to vector<1xi32>
      %squeeze3A = vector.extract %slice3A[0] : i32 from vector<1xi32>
      %mul3A_229 = arith.constant 16 : i32
      %mul3A_230 = arith.muli %add3A_224, %mul3A_229 : i32
      %add3A_231 = arith.constant 0 : i32
      %add3A_232 = arith.addi %mul3A_230, %add3A_231 : i32
      %dma_start3A_233 = arith.constant 0 : i32
      %dma_start3A_234 = tpu.memref_slice %arg8[%add3A_232, %dma_start3A_233] : memref<512x64xf32, #tpu.memory_space<vmem>> -> memref<1x64xf32, #tpu.memory_space<vmem>>
      %dma_start3A_235 = arith.constant 0 : i32
      %dma_start3A_236 = tpu.memref_slice %arg4[%squeeze3A, %dma_start3A_235] : memref<100000x64xf32, #tpu.memory_space<hbm>> -> memref<1x64xf32, #tpu.memory_space<hbm>>
      %dma_start3A_237 = arith.constant 0 : i32
      %dma_start3A_238 = tpu.memref_slice %arg8[%add3A_232, %dma_start3A_237] : memref<512x64xf32, #tpu.memory_space<vmem>> -> memref<1x64xf32, #tpu.memory_space<vmem>>
      %dma_start3A_239 = arith.constant 0 : i32
      %dma_start3A_240 = tpu.memref_slice %arg4[%squeeze3A, %dma_start3A_239] : memref<100000x64xf32, #tpu.memory_space<hbm>> -> memref<1x64xf32, #tpu.memory_space<hbm>>
      tpu.enqueue_dma source(%dma_start3A_240 : memref<1x64xf32, #tpu.memory_space<hbm>>) target(%dma_start3A_238 : memref<1x64xf32, #tpu.memory_space<vmem>>) target_semaphore(%arg15 : memref<!tpu.dma_semaphore, #tpu.memory_space<semaphore_mem>>)
      %slice3A_241 = vector.extract_strided_slice %get3A_228 {offsets = [1], sizes = [1], strides = [1]} : vector<16xi32> to vector<1xi32>
      %squeeze3A_242 = vector.extract %slice3A_241[0] : i32 from vector<1xi32>
      %mul3A_243 = arith.constant 16 : i32
      %mul3A_244 = arith.muli %add3A_224, %mul3A_243 : i32
      %add3A_245 = arith.constant 1 : i32
      %add3A_246 = arith.addi %mul3A_244, %add3A_245 : i32
      %dma_start3A_247 = arith.constant 0 : i32
      %dma_start3A_248 = tpu.memref_slice %arg8[%add3A_246, %dma_start3A_247] : memref<512x64xf32, #tpu.memory_space<vmem>> -> memref<1x64xf32, #tpu.memory_space<vmem>>
      %dma_start3A_249 = arith.constant 0 : i32
      %dma_start3A_250 = tpu.memref_slice %arg4[%squeeze3A_242, %dma_start3A_249] : memref<100000x64xf32, #tpu.memory_space<hbm>> -> memref<1x64xf32, #tpu.memory_space<hbm>>
      %dma_start3A_251 = arith.constant 0 : i32
      %dma_start3A_252 = tpu.memref_slice %arg8[%add3A_246, %dma_start3A_251] : memref<512x64xf32, #tpu.memory_space<vmem>> -> memref<1x64xf32, #tpu.memory_space<vmem>>
      %dma_start3A_253 = arith.constant 0 : i32
      %dma_start3A_254 = tpu.memref_slice %arg4[%squeeze3A_242, %dma_start3A_253] : memref<100000x64xf32, #tpu.memory_space<hbm>> -> memref<1x64xf32, #tpu.memory_space<hbm>>
      tpu.enqueue_dma source(%dma_start3A_254 : memref<1x64xf32, #tpu.memory_space<hbm>>) target(%dma_start3A_252 : memref<1x64xf32, #tpu.memory_space<vmem>>) target_semaphore(%arg15 : memref<!tpu.dma_semaphore, #tpu.memory_space<semaphore_mem>>)
      %slice3A_255 = vector.extract_strided_slice %get3A_228 {offsets = [2], sizes = [1], strides = [1]} : vector<16xi32> to vector<1xi32>
      %squeeze3A_256 = vector.extract %slice3A_255[0] : i32 from vector<1xi32>
      %mul3A_257 = arith.constant 16 : i32
      %mul3A_258 = arith.muli %add3A_224, %mul3A_257 : i32
      %add3A_259 = arith.constant 2 : i32
      %add3A_260 = arith.addi %mul3A_258, %add3A_259 : i32
      %dma_start3A_261 = arith.constant 0 : i32
      %dma_start3A_262 = tpu.memref_slice %arg8[%add3A_260, %dma_start3A_261] : memref<512x64xf32, #tpu.memory_space<vmem>> -> memref<1x64xf32, #tpu.memory_space<vmem>>
      %dma_start3A_263 = arith.constant 0 : i32
      %dma_start3A_264 = tpu.memref_slice %arg4[%squeeze3A_256, %dma_start3A_263] : memref<100000x64xf32, #tpu.memory_space<hbm>> -> memref<1x64xf32, #tpu.memory_space<hbm>>
      %dma_start3A_265 = arith.constant 0 : i32
      %dma_start3A_266 = tpu.memref_slice %arg8[%add3A_260, %dma_start3A_265] : memref<512x64xf32, #tpu.memory_space<vmem>> -> memref<1x64xf32, #tpu.memory_space<vmem>>
      %dma_start3A_267 = arith.constant 0 : i32
      %dma_start3A_268 = tpu.memref_slice %arg4[%squeeze3A_256, %dma_start3A_267] : memref<100000x64xf32, #tpu.memory_space<hbm>> -> memref<1x64xf32, #tpu.memory_space<hbm>>
      tpu.enqueue_dma source(%dma_start3A_268 : memref<1x64xf32, #tpu.memory_space<hbm>>) target(%dma_start3A_266 : memref<1x64xf32, #tpu.memory_space<vmem>>) target_semaphore(%arg15 : memref<!tpu.dma_semaphore, #tpu.memory_space<semaphore_mem>>)
      %slice3A_269 = vector.extract_strided_slice %get3A_228 {offsets = [3], sizes = [1], strides = [1]} : vector<16xi32> to vector<1xi32>
      %squeeze3A_270 = vector.extract %slice3A_269[0] : i32 from vector<1xi32>
      %mul3A_271 = arith.constant 16 : i32
      %mul3A_272 = arith.muli %add3A_224, %mul3A_271 : i32
      %add3A_273 = arith.constant 3 : i32
      %add3A_274 = arith.addi %mul3A_272, %add3A_273 : i32
      %dma_start3A_275 = arith.constant 0 : i32
      %dma_start3A_276 = tpu.memref_slice %arg8[%add3A_274, %dma_start3A_275] : memref<512x64xf32, #tpu.memory_space<vmem>> -> memref<1x64xf32, #tpu.memory_space<vmem>>
      %dma_start3A_277 = arith.constant 0 : i32
      %dma_start3A_278 = tpu.memref_slice %arg4[%squeeze3A_270, %dma_start3A_277] : memref<100000x64xf32, #tpu.memory_space<hbm>> -> memref<1x64xf32, #tpu.memory_space<hbm>>
      %dma_start3A_279 = arith.constant 0 : i32
      %dma_start3A_280 = tpu.memref_slice %arg8[%add3A_274, %dma_start3A_279] : memref<512x64xf32, #tpu.memory_space<vmem>> -> memref<1x64xf32, #tpu.memory_space<vmem>>
      %dma_start3A_281 = arith.constant 0 : i32
      %dma_start3A_282 = tpu.memref_slice %arg4[%squeeze3A_270, %dma_start3A_281] : memref<100000x64xf32, #tpu.memory_space<hbm>> -> memref<1x64xf32, #tpu.memory_space<hbm>>
      tpu.enqueue_dma source(%dma_start3A_282 : memref<1x64xf32, #tpu.memory_space<hbm>>) target(%dma_start3A_280 : memref<1x64xf32, #tpu.memory_space<vmem>>) target_semaphore(%arg15 : memref<!tpu.dma_semaphore, #tpu.memory_space<semaphore_mem>>)
      %slice3A_283 = vector.extract_strided_slice %get3A_228 {offsets = [4], sizes = [1], strides = [1]} : vector<16xi32> to vector<1xi32>
      %squeeze3A_284 = vector.extract %slice3A_283[0] : i32 from vector<1xi32>
      %mul3A_285 = arith.constant 16 : i32
      %mul3A_286 = arith.muli %add3A_224, %mul3A_285 : i32
      %add3A_287 = arith.constant 4 : i32
      %add3A_288 = arith.addi %mul3A_286, %add3A_287 : i32
      %dma_start3A_289 = arith.constant 0 : i32
      %dma_start3A_290 = tpu.memref_slice %arg8[%add3A_288, %dma_start3A_289] : memref<512x64xf32, #tpu.memory_space<vmem>> -> memref<1x64xf32, #tpu.memory_space<vmem>>
      %dma_start3A_291 = arith.constant 0 : i32
      %dma_start3A_292 = tpu.memref_slice %arg4[%squeeze3A_284, %dma_start3A_291] : memref<100000x64xf32, #tpu.memory_space<hbm>> -> memref<1x64xf32, #tpu.memory_space<hbm>>
      %dma_start3A_293 = arith.constant 0 : i32
      %dma_start3A_294 = tpu.memref_slice %arg8[%add3A_288, %dma_start3A_293] : memref<512x64xf32, #tpu.memory_space<vmem>> -> memref<1x64xf32, #tpu.memory_space<vmem>>
      %dma_start3A_295 = arith.constant 0 : i32
      %dma_start3A_296 = tpu.memref_slice %arg4[%squeeze3A_284, %dma_start3A_295] : memref<100000x64xf32, #tpu.memory_space<hbm>> -> memref<1x64xf32, #tpu.memory_space<hbm>>
      tpu.enqueue_dma source(%dma_start3A_296 : memref<1x64xf32, #tpu.memory_space<hbm>>) target(%dma_start3A_294 : memref<1x64xf32, #tpu.memory_space<vmem>>) target_semaphore(%arg15 : memref<!tpu.dma_semaphore, #tpu.memory_space<semaphore_mem>>)
      %slice3A_297 = vector.extract_strided_slice %get3A_228 {offsets = [5], sizes = [1], strides = [1]} : vector<16xi32> to vector<1xi32>
      %squeeze3A_298 = vector.extract %slice3A_297[0] : i32 from vector<1xi32>
      %mul3A_299 = arith.constant 16 : i32
      %mul3A_300 = arith.muli %add3A_224, %mul3A_299 : i32
      %add3A_301 = arith.constant 5 : i32
      %add3A_302 = arith.addi %mul3A_300, %add3A_301 : i32
      %dma_start3A_303 = arith.constant 0 : i32
      %dma_start3A_304 = tpu.memref_slice %arg8[%add3A_302, %dma_start3A_303] : memref<512x64xf32, #tpu.memory_space<vmem>> -> memref<1x64xf32, #tpu.memory_space<vmem>>
      %dma_start3A_305 = arith.constant 0 : i32
      %dma_start3A_306 = tpu.memref_slice %arg4[%squeeze3A_298, %dma_start3A_305] : memref<100000x64xf32, #tpu.memory_space<hbm>> -> memref<1x64xf32, #tpu.memory_space<hbm>>
      %dma_start3A_307 = arith.constant 0 : i32
      %dma_start3A_308 = tpu.memref_slice %arg8[%add3A_302, %dma_start3A_307] : memref<512x64xf32, #tpu.memory_space<vmem>> -> memref<1x64xf32, #tpu.memory_space<vmem>>
      %dma_start3A_309 = arith.constant 0 : i32
      %dma_start3A_310 = tpu.memref_slice %arg4[%squeeze3A_298, %dma_start3A_309] : memref<100000x64xf32, #tpu.memory_space<hbm>> -> memref<1x64xf32, #tpu.memory_space<hbm>>
      tpu.enqueue_dma source(%dma_start3A_310 : memref<1x64xf32, #tpu.memory_space<hbm>>) target(%dma_start3A_308 : memref<1x64xf32, #tpu.memory_space<vmem>>) target_semaphore(%arg15 : memref<!tpu.dma_semaphore, #tpu.memory_space<semaphore_mem>>)
      %slice3A_311 = vector.extract_strided_slice %get3A_228 {offsets = [6], sizes = [1], strides = [1]} : vector<16xi32> to vector<1xi32>
      %squeeze3A_312 = vector.extract %slice3A_311[0] : i32 from vector<1xi32>
      %mul3A_313 = arith.constant 16 : i32
      %mul3A_314 = arith.muli %add3A_224, %mul3A_313 : i32
      %add3A_315 = arith.constant 6 : i32
      %add3A_316 = arith.addi %mul3A_314, %add3A_315 : i32
      %dma_start3A_317 = arith.constant 0 : i32
      %dma_start3A_318 = tpu.memref_slice %arg8[%add3A_316, %dma_start3A_317] : memref<512x64xf32, #tpu.memory_space<vmem>> -> memref<1x64xf32, #tpu.memory_space<vmem>>
      %dma_start3A_319 = arith.constant 0 : i32
      %dma_start3A_320 = tpu.memref_slice %arg4[%squeeze3A_312, %dma_start3A_319] : memref<100000x64xf32, #tpu.memory_space<hbm>> -> memref<1x64xf32, #tpu.memory_space<hbm>>
      %dma_start3A_321 = arith.constant 0 : i32
      %dma_start3A_322 = tpu.memref_slice %arg8[%add3A_316, %dma_start3A_321] : memref<512x64xf32, #tpu.memory_space<vmem>> -> memref<1x64xf32, #tpu.memory_space<vmem>>
      %dma_start3A_323 = arith.constant 0 : i32
      %dma_start3A_324 = tpu.memref_slice %arg4[%squeeze3A_312, %dma_start3A_323] : memref<100000x64xf32, #tpu.memory_space<hbm>> -> memref<1x64xf32, #tpu.memory_space<hbm>>
      tpu.enqueue_dma source(%dma_start3A_324 : memref<1x64xf32, #tpu.memory_space<hbm>>) target(%dma_start3A_322 : memref<1x64xf32, #tpu.memory_space<vmem>>) target_semaphore(%arg15 : memref<!tpu.dma_semaphore, #tpu.memory_space<semaphore_mem>>)
      %slice3A_325 = vector.extract_strided_slice %get3A_228 {offsets = [7], sizes = [1], strides = [1]} : vector<16xi32> to vector<1xi32>
      %squeeze3A_326 = vector.extract %slice3A_325[0] : i32 from vector<1xi32>
      %mul3A_327 = arith.constant 16 : i32
      %mul3A_328 = arith.muli %add3A_224, %mul3A_327 : i32
      %add3A_329 = arith.constant 7 : i32
      %add3A_330 = arith.addi %mul3A_328, %add3A_329 : i32
      %dma_start3A_331 = arith.constant 0 : i32
      %dma_start3A_332 = tpu.memref_slice %arg8[%add3A_330, %dma_start3A_331] : memref<512x64xf32, #tpu.memory_space<vmem>> -> memref<1x64xf32, #tpu.memory_space<vmem>>
      %dma_start3A_333 = arith.constant 0 : i32
      %dma_start3A_334 = tpu.memref_slice %arg4[%squeeze3A_326, %dma_start3A_333] : memref<100000x64xf32, #tpu.memory_space<hbm>> -> memref<1x64xf32, #tpu.memory_space<hbm>>
      %dma_start3A_335 = arith.constant 0 : i32
      %dma_start3A_336 = tpu.memref_slice %arg8[%add3A_330, %dma_start3A_335] : memref<512x64xf32, #tpu.memory_space<vmem>> -> memref<1x64xf32, #tpu.memory_space<vmem>>
      %dma_start3A_337 = arith.constant 0 : i32
      %dma_start3A_338 = tpu.memref_slice %arg4[%squeeze3A_326, %dma_start3A_337] : memref<100000x64xf32, #tpu.memory_space<hbm>> -> memref<1x64xf32, #tpu.memory_space<hbm>>
      tpu.enqueue_dma source(%dma_start3A_338 : memref<1x64xf32, #tpu.memory_space<hbm>>) target(%dma_start3A_336 : memref<1x64xf32, #tpu.memory_space<vmem>>) target_semaphore(%arg15 : memref<!tpu.dma_semaphore, #tpu.memory_space<semaphore_mem>>)
      %slice3A_339 = vector.extract_strided_slice %get3A_228 {offsets = [8], sizes = [1], strides = [1]} : vector<16xi32> to vector<1xi32>
      %squeeze3A_340 = vector.extract %slice3A_339[0] : i32 from vector<1xi32>
      %mul3A_341 = arith.constant 16 : i32
      %mul3A_342 = arith.muli %add3A_224, %mul3A_341 : i32
      %add3A_343 = arith.constant 8 : i32
      %add3A_344 = arith.addi %mul3A_342, %add3A_343 : i32
      %dma_start3A_345 = arith.constant 0 : i32
      %dma_start3A_346 = tpu.memref_slice %arg8[%add3A_344, %dma_start3A_345] : memref<512x64xf32, #tpu.memory_space<vmem>> -> memref<1x64xf32, #tpu.memory_space<vmem>>
      %dma_start3A_347 = arith.constant 0 : i32
      %dma_start3A_348 = tpu.memref_slice %arg4[%squeeze3A_340, %dma_start3A_347] : memref<100000x64xf32, #tpu.memory_space<hbm>> -> memref<1x64xf32, #tpu.memory_space<hbm>>
      %dma_start3A_349 = arith.constant 0 : i32
      %dma_start3A_350 = tpu.memref_slice %arg8[%add3A_344, %dma_start3A_349] : memref<512x64xf32, #tpu.memory_space<vmem>> -> memref<1x64xf32, #tpu.memory_space<vmem>>
      %dma_start3A_351 = arith.constant 0 : i32
      %dma_start3A_352 = tpu.memref_slice %arg4[%squeeze3A_340, %dma_start3A_351] : memref<100000x64xf32, #tpu.memory_space<hbm>> -> memref<1x64xf32, #tpu.memory_space<hbm>>
      tpu.enqueue_dma source(%dma_start3A_352 : memref<1x64xf32, #tpu.memory_space<hbm>>) target(%dma_start3A_350 : memref<1x64xf32, #tpu.memory_space<vmem>>) target_semaphore(%arg15 : memref<!tpu.dma_semaphore, #tpu.memory_space<semaphore_mem>>)
      %slice3A_353 = vector.extract_strided_slice %get3A_228 {offsets = [9], sizes = [1], strides = [1]} : vector<16xi32> to vector<1xi32>
      %squeeze3A_354 = vector.extract %slice3A_353[0] : i32 from vector<1xi32>
      %mul3A_355 = arith.constant 16 : i32
      %mul3A_356 = arith.muli %add3A_224, %mul3A_355 : i32
      %add3A_357 = arith.constant 9 : i32
      %add3A_358 = arith.addi %mul3A_356, %add3A_357 : i32
      %dma_start3A_359 = arith.constant 0 : i32
      %dma_start3A_360 = tpu.memref_slice %arg8[%add3A_358, %dma_start3A_359] : memref<512x64xf32, #tpu.memory_space<vmem>> -> memref<1x64xf32, #tpu.memory_space<vmem>>
      %dma_start3A_361 = arith.constant 0 : i32
      %dma_start3A_362 = tpu.memref_slice %arg4[%squeeze3A_354, %dma_start3A_361] : memref<100000x64xf32, #tpu.memory_space<hbm>> -> memref<1x64xf32, #tpu.memory_space<hbm>>
      %dma_start3A_363 = arith.constant 0 : i32
      %dma_start3A_364 = tpu.memref_slice %arg8[%add3A_358, %dma_start3A_363] : memref<512x64xf32, #tpu.memory_space<vmem>> -> memref<1x64xf32, #tpu.memory_space<vmem>>
      %dma_start3A_365 = arith.constant 0 : i32
      %dma_start3A_366 = tpu.memref_slice %arg4[%squeeze3A_354, %dma_start3A_365] : memref<100000x64xf32, #tpu.memory_space<hbm>> -> memref<1x64xf32, #tpu.memory_space<hbm>>
      tpu.enqueue_dma source(%dma_start3A_366 : memref<1x64xf32, #tpu.memory_space<hbm>>) target(%dma_start3A_364 : memref<1x64xf32, #tpu.memory_space<vmem>>) target_semaphore(%arg15 : memref<!tpu.dma_semaphore, #tpu.memory_space<semaphore_mem>>)
      %slice3A_367 = vector.extract_strided_slice %get3A_228 {offsets = [10], sizes = [1], strides = [1]} : vector<16xi32> to vector<1xi32>
      %squeeze3A_368 = vector.extract %slice3A_367[0] : i32 from vector<1xi32>
      %mul3A_369 = arith.constant 16 : i32
      %mul3A_370 = arith.muli %add3A_224, %mul3A_369 : i32
      %add3A_371 = arith.constant 10 : i32
      %add3A_372 = arith.addi %mul3A_370, %add3A_371 : i32
      %dma_start3A_373 = arith.constant 0 : i32
      %dma_start3A_374 = tpu.memref_slice %arg8[%add3A_372, %dma_start3A_373] : memref<512x64xf32, #tpu.memory_space<vmem>> -> memref<1x64xf32, #tpu.memory_space<vmem>>
      %dma_start3A_375 = arith.constant 0 : i32
      %dma_start3A_376 = tpu.memref_slice %arg4[%squeeze3A_368, %dma_start3A_375] : memref<100000x64xf32, #tpu.memory_space<hbm>> -> memref<1x64xf32, #tpu.memory_space<hbm>>
      %dma_start3A_377 = arith.constant 0 : i32
      %dma_start3A_378 = tpu.memref_slice %arg8[%add3A_372, %dma_start3A_377] : memref<512x64xf32, #tpu.memory_space<vmem>> -> memref<1x64xf32, #tpu.memory_space<vmem>>
      %dma_start3A_379 = arith.constant 0 : i32
      %dma_start3A_380 = tpu.memref_slice %arg4[%squeeze3A_368, %dma_start3A_379] : memref<100000x64xf32, #tpu.memory_space<hbm>> -> memref<1x64xf32, #tpu.memory_space<hbm>>
      tpu.enqueue_dma source(%dma_start3A_380 : memref<1x64xf32, #tpu.memory_space<hbm>>) target(%dma_start3A_378 : memref<1x64xf32, #tpu.memory_space<vmem>>) target_semaphore(%arg15 : memref<!tpu.dma_semaphore, #tpu.memory_space<semaphore_mem>>)
      %slice3A_381 = vector.extract_strided_slice %get3A_228 {offsets = [11], sizes = [1], strides = [1]} : vector<16xi32> to vector<1xi32>
      %squeeze3A_382 = vector.extract %slice3A_381[0] : i32 from vector<1xi32>
      %mul3A_383 = arith.constant 16 : i32
      %mul3A_384 = arith.muli %add3A_224, %mul3A_383 : i32
      %add3A_385 = arith.constant 11 : i32
      %add3A_386 = arith.addi %mul3A_384, %add3A_385 : i32
      %dma_start3A_387 = arith.constant 0 : i32
      %dma_start3A_388 = tpu.memref_slice %arg8[%add3A_386, %dma_start3A_387] : memref<512x64xf32, #tpu.memory_space<vmem>> -> memref<1x64xf32, #tpu.memory_space<vmem>>
      %dma_start3A_389 = arith.constant 0 : i32
      %dma_start3A_390 = tpu.memref_slice %arg4[%squeeze3A_382, %dma_start3A_389] : memref<100000x64xf32, #tpu.memory_space<hbm>> -> memref<1x64xf32, #tpu.memory_space<hbm>>
      %dma_start3A_391 = arith.constant 0 : i32
      %dma_start3A_392 = tpu.memref_slice %arg8[%add3A_386, %dma_start3A_391] : memref<512x64xf32, #tpu.memory_space<vmem>> -> memref<1x64xf32, #tpu.memory_space<vmem>>
      %dma_start3A_393 = arith.constant 0 : i32
      %dma_start3A_394 = tpu.memref_slice %arg4[%squeeze3A_382, %dma_start3A_393] : memref<100000x64xf32, #tpu.memory_space<hbm>> -> memref<1x64xf32, #tpu.memory_space<hbm>>
      tpu.enqueue_dma source(%dma_start3A_394 : memref<1x64xf32, #tpu.memory_space<hbm>>) target(%dma_start3A_392 : memref<1x64xf32, #tpu.memory_space<vmem>>) target_semaphore(%arg15 : memref<!tpu.dma_semaphore, #tpu.memory_space<semaphore_mem>>)
      %slice3A_395 = vector.extract_strided_slice %get3A_228 {offsets = [12], sizes = [1], strides = [1]} : vector<16xi32> to vector<1xi32>
      %squeeze3A_396 = vector.extract %slice3A_395[0] : i32 from vector<1xi32>
      %mul3A_397 = arith.constant 16 : i32
      %mul3A_398 = arith.muli %add3A_224, %mul3A_397 : i32
      %add3A_399 = arith.constant 12 : i32
      %add3A_400 = arith.addi %mul3A_398, %add3A_399 : i32
      %dma_start3A_401 = arith.constant 0 : i32
      %dma_start3A_402 = tpu.memref_slice %arg8[%add3A_400, %dma_start3A_401] : memref<512x64xf32, #tpu.memory_space<vmem>> -> memref<1x64xf32, #tpu.memory_space<vmem>>
      %dma_start3A_403 = arith.constant 0 : i32
      %dma_start3A_404 = tpu.memref_slice %arg4[%squeeze3A_396, %dma_start3A_403] : memref<100000x64xf32, #tpu.memory_space<hbm>> -> memref<1x64xf32, #tpu.memory_space<hbm>>
      %dma_start3A_405 = arith.constant 0 : i32
      %dma_start3A_406 = tpu.memref_slice %arg8[%add3A_400, %dma_start3A_405] : memref<512x64xf32, #tpu.memory_space<vmem>> -> memref<1x64xf32, #tpu.memory_space<vmem>>
      %dma_start3A_407 = arith.constant 0 : i32
      %dma_start3A_408 = tpu.memref_slice %arg4[%squeeze3A_396, %dma_start3A_407] : memref<100000x64xf32, #tpu.memory_space<hbm>> -> memref<1x64xf32, #tpu.memory_space<hbm>>
      tpu.enqueue_dma source(%dma_start3A_408 : memref<1x64xf32, #tpu.memory_space<hbm>>) target(%dma_start3A_406 : memref<1x64xf32, #tpu.memory_space<vmem>>) target_semaphore(%arg15 : memref<!tpu.dma_semaphore, #tpu.memory_space<semaphore_mem>>)
      %slice3A_409 = vector.extract_strided_slice %get3A_228 {offsets = [13], sizes = [1], strides = [1]} : vector<16xi32> to vector<1xi32>
      %squeeze3A_410 = vector.extract %slice3A_409[0] : i32 from vector<1xi32>
      %mul3A_411 = arith.constant 16 : i32
      %mul3A_412 = arith.muli %add3A_224, %mul3A_411 : i32
      %add3A_413 = arith.constant 13 : i32
      %add3A_414 = arith.addi %mul3A_412, %add3A_413 : i32
      %dma_start3A_415 = arith.constant 0 : i32
      %dma_start3A_416 = tpu.memref_slice %arg8[%add3A_414, %dma_start3A_415] : memref<512x64xf32, #tpu.memory_space<vmem>> -> memref<1x64xf32, #tpu.memory_space<vmem>>
      %dma_start3A_417 = arith.constant 0 : i32
      %dma_start3A_418 = tpu.memref_slice %arg4[%squeeze3A_410, %dma_start3A_417] : memref<100000x64xf32, #tpu.memory_space<hbm>> -> memref<1x64xf32, #tpu.memory_space<hbm>>
      %dma_start3A_419 = arith.constant 0 : i32
      %dma_start3A_420 = tpu.memref_slice %arg8[%add3A_414, %dma_start3A_419] : memref<512x64xf32, #tpu.memory_space<vmem>> -> memref<1x64xf32, #tpu.memory_space<vmem>>
      %dma_start3A_421 = arith.constant 0 : i32
      %dma_start3A_422 = tpu.memref_slice %arg4[%squeeze3A_410, %dma_start3A_421] : memref<100000x64xf32, #tpu.memory_space<hbm>> -> memref<1x64xf32, #tpu.memory_space<hbm>>
      tpu.enqueue_dma source(%dma_start3A_422 : memref<1x64xf32, #tpu.memory_space<hbm>>) target(%dma_start3A_420 : memref<1x64xf32, #tpu.memory_space<vmem>>) target_semaphore(%arg15 : memref<!tpu.dma_semaphore, #tpu.memory_space<semaphore_mem>>)
      %slice3A_423 = vector.extract_strided_slice %get3A_228 {offsets = [14], sizes = [1], strides = [1]} : vector<16xi32> to vector<1xi32>
      %squeeze3A_424 = vector.extract %slice3A_423[0] : i32 from vector<1xi32>
      %mul3A_425 = arith.constant 16 : i32
      %mul3A_426 = arith.muli %add3A_224, %mul3A_425 : i32
      %add3A_427 = arith.constant 14 : i32
      %add3A_428 = arith.addi %mul3A_426, %add3A_427 : i32
      %dma_start3A_429 = arith.constant 0 : i32
      %dma_start3A_430 = tpu.memref_slice %arg8[%add3A_428, %dma_start3A_429] : memref<512x64xf32, #tpu.memory_space<vmem>> -> memref<1x64xf32, #tpu.memory_space<vmem>>
      %dma_start3A_431 = arith.constant 0 : i32
      %dma_start3A_432 = tpu.memref_slice %arg4[%squeeze3A_424, %dma_start3A_431] : memref<100000x64xf32, #tpu.memory_space<hbm>> -> memref<1x64xf32, #tpu.memory_space<hbm>>
      %dma_start3A_433 = arith.constant 0 : i32
      %dma_start3A_434 = tpu.memref_slice %arg8[%add3A_428, %dma_start3A_433] : memref<512x64xf32, #tpu.memory_space<vmem>> -> memref<1x64xf32, #tpu.memory_space<vmem>>
      %dma_start3A_435 = arith.constant 0 : i32
      %dma_start3A_436 = tpu.memref_slice %arg4[%squeeze3A_424, %dma_start3A_435] : memref<100000x64xf32, #tpu.memory_space<hbm>> -> memref<1x64xf32, #tpu.memory_space<hbm>>
      tpu.enqueue_dma source(%dma_start3A_436 : memref<1x64xf32, #tpu.memory_space<hbm>>) target(%dma_start3A_434 : memref<1x64xf32, #tpu.memory_space<vmem>>) target_semaphore(%arg15 : memref<!tpu.dma_semaphore, #tpu.memory_space<semaphore_mem>>)
      %slice3A_437 = vector.extract_strided_slice %get3A_228 {offsets = [15], sizes = [1], strides = [1]} : vector<16xi32> to vector<1xi32>
      %squeeze3A_438 = vector.extract %slice3A_437[0] : i32 from vector<1xi32>
      %mul3A_439 = arith.constant 16 : i32
      %mul3A_440 = arith.muli %add3A_224, %mul3A_439 : i32
      %add3A_441 = arith.constant 15 : i32
      %add3A_442 = arith.addi %mul3A_440, %add3A_441 : i32
      %dma_start3A_443 = arith.constant 0 : i32
      %dma_start3A_444 = tpu.memref_slice %arg8[%add3A_442, %dma_start3A_443] : memref<512x64xf32, #tpu.memory_space<vmem>> -> memref<1x64xf32, #tpu.memory_space<vmem>>
      %dma_start3A_445 = arith.constant 0 : i32
      %dma_start3A_446 = tpu.memref_slice %arg4[%squeeze3A_438, %dma_start3A_445] : memref<100000x64xf32, #tpu.memory_space<hbm>> -> memref<1x64xf32, #tpu.memory_space<hbm>>
      %dma_start3A_447 = arith.constant 0 : i32
      %dma_start3A_448 = tpu.memref_slice %arg8[%add3A_442, %dma_start3A_447] : memref<512x64xf32, #tpu.memory_space<vmem>> -> memref<1x64xf32, #tpu.memory_space<vmem>>
      %dma_start3A_449 = arith.constant 0 : i32
      %dma_start3A_450 = tpu.memref_slice %arg4[%squeeze3A_438, %dma_start3A_449] : memref<100000x64xf32, #tpu.memory_space<hbm>> -> memref<1x64xf32, #tpu.memory_space<hbm>>
      tpu.enqueue_dma source(%dma_start3A_450 : memref<1x64xf32, #tpu.memory_space<hbm>>) target(%dma_start3A_448 : memref<1x64xf32, #tpu.memory_space<vmem>>) target_semaphore(%arg15 : memref<!tpu.dma_semaphore, #tpu.memory_space<semaphore_mem>>)
    }
    %scan3A_129 = arith.constant 8 : i32
    %scan3A_130 = arith.constant 0 : i32
    %scan3A_131 = arith.constant 128 : i32
    %scan3A_132 = arith.addi %scan3A_130, %scan3A_131 : i32
    %scan3A_133 = arith.constant 1 : i32
    %scan3A_134 = scf.for %scan3A_222 = %scan3A_130 to %scan3A_132 step %scan3A_133 iter_args(%scan3A_223 = %scan3A_80) -> (vector<16xf32>)  : i32 {
      %add3A_224 = arith.constant 128 : i32
      %add3A_225 = arith.addi %add3A_224, %scan3A_222 : i32
      %get3A = arith.constant 1 : i32
      %get3A_226 = arith.index_cast %get3A : i32 to index
      %get3A_227 = arith.index_cast %scan3A_222 : i32 to index
      %get3A_228 = arith.constant 0 : index
      %get3A_229 = tpu.vector_load %arg7[%get3A_226, %get3A_227, %get3A_228] {strides = array<i32>} : memref<2x128x64xf32, #tpu.memory_space<vmem>>, vector<1x1x16xf32>,
      %get3A_230 = vector.shape_cast %get3A_229 : vector<1x1x16xf32> to vector<16xf32>
      %get3A_231 = arith.index_cast %add3A_225 : i32 to index
      %get3A_232 = arith.constant 0 : index
      %get3A_233 = tpu.vector_load %arg8[%get3A_231, %get3A_232] {strides = array<i32>} : memref<512x64xf32, #tpu.memory_space<vmem>>, vector<1x16xf32>,
      %get3A_234 = vector.shape_cast %get3A_233 : vector<1x16xf32> to vector<16xf32>
      %sub3A = arith.subf %get3A_230, %get3A_234 : vector<16xf32>
      %mul3A_235 = arith.mulf %sub3A, %sub3A : vector<16xf32>
      %add3A_236 = arith.addf %scan3A_223, %mul3A_235 : vector<16xf32>
      %get3A_237 = arith.constant 1 : i32
      %get3A_238 = arith.index_cast %get3A_237 : i32 to index
      %get3A_239 = arith.index_cast %scan3A_222 : i32 to index
      %get3A_240 = arith.constant 16 : index
      %get3A_241 = tpu.vector_load %arg7[%get3A_238, %get3A_239, %get3A_240] {strides = array<i32>} : memref<2x128x64xf32, #tpu.memory_space<vmem>>, vector<1x1x16xf32>,
      %get3A_242 = vector.shape_cast %get3A_241 : vector<1x1x16xf32> to vector<16xf32>
      %get3A_243 = arith.index_cast %add3A_225 : i32 to index
      %get3A_244 = arith.constant 16 : index
      %get3A_245 = tpu.vector_load %arg8[%get3A_243, %get3A_244] {strides = array<i32>} : memref<512x64xf32, #tpu.memory_space<vmem>>, vector<1x16xf32>,
      %get3A_246 = vector.shape_cast %get3A_245 : vector<1x16xf32> to vector<16xf32>
      %sub3A_247 = arith.subf %get3A_242, %get3A_246 : vector<16xf32>
      %mul3A_248 = arith.mulf %sub3A_247, %sub3A_247 : vector<16xf32>
      %add3A_249 = arith.addf %add3A_236, %mul3A_248 : vector<16xf32>
      %get3A_250 = arith.constant 1 : i32
      %get3A_251 = arith.index_cast %get3A_250 : i32 to index
      %get3A_252 = arith.index_cast %scan3A_222 : i32 to index
      %get3A_253 = arith.constant 32 : index
      %get3A_254 = tpu.vector_load %arg7[%get3A_251, %get3A_252, %get3A_253] {strides = array<i32>} : memref<2x128x64xf32, #tpu.memory_space<vmem>>, vector<1x1x16xf32>,
      %get3A_255 = vector.shape_cast %get3A_254 : vector<1x1x16xf32> to vector<16xf32>
      %get3A_256 = arith.index_cast %add3A_225 : i32 to index
      %get3A_257 = arith.constant 32 : index
      %get3A_258 = tpu.vector_load %arg8[%get3A_256, %get3A_257] {strides = array<i32>} : memref<512x64xf32, #tpu.memory_space<vmem>>, vector<1x16xf32>,
      %get3A_259 = vector.shape_cast %get3A_258 : vector<1x16xf32> to vector<16xf32>
      %sub3A_260 = arith.subf %get3A_255, %get3A_259 : vector<16xf32>
      %mul3A_261 = arith.mulf %sub3A_260, %sub3A_260 : vector<16xf32>
      %add3A_262 = arith.addf %add3A_249, %mul3A_261 : vector<16xf32>
      %get3A_263 = arith.constant 1 : i32
      %get3A_264 = arith.index_cast %get3A_263 : i32 to index
      %get3A_265 = arith.index_cast %scan3A_222 : i32 to index
      %get3A_266 = arith.constant 48 : index
      %get3A_267 = tpu.vector_load %arg7[%get3A_264, %get3A_265, %get3A_266] {strides = array<i32>} : memref<2x128x64xf32, #tpu.memory_space<vmem>>, vector<1x1x16xf32>,
      %get3A_268 = vector.shape_cast %get3A_267 : vector<1x1x16xf32> to vector<16xf32>
      %get3A_269 = arith.index_cast %add3A_225 : i32 to index
      %get3A_270 = arith.constant 48 : index
      %get3A_271 = tpu.vector_load %arg8[%get3A_269, %get3A_270] {strides = array<i32>} : memref<512x64xf32, #tpu.memory_space<vmem>>, vector<1x16xf32>,
      %get3A_272 = vector.shape_cast %get3A_271 : vector<1x16xf32> to vector<16xf32>
      %sub3A_273 = arith.subf %get3A_268, %get3A_272 : vector<16xf32>
      %mul3A_274 = arith.mulf %sub3A_273, %sub3A_273 : vector<16xf32>
      %add3A_275 = arith.addf %add3A_262, %mul3A_274 : vector<16xf32>
      scf.yield %add3A_275 : vector<16xf32>
    }
    %scan3A_135 = arith.constant 128 : i32
    %add3A_136 = arith.constant 384 : i32
    %add3A_137 = arith.addi %mul3A_2, %add3A_136 : i32
    %dma_start3A_138 = arith.constant 1 : i32
    %dma_start3A_139 = arith.constant 0 : i32
    %dma_start3A_140 = arith.constant 0 : i32
    %dma_start3A_141 = tpu.memref_slice %arg7[%dma_start3A_138, %dma_start3A_139, %dma_start3A_140] : memref<2x128x64xf32, #tpu.memory_space<vmem>> -> memref<1x128x64xf32, #tpu.memory_space<vmem>>
    %dma_start3A_142 = tpu.memref_squeeze %dma_start3A_141 : memref<1x128x64xf32, #tpu.memory_space<vmem>> -> memref<128x64xf32, #tpu.memory_space<vmem>>
    %dma_start3A_143 = arith.constant 0 : i32
    %dma_start3A_144 = tpu.memref_slice %arg2[%add3A_137, %dma_start3A_143] : memref<16384x64xf32, #tpu.memory_space<hbm>> -> memref<128x64xf32, #tpu.memory_space<hbm>>
    %dma_start3A_145 = arith.constant 0 : i32
    %dma_start3A_146 = arith.constant 0 : i32
    %dma_start3A_147 = tpu.memref_slice %arg7[%dma_start3A_138, %dma_start3A_145, %dma_start3A_146] : memref<2x128x64xf32, #tpu.memory_space<vmem>> -> memref<1x128x64xf32, #tpu.memory_space<vmem>>
    %dma_start3A_148 = tpu.memref_squeeze %dma_start3A_147 : memref<1x128x64xf32, #tpu.memory_space<vmem>> -> memref<128x64xf32, #tpu.memory_space<vmem>>
    %dma_start3A_149 = arith.constant 0 : i32
    %dma_start3A_150 = tpu.memref_slice %arg2[%add3A_137, %dma_start3A_149] : memref<16384x64xf32, #tpu.memory_space<hbm>> -> memref<128x64xf32, #tpu.memory_space<hbm>>
    tpu.enqueue_dma source(%dma_start3A_150 : memref<128x64xf32, #tpu.memory_space<hbm>>) target(%dma_start3A_148 : memref<128x64xf32, #tpu.memory_space<vmem>>) target_semaphore(%arg11 : memref<!tpu.dma_semaphore, #tpu.memory_space<semaphore_mem>>)
    %dma_wait3A_151 = arith.constant 0 : i32
    %dma_wait3A_152 = arith.constant 0 : i32
    %dma_wait3A_153 = arith.constant 0 : i32
    %dma_wait3A_154 = tpu.memref_slice %arg7[%dma_wait3A_151, %dma_wait3A_152, %dma_wait3A_153] : memref<2x128x64xf32, #tpu.memory_space<vmem>> -> memref<1x128x64xf32, #tpu.memory_space<vmem>>
    %dma_wait3A_155 = tpu.memref_squeeze %dma_wait3A_154 : memref<1x128x64xf32, #tpu.memory_space<vmem>> -> memref<128x64xf32, #tpu.memory_space<vmem>>
    %dma_wait3A_156 = arith.constant 0 : i32
    %dma_wait3A_157 = arith.constant 0 : i32
    %dma_wait3A_158 = tpu.memref_slice %arg2[%dma_wait3A_156, %dma_wait3A_157] : memref<16384x64xf32, #tpu.memory_space<hbm>> -> memref<128x64xf32, #tpu.memory_space<hbm>>
    %dma_wait3A_159 = arith.constant 0 : i32
    %dma_wait3A_160 = arith.constant 0 : i32
    %dma_wait3A_161 = tpu.memref_slice %arg7[%dma_wait3A_151, %dma_wait3A_159, %dma_wait3A_160] : memref<2x128x64xf32, #tpu.memory_space<vmem>> -> memref<1x128x64xf32, #tpu.memory_space<vmem>>
    %dma_wait3A_162 = tpu.memref_squeeze %dma_wait3A_161 : memref<1x128x64xf32, #tpu.memory_space<vmem>> -> memref<128x64xf32, #tpu.memory_space<vmem>>
    %dma_wait3A_163 = arith.constant 0 : i32
    %dma_wait3A_164 = arith.constant 0 : i32
    %dma_wait3A_165 = tpu.memref_slice %arg2[%dma_wait3A_163, %dma_wait3A_164] : memref<16384x64xf32, #tpu.memory_space<hbm>> -> memref<128x64xf32, #tpu.memory_space<hbm>>
    tpu.wait_dma2 semaphore(%arg10 : memref<!tpu.dma_semaphore, #tpu.memory_space<semaphore_mem>>) src(%dma_wait3A_165 : memref<128x64xf32, #tpu.memory_space<hbm>>) dst(%dma_wait3A_162 : memref<128x64xf32, #tpu.memory_space<vmem>>)
    %dma_wait3A_166 = arith.constant 256 : i32
    %dma_wait3A_167 = arith.constant 0 : i32
    %dma_wait3A_168 = tpu.memref_slice %arg8[%dma_wait3A_166, %dma_wait3A_167] : memref<512x64xf32, #tpu.memory_space<vmem>> -> memref<128x64xf32, #tpu.memory_space<vmem>>
    %dma_wait3A_169 = arith.constant 0 : i32
    %dma_wait3A_170 = arith.constant 0 : i32
    %dma_wait3A_171 = tpu.memref_slice %arg4[%dma_wait3A_169, %dma_wait3A_170] : memref<100000x64xf32, #tpu.memory_space<hbm>> -> memref<128x64xf32, #tpu.memory_space<hbm>>
    %dma_wait3A_172 = arith.constant 256 : i32
    %dma_wait3A_173 = arith.constant 0 : i32
    %dma_wait3A_174 = tpu.memref_slice %arg8[%dma_wait3A_172, %dma_wait3A_173] : memref<512x64xf32, #tpu.memory_space<vmem>> -> memref<128x64xf32, #tpu.memory_space<vmem>>
    %dma_wait3A_175 = arith.constant 0 : i32
    %dma_wait3A_176 = arith.constant 0 : i32
    %dma_wait3A_177 = tpu.memref_slice %arg4[%dma_wait3A_175, %dma_wait3A_176] : memref<100000x64xf32, #tpu.memory_space<hbm>> -> memref<128x64xf32, #tpu.memory_space<hbm>>
    tpu.wait_dma2 semaphore(%arg14 : memref<!tpu.dma_semaphore, #tpu.memory_space<semaphore_mem>>) src(%dma_wait3A_177 : memref<128x64xf32, #tpu.memory_space<hbm>>) dst(%dma_wait3A_174 : memref<128x64xf32, #tpu.memory_space<vmem>>)
    %scan3A_178 = arith.constant 0 : i32
    %scan3A_179 = arith.constant 128 : i32
    %scan3A_180 = arith.addi %scan3A_178, %scan3A_179 : i32
    %scan3A_181 = arith.constant 1 : i32
    %scan3A_182 = scf.for %scan3A_222 = %scan3A_178 to %scan3A_180 step %scan3A_181 iter_args(%scan3A_223 = %scan3A_134) -> (vector<16xf32>)  : i32 {
      %add3A_224 = arith.constant 256 : i32
      %add3A_225 = arith.addi %add3A_224, %scan3A_222 : i32
      %get3A = arith.constant 0 : i32
      %get3A_226 = arith.index_cast %get3A : i32 to index
      %get3A_227 = arith.index_cast %scan3A_222 : i32 to index
      %get3A_228 = arith.constant 0 : index
      %get3A_229 = tpu.vector_load %arg7[%get3A_226, %get3A_227, %get3A_228] {strides = array<i32>} : memref<2x128x64xf32, #tpu.memory_space<vmem>>, vector<1x1x16xf32>,
      %get3A_230 = vector.shape_cast %get3A_229 : vector<1x1x16xf32> to vector<16xf32>
      %get3A_231 = arith.index_cast %add3A_225 : i32 to index
      %get3A_232 = arith.constant 0 : index
      %get3A_233 = tpu.vector_load %arg8[%get3A_231, %get3A_232] {strides = array<i32>} : memref<512x64xf32, #tpu.memory_space<vmem>>, vector<1x16xf32>,
      %get3A_234 = vector.shape_cast %get3A_233 : vector<1x16xf32> to vector<16xf32>
      %sub3A = arith.subf %get3A_230, %get3A_234 : vector<16xf32>
      %mul3A_235 = arith.mulf %sub3A, %sub3A : vector<16xf32>
      %add3A_236 = arith.addf %scan3A_223, %mul3A_235 : vector<16xf32>
      %get3A_237 = arith.constant 0 : i32
      %get3A_238 = arith.index_cast %get3A_237 : i32 to index
      %get3A_239 = arith.index_cast %scan3A_222 : i32 to index
      %get3A_240 = arith.constant 16 : index
      %get3A_241 = tpu.vector_load %arg7[%get3A_238, %get3A_239, %get3A_240] {strides = array<i32>} : memref<2x128x64xf32, #tpu.memory_space<vmem>>, vector<1x1x16xf32>,
      %get3A_242 = vector.shape_cast %get3A_241 : vector<1x1x16xf32> to vector<16xf32>
      %get3A_243 = arith.index_cast %add3A_225 : i32 to index
      %get3A_244 = arith.constant 16 : index
      %get3A_245 = tpu.vector_load %arg8[%get3A_243, %get3A_244] {strides = array<i32>} : memref<512x64xf32, #tpu.memory_space<vmem>>, vector<1x16xf32>,
      %get3A_246 = vector.shape_cast %get3A_245 : vector<1x16xf32> to vector<16xf32>
      %sub3A_247 = arith.subf %get3A_242, %get3A_246 : vector<16xf32>
      %mul3A_248 = arith.mulf %sub3A_247, %sub3A_247 : vector<16xf32>
      %add3A_249 = arith.addf %add3A_236, %mul3A_248 : vector<16xf32>
      %get3A_250 = arith.constant 0 : i32
      %get3A_251 = arith.index_cast %get3A_250 : i32 to index
      %get3A_252 = arith.index_cast %scan3A_222 : i32 to index
      %get3A_253 = arith.constant 32 : index
      %get3A_254 = tpu.vector_load %arg7[%get3A_251, %get3A_252, %get3A_253] {strides = array<i32>} : memref<2x128x64xf32, #tpu.memory_space<vmem>>, vector<1x1x16xf32>,
      %get3A_255 = vector.shape_cast %get3A_254 : vector<1x1x16xf32> to vector<16xf32>
      %get3A_256 = arith.index_cast %add3A_225 : i32 to index
      %get3A_257 = arith.constant 32 : index
      %get3A_258 = tpu.vector_load %arg8[%get3A_256, %get3A_257] {strides = array<i32>} : memref<512x64xf32, #tpu.memory_space<vmem>>, vector<1x16xf32>,
      %get3A_259 = vector.shape_cast %get3A_258 : vector<1x16xf32> to vector<16xf32>
      %sub3A_260 = arith.subf %get3A_255, %get3A_259 : vector<16xf32>
      %mul3A_261 = arith.mulf %sub3A_260, %sub3A_260 : vector<16xf32>
      %add3A_262 = arith.addf %add3A_249, %mul3A_261 : vector<16xf32>
      %get3A_263 = arith.constant 0 : i32
      %get3A_264 = arith.index_cast %get3A_263 : i32 to index
      %get3A_265 = arith.index_cast %scan3A_222 : i32 to index
      %get3A_266 = arith.constant 48 : index
      %get3A_267 = tpu.vector_load %arg7[%get3A_264, %get3A_265, %get3A_266] {strides = array<i32>} : memref<2x128x64xf32, #tpu.memory_space<vmem>>, vector<1x1x16xf32>,
      %get3A_268 = vector.shape_cast %get3A_267 : vector<1x1x16xf32> to vector<16xf32>
      %get3A_269 = arith.index_cast %add3A_225 : i32 to index
      %get3A_270 = arith.constant 48 : index
      %get3A_271 = tpu.vector_load %arg8[%get3A_269, %get3A_270] {strides = array<i32>} : memref<512x64xf32, #tpu.memory_space<vmem>>, vector<1x16xf32>,
      %get3A_272 = vector.shape_cast %get3A_271 : vector<1x16xf32> to vector<16xf32>
      %sub3A_273 = arith.subf %get3A_268, %get3A_272 : vector<16xf32>
      %mul3A_274 = arith.mulf %sub3A_273, %sub3A_273 : vector<16xf32>
      %add3A_275 = arith.addf %add3A_262, %mul3A_274 : vector<16xf32>
      scf.yield %add3A_275 : vector<16xf32>
    }
    %scan3A_183 = arith.constant 128 : i32
    %dma_wait3A_184 = arith.constant 1 : i32
    %dma_wait3A_185 = arith.constant 0 : i32
    %dma_wait3A_186 = arith.constant 0 : i32
    %dma_wait3A_187 = tpu.memref_slice %arg7[%dma_wait3A_184, %dma_wait3A_185, %dma_wait3A_186] : memref<2x128x64xf32, #tpu.memory_space<vmem>> -> memref<1x128x64xf32, #tpu.memory_space<vmem>>
    %dma_wait3A_188 = tpu.memref_squeeze %dma_wait3A_187 : memref<1x128x64xf32, #tpu.memory_space<vmem>> -> memref<128x64xf32, #tpu.memory_space<vmem>>
    %dma_wait3A_189 = arith.constant 0 : i32
    %dma_wait3A_190 = arith.constant 0 : i32
    %dma_wait3A_191 = tpu.memref_slice %arg2[%dma_wait3A_189, %dma_wait3A_190] : memref<16384x64xf32, #tpu.memory_space<hbm>> -> memref<128x64xf32, #tpu.memory_space<hbm>>
    %dma_wait3A_192 = arith.constant 0 : i32
    %dma_wait3A_193 = arith.constant 0 : i32
    %dma_wait3A_194 = tpu.memref_slice %arg7[%dma_wait3A_184, %dma_wait3A_192, %dma_wait3A_193] : memref<2x128x64xf32, #tpu.memory_space<vmem>> -> memref<1x128x64xf32, #tpu.memory_space<vmem>>
    %dma_wait3A_195 = tpu.memref_squeeze %dma_wait3A_194 : memref<1x128x64xf32, #tpu.memory_space<vmem>> -> memref<128x64xf32, #tpu.memory_space<vmem>>
    %dma_wait3A_196 = arith.constant 0 : i32
    %dma_wait3A_197 = arith.constant 0 : i32
    %dma_wait3A_198 = tpu.memref_slice %arg2[%dma_wait3A_196, %dma_wait3A_197] : memref<16384x64xf32, #tpu.memory_space<hbm>> -> memref<128x64xf32, #tpu.memory_space<hbm>>
    tpu.wait_dma2 semaphore(%arg11 : memref<!tpu.dma_semaphore, #tpu.memory_space<semaphore_mem>>) src(%dma_wait3A_198 : memref<128x64xf32, #tpu.memory_space<hbm>>) dst(%dma_wait3A_195 : memref<128x64xf32, #tpu.memory_space<vmem>>)
    %dma_wait3A_199 = arith.constant 384 : i32
    %dma_wait3A_200 = arith.constant 0 : i32
    %dma_wait3A_201 = tpu.memref_slice %arg8[%dma_wait3A_199, %dma_wait3A_200] : memref<512x64xf32, #tpu.memory_space<vmem>> -> memref<128x64xf32, #tpu.memory_space<vmem>>
    %dma_wait3A_202 = arith.constant 0 : i32
    %dma_wait3A_203 = arith.constant 0 : i32
    %dma_wait3A_204 = tpu.memref_slice %arg4[%dma_wait3A_202, %dma_wait3A_203] : memref<100000x64xf32, #tpu.memory_space<hbm>> -> memref<128x64xf32, #tpu.memory_space<hbm>>
    %dma_wait3A_205 = arith.constant 384 : i32
    %dma_wait3A_206 = arith.constant 0 : i32
    %dma_wait3A_207 = tpu.memref_slice %arg8[%dma_wait3A_205, %dma_wait3A_206] : memref<512x64xf32, #tpu.memory_space<vmem>> -> memref<128x64xf32, #tpu.memory_space<vmem>>
    %dma_wait3A_208 = arith.constant 0 : i32
    %dma_wait3A_209 = arith.constant 0 : i32
    %dma_wait3A_210 = tpu.memref_slice %arg4[%dma_wait3A_208, %dma_wait3A_209] : memref<100000x64xf32, #tpu.memory_space<hbm>> -> memref<128x64xf32, #tpu.memory_space<hbm>>
    tpu.wait_dma2 semaphore(%arg15 : memref<!tpu.dma_semaphore, #tpu.memory_space<semaphore_mem>>) src(%dma_wait3A_210 : memref<128x64xf32, #tpu.memory_space<hbm>>) dst(%dma_wait3A_207 : memref<128x64xf32, #tpu.memory_space<vmem>>)
    %scan3A_211 = arith.constant 0 : i32
    %scan3A_212 = arith.constant 128 : i32
    %scan3A_213 = arith.addi %scan3A_211, %scan3A_212 : i32
    %scan3A_214 = arith.constant 1 : i32
    %scan3A_215 = scf.for %scan3A_222 = %scan3A_211 to %scan3A_213 step %scan3A_214 iter_args(%scan3A_223 = %scan3A_182) -> (vector<16xf32>)  : i32 {
      %add3A_224 = arith.constant 384 : i32
      %add3A_225 = arith.addi %add3A_224, %scan3A_222 : i32
      %get3A = arith.constant 1 : i32
      %get3A_226 = arith.index_cast %get3A : i32 to index
      %get3A_227 = arith.index_cast %scan3A_222 : i32 to index
      %get3A_228 = arith.constant 0 : index
      %get3A_229 = tpu.vector_load %arg7[%get3A_226, %get3A_227, %get3A_228] {strides = array<i32>} : memref<2x128x64xf32, #tpu.memory_space<vmem>>, vector<1x1x16xf32>,
      %get3A_230 = vector.shape_cast %get3A_229 : vector<1x1x16xf32> to vector<16xf32>
      %get3A_231 = arith.index_cast %add3A_225 : i32 to index
      %get3A_232 = arith.constant 0 : index
      %get3A_233 = tpu.vector_load %arg8[%get3A_231, %get3A_232] {strides = array<i32>} : memref<512x64xf32, #tpu.memory_space<vmem>>, vector<1x16xf32>,
      %get3A_234 = vector.shape_cast %get3A_233 : vector<1x16xf32> to vector<16xf32>
      %sub3A = arith.subf %get3A_230, %get3A_234 : vector<16xf32>
      %mul3A_235 = arith.mulf %sub3A, %sub3A : vector<16xf32>
      %add3A_236 = arith.addf %scan3A_223, %mul3A_235 : vector<16xf32>
      %get3A_237 = arith.constant 1 : i32
      %get3A_238 = arith.index_cast %get3A_237 : i32 to index
      %get3A_239 = arith.index_cast %scan3A_222 : i32 to index
      %get3A_240 = arith.constant 16 : index
      %get3A_241 = tpu.vector_load %arg7[%get3A_238, %get3A_239, %get3A_240] {strides = array<i32>} : memref<2x128x64xf32, #tpu.memory_space<vmem>>, vector<1x1x16xf32>,
      %get3A_242 = vector.shape_cast %get3A_241 : vector<1x1x16xf32> to vector<16xf32>
      %get3A_243 = arith.index_cast %add3A_225 : i32 to index
      %get3A_244 = arith.constant 16 : index
      %get3A_245 = tpu.vector_load %arg8[%get3A_243, %get3A_244] {strides = array<i32>} : memref<512x64xf32, #tpu.memory_space<vmem>>, vector<1x16xf32>,
      %get3A_246 = vector.shape_cast %get3A_245 : vector<1x16xf32> to vector<16xf32>
      %sub3A_247 = arith.subf %get3A_242, %get3A_246 : vector<16xf32>
      %mul3A_248 = arith.mulf %sub3A_247, %sub3A_247 : vector<16xf32>
      %add3A_249 = arith.addf %add3A_236, %mul3A_248 : vector<16xf32>
      %get3A_250 = arith.constant 1 : i32
      %get3A_251 = arith.index_cast %get3A_250 : i32 to index
      %get3A_252 = arith.index_cast %scan3A_222 : i32 to index
      %get3A_253 = arith.constant 32 : index
      %get3A_254 = tpu.vector_load %arg7[%get3A_251, %get3A_252, %get3A_253] {strides = array<i32>} : memref<2x128x64xf32, #tpu.memory_space<vmem>>, vector<1x1x16xf32>,
      %get3A_255 = vector.shape_cast %get3A_254 : vector<1x1x16xf32> to vector<16xf32>
      %get3A_256 = arith.index_cast %add3A_225 : i32 to index
      %get3A_257 = arith.constant 32 : index
      %get3A_258 = tpu.vector_load %arg8[%get3A_256, %get3A_257] {strides = array<i32>} : memref<512x64xf32, #tpu.memory_space<vmem>>, vector<1x16xf32>,
      %get3A_259 = vector.shape_cast %get3A_258 : vector<1x16xf32> to vector<16xf32>
      %sub3A_260 = arith.subf %get3A_255, %get3A_259 : vector<16xf32>
      %mul3A_261 = arith.mulf %sub3A_260, %sub3A_260 : vector<16xf32>
      %add3A_262 = arith.addf %add3A_249, %mul3A_261 : vector<16xf32>
      %get3A_263 = arith.constant 1 : i32
      %get3A_264 = arith.index_cast %get3A_263 : i32 to index
      %get3A_265 = arith.index_cast %scan3A_222 : i32 to index
      %get3A_266 = arith.constant 48 : index
      %get3A_267 = tpu.vector_load %arg7[%get3A_264, %get3A_265, %get3A_266] {strides = array<i32>} : memref<2x128x64xf32, #tpu.memory_space<vmem>>, vector<1x1x16xf32>,
      %get3A_268 = vector.shape_cast %get3A_267 : vector<1x1x16xf32> to vector<16xf32>
      %get3A_269 = arith.index_cast %add3A_225 : i32 to index
      %get3A_270 = arith.constant 48 : index
      %get3A_271 = tpu.vector_load %arg8[%get3A_269, %get3A_270] {strides = array<i32>} : memref<512x64xf32, #tpu.memory_space<vmem>>, vector<1x16xf32>,
      %get3A_272 = vector.shape_cast %get3A_271 : vector<1x16xf32> to vector<16xf32>
      %sub3A_273 = arith.subf %get3A_268, %get3A_272 : vector<16xf32>
      %mul3A_274 = arith.mulf %sub3A_273, %sub3A_273 : vector<16xf32>
      %add3A_275 = arith.addf %add3A_262, %mul3A_274 : vector<16xf32>
      scf.yield %add3A_275 : vector<16xf32>
    }
    %scan3A_216 = arith.constant 128 : i32
    %swap3A = arith.constant 0 : index
    %swap3A_217 = tpu.vector_load %arg9[%swap3A] {strides = array<i32>} : memref<16xf32, #tpu.memory_space<vmem>>, vector<16xf32>,
    %swap3A_218 = vector.shape_cast %swap3A_217 : vector<16xf32> to vector<16xf32>
    %swap3A_219 = vector.shape_cast %scan3A_215 : vector<16xf32> to vector<16xf32>
    tpu.vector_store %arg9[%swap3A], %swap3A_219 {strides = array<i32>} : memref<16xf32, #tpu.memory_space<vmem>>, vector<16xf32>,
    %mul3A_220 = arith.constant 16 : i32
    %mul3A_221 = arith.muli %add3A, %mul3A_220 : i32
    "tpu.region"() ({
      %run_scoped3A = tpu.sem_alloc : memref<!tpu.dma_semaphore, #tpu.memory_space<semaphore_mem>>
      %dma_start3A_222 = tpu.memref_slice %arg5[%mul3A_221] : memref<512xf32, #tpu.memory_space<hbm>> -> memref<16xf32, #tpu.memory_space<hbm>>
      %dma_start3A_223 = tpu.memref_slice %arg5[%mul3A_221] : memref<512xf32, #tpu.memory_space<hbm>> -> memref<16xf32, #tpu.memory_space<hbm>>
      tpu.enqueue_dma source(%arg9 : memref<16xf32, #tpu.memory_space<vmem>>) target(%dma_start3A_223 : memref<16xf32, #tpu.memory_space<hbm>>) target_semaphore(%run_scoped3A : memref<!tpu.dma_semaphore, #tpu.memory_space<semaphore_mem>>)
      %dma_wait3A_224 = tpu.memref_slice %arg5[%mul3A_221] : memref<512xf32, #tpu.memory_space<hbm>> -> memref<16xf32, #tpu.memory_space<hbm>>
      %dma_wait3A_225 = tpu.memref_slice %arg5[%mul3A_221] : memref<512xf32, #tpu.memory_space<hbm>> -> memref<16xf32, #tpu.memory_space<hbm>>
      tpu.wait_dma2 semaphore(%run_scoped3A : memref<!tpu.dma_semaphore, #tpu.memory_space<semaphore_mem>>) src(%arg9 : memref<16xf32, #tpu.memory_space<vmem>>) dst(%dma_wait3A_225 : memref<16xf32, #tpu.memory_space<hbm>>)
      tpu.yield
    }) : () -> ()
    return
  }
}

</mosaic_0001>

<sc_bundles>
// kernel: kernel.3.cloned.1.call-start
scs
__scs_entry_jumppad:
0x0: {  	(pc) =	sbr.rel $0x88, $3  }
0x1: {  	(tag) =	ssettag $0x0;
	lr =	simm.s32 $0x1  }
0x2: {  	[smem:$0x3F9E] =	sst lr;
	_ =	strace $0xD0000000  }
0x3: {  	_ = 	snop  }
0x4: {  	_ = 	snop  }
0x5: {  	_ = 	snop  }
0x6: {  	_ = 	snop  }
0x7: {  	_ = 	snop  }
__scs_overlays_trampoline_lowered:
0x8: {  	[smem:$0x3FAD] =	sst s0  }
0x9: {  	[smem:$0x3FAE] =	sst s1  }
0xa: {  	[smem:$0x3FAF] =	sst s2  }
0xb: {  	[smem:$0x3FB0] =	sst s3  }
0xc: {  	[smem:$0x3FB1] =	sst s4  }
0xd: {  	[smem:$0x3FB2] =	sst s5  }
0xe: {  	[smem:$0x3FB3] =	sst s6  }
0xf: {  	[smem:$0x3FB4] =	sst s7  }
0x10: {  	[smem:$0x3FB5] =	sst s8  }
0x11: {  	[smem:$0x3FB6] =	sst s9;
	s0 =	simm.s32 @!p0 $0x0  }
0x12: {  	s1 =	sld [smem:$0x3F9C];
	s0 =	simm.s32 @p0 $0x1  }
0x13: {  	[smem:$0x3FB7] =	sst s0;
	s0 =	simm.s32 @!p1 $0x0  }
0x14: {  	s2 =	sld [smem:$0x3F9B];
	s0 =	simm.s32 @p1 $0x1  }
0x15: {  	[smem:$0x3FB8] =	sst s0;
	s0 =	simm.s32 @!p2 $0x0  }
0x16: {  	s3 =	sld [smem:$0x3FDB];
	s0 =	simm.s32 @p2 $0x1  }
0x17: {  	s4 =	simm.s32 $0x1BF5;
	[smem:$0x3FBA] =	sst s0  }
0x18: {  	s0 =	sld [smem:$0x3F9D];
	_ =	swait.ge [sflag:s4], $0x0  }
0x19: {  	s7 =	sld [smem:$0x3F9E]  }
0x1a: {  	s8 =	sadd.s32 $0xFFFFE003, lr  }
0x1b: {  	s9 =	sadd.s32 $0xFFFFFEF7, lr;
	s5 =	simm.s32 $0xFFFFFFFF;
	p2 =	slt.u32 s8, $0xFFFFF086  }
0x1c: {  	p1 =	slt.u32 s9, $0xF7A;
	s5 =	simm.s32 @!p2 $0x0  }
0x1d: {  	s5 =	simm.s32 @p1 $0x1;
	p0 =	seq.s32 s7, s2  }
0x1e: {  	s7 =	smul.u32 @!p0 $0xF7A, s2;
	p2 =	seq.s32 @!p0 s5, $0x0  }
0x1f: {  	s9 =	smul.u32 $0xF7A, s1;
	s8 =	simm.s32 @!p0 $0x1BF5;
	p2 =	por !p2, p0  }
0x20: {  	[sflag:s8] =	ssyncset.s32 @!p0 $0xFFFFF086;
	s6 =	sadd.s32 @!p0 s3, s7;
	s7 =	simm.s32 @!p0 $0x108  }
0x21: {  	s3 =	sadd.s32 s3, s9;
	s6 =	sadd.s32 @!p0 $0x88, s6;
	s7 =	simm.s32 @p2 $0x1082  }
0x22: {  	[simem:s7], [sflag:s8] =	dma.local @!p0 [hbm:s6], $0xF7A  }
0x23: {  	s9 =	sor.u32 $0xD0000000, s2;
	s6 =	simm.s32 $0x108;
	_ =	swait.ge @!p0 [sflag:s8], $0x0  }
0x24: {  	s3 =	sadd.s32 $0x88, s3;
	s6 =	simm.s32 @!p1 $0x1082;
	[sflag:s4] =	ssyncset.s32 $0xFFFFF086  }
0x25: {  	[simem:s6], [sflag:s4] =	dma.local [hbm:s3], $0xF7A  }
0x26: {  	[smem:$0x3F9E] =	sst s1;
	(tag) =	ssettag s2;
	_ =	strace s9  }
0x27: {  	s1 =	sld [smem:$0x3FAE]  }
0x28: {  	s2 =	sld [smem:$0x3FAF]  }
0x29: {  	s4 =	sld [smem:$0x3FB1]  }
0x2a: {  	p0 =	seq.s32 s5, $0x0;
	s5 =	sld [smem:$0x3FB2]  }
0x2b: {  	s6 =	sld [smem:$0x3FB3]  }
0x2c: {  	s7 =	sld [smem:$0x3FB4]  }
0x2d: {  	s3 =	simm.s32 $0x108;
	s8 =	sld [smem:$0x3FB5]  }
0x2e: {  	s3 =	simm.s32 @!p0 $0x1082;
	s9 =	sld [smem:$0x3FB6]  }
0x2f: {  	lr =	sadd.s32 s0, s3;
	s0 =	sld [smem:$0x3FAD]  }
0x30: {  	s3 =	sld [smem:$0x3FB0]  }
0x31: {  	[smem:$0x3FB9] =	sst s10  }
0x32: {  	s10 =	sld [smem:$0x3FB7];
	_ =	sdelay $0x3  }
0x33: {  	p0 =	seq.s32 s10, $0x1;
	s10 =	sld [smem:$0x3FB9];
	_ =	sdelay $0x3  }
0x34: {  	[smem:$0x3FB9] =	sst s10  }
0x35: {  	s10 =	sld [smem:$0x3FB8];
	_ =	sdelay $0x3  }
0x36: {  	p1 =	seq.s32 s10, $0x1;
	s10 =	sld [smem:$0x3FB9];
	_ =	sdelay $0x3  }
0x37: {  	[smem:$0x3FB9] =	sst s10  }
0x38: {  	s10 =	sld [smem:$0x3FBA]  }
0x39: {  	_ = 	snop;
	(pc) =	sbr.ind lr, $3  }
0x3a: {  	_ = 	snop  }
0x3b: {  	_ = 	snop  }
0x3c: {  	p2 =	seq.s32 s10, $0x1;
	s10 =	sld [smem:$0x3FB9]  }
0x3d: {  	_ =	shalt  }
0x3e: {  	_ =	shalt  }
0x3f: {  	_ =	shalt  }
0x40: {  	_ =	shalt  }
0x41: {  	_ =	shalt  }
0x42: {  	_ =	shalt  }
0x43: {  	_ =	shalt  }
0x44: {  	_ =	shalt  }
0x45: {  	_ =	shalt  }
0x46: {  	_ =	shalt  }
0x47: {  	_ =	shalt  }
0x48: {  	_ =	shalt  }
0x49: {  	_ =	shalt  }
0x4a: {  	_ =	shalt  }
0x4b: {  	_ =	shalt  }
0x4c: {  	_ =	shalt  }
0x4d: {  	_ =	shalt  }
0x4e: {  	_ =	shalt  }
0x4f: {  	_ =	shalt  }
0x50: {  	_ =	shalt  }
0x51: {  	_ =	shalt  }
0x52: {  	_ =	shalt  }
0x53: {  	_ =	shalt  }
0x54: {  	_ =	shalt  }
0x55: {  	_ =	shalt  }
0x56: {  	_ =	shalt  }
0x57: {  	_ =	shalt  }
0x58: {  	_ =	shalt  }
0x59: {  	_ =	shalt  }
0x5a: {  	_ =	shalt  }
0x5b: {  	_ =	shalt  }
0x5c: {  	_ =	shalt  }
0x5d: {  	_ =	shalt  }
0x5e: {  	_ =	shalt  }
0x5f: {  	_ =	shalt  }
0x60: {  	_ =	shalt  }
0x61: {  	_ =	shalt  }
0x62: {  	_ =	shalt  }
0x63: {  	_ =	shalt  }
0x64: {  	_ =	shalt  }
0x65: {  	_ =	shalt  }
0x66: {  	_ =	shalt  }
0x67: {  	_ =	shalt  }
0x68: {  	_ =	shalt  }
0x69: {  	_ =	shalt  }
0x6a: {  	_ =	shalt  }
0x6b: {  	_ =	shalt  }
0x6c: {  	_ =	shalt  }
0x6d: {  	_ =	shalt  }
0x6e: {  	_ =	shalt  }
0x6f: {  	_ =	shalt  }
0x70: {  	_ =	shalt  }
0x71: {  	_ =	shalt  }
0x72: {  	_ =	shalt  }
0x73: {  	_ =	shalt  }
0x74: {  	_ =	shalt  }
0x75: {  	_ =	shalt  }
0x76: {  	_ =	shalt  }
0x77: {  	_ =	shalt  }
0x78: {  	_ =	shalt  }
0x79: {  	_ =	shalt  }
0x7a: {  	_ =	shalt  }
0x7b: {  	_ =	shalt  }
0x7c: {  	_ =	shalt  }
0x7d: {  	_ =	shalt  }
0x7e: {  	_ =	shalt  }
0x7f: {  	_ =	shalt  }
0x80: {  	_ =	shalt  }
0x81: {  	_ =	shalt  }
0x82: {  	_ =	shalt  }
0x83: {  	_ =	shalt  }
0x84: {  	_ =	shalt  }
0x85: {  	_ =	shalt  }
0x86: {  	_ =	shalt  }
0x87: {  	_ =	shalt  }
.Lfunc_end0:
.L_simem_size_0:
called_computation_lowered:
.L_overlay_start_0:
0x88: {  	s2 =	sld [smem:$0x3FD9]  }
0x89: {  	s3 =	sld [smem:$0x3FFE];
	_ =	sdelay $0x1  }
0x8a: {  	s1 =	srdreg.scid  }
0x8b: {  	s0 =	sand.u32 $0x1, s1  }
0x8c: {  	s17 =	sshll.u32 s0, $0xA;
	s2 =	sadd.s32 s3, s2  }
0x8d: {  	s2 =	sadd.s32 s2, s17  }
0x8e: {  	[smem:$0x3FC5] =	sst s2  }
0x8f: {  	_ = 	snop  }
0x90: {  	s2 =	sld [smem:$0x3FC8];
	(tm) =	ssettm $0x1  }
0x91: {  	s18 =	sld [smem:$0x3FFB];
	_ =	sdelay $0x3  }
0x92: {  	_ =	strace s18  }
0x93: {  	s3 =	sld [smem:$0x3FFC];
	_ =	sdelay $0x3  }
0x94: {  	_ =	strace s3  }
0x95: {  	s3 =	sld [smem:$0x3FFD];
	_ =	sdelay $0x3  }
0x96: {  	_ =	strace s3  }
0x97: {  	_ =	strace $0x8FFFFFFF  }
0x98: {  	s19 =	sld [smem:$0x3FDB];
	_ =	sdelay $0x1  }
0x99: {  	s4 =	simm.s32 $_scs_section_size  }
0x9a: {  	s5 =	simm.s32 $_size__tile_overlayer_lowered;
	s6 =	simm.s32 $_tile_overlayer_lowered  }
0x9b: {  	s22 =	simm.s32 $0x1BFF;
	s21 =	sshll.u32 s6, $0x1;
	s3 =	sadd.s32 s4, s19  }
0x9c: {  	s7 =	simm.s32 $0x0;
	s20 =	sshll.u32 s5, $0x1;
	s5 =	sadd.s32 s21, s3  }
0x9d: {  	[timem:s7], [sflag:s22] =	dma.local [hbm:s5], s20  }
0x9e: {  	_ =	swait.ge [sflag:s22], s20  }
0x9f: {  	s4 =	ssub.s32 $0x0, s20;
	[sflag:s22] =	ssyncset.done $0x0  }
0xa0: {  	[sflag:s22] =	ssyncadd.s32 s4;
	_ =	sdelay $0x1  }
0xa1: {  	s23 =	simm.s32 $0x1B8B  }
0xa2: {  	_ =	swait.ge [sflag:s23], $0x1  }
0xa3: {  	[sflag:s23] =	ssyncset.done $0x0  }
0xa4: {  	s25 =	simm.s32 $0x1B8E;
	s24 =	sld [smem:$0x3FFE];
	[sflag:s23] =	ssyncadd.s32 $0xFFFFFFFF  }
0xa5: {  	s26 =	simm.s32 $execute0_lowered;
	[smem:$0x3FD2] =	sst s25  }
0xa6: {  	s5 =	sshll.u32 s26, $0x1;
	_ =	strace $0x80000046;
	[dreg:$0x1] =	wrdreg $0xFFFFFFFF  }
0xa7: {  	s28 =	simm.s32 $_size_execute0_lowered;
	s3 =	sadd.s32 s3, s5;
	[dreg:$0x0] =	wrdreg $0x0  }
0xa8: {  	s5 =	sshll.u32 s28, $0x1;
	[dreg:$0x2] =	wrdreg s3  }
0xa9: {  	[dreg:$0x3] =	wrdreg s5  }
0xaa: {  	[dreg:$0x4] =	wrdreg $0xC0  }
0xab: {  	_ =	task [dreg:s7], $0x5FFFF  }
0xac: {  	[dreg:$0x1] =	wrdreg $0xFFFFFFFF  }
0xad: {  	[dreg:$0x0] =	wrdreg $0x60  }
0xae: {  	[dreg:$0x2] =	wrdreg s24  }
0xaf: {  	[dreg:$0x3] =	wrdreg s2  }
0xb0: {  	[dreg:$0x4] =	wrdreg $0x9  }
0xb1: {  	_ =	task.clear_ibuf [dreg:s7], $0x5FFFF;
	_ =	strace $0x90000046  }
0xb2: {  	s29 =	simm.s32 $0x9;
	_ =	strace $0x80000048  }
0xb3: {  	_ =	swait.ge [sflag:s29], $0x1  }
0xb4: {  	[sflag:s29] =	ssyncadd.s32 $0xFFFFFFFF  }
0xb5: {  	_ =	strace $0x90000048  }
0xb6: {  	_ =	sfence  }
0xb7: {  	s30 =	sld [smem:$0x0];
	_ =	sdelay $0x2  }
0xb8: {  	s31 =	sshll.u32 s1, $0xD;
	s1 =	sshrl.u32 s1, $0x2  }
0xb9: {  	s3 =	sand.u32 $0x4000, s31;
	s1 =	sadd.s32 s1, s30  }
0xba: {  	s0 =	sor.u32 s3, s0;
	s1 =	sshll.u32 s1, $0x11  }
0xbb: {  	s0 =	sor.u32 s1, s0  }
0xbc: {  	s0 =	sadd.s32 $0x8F2B, s0  }
0xbd: {  	[sflag:s0] =	ssyncadd.remote.s32 $0x1  }
0xbe: {  	_ =	sfence.sel $0xFFFF  }
0xbf: {  	[dreg:$0x0] =	wrdreg $0xFFFFFFFF;
	(pc) =	sbr.abs _section_cstart, $3  }
0xc0: {  	[dreg:$0x1] =	wrdreg $0xFFFFFFFF  }
0xc1: {  	_ =	task.clear_ibuf [dreg:s7], $0x2FFFF;
	_ =	strace $0x9FFFFFFF  }
0xc2: {  	(tm) =	ssettm $0x7FFFFFFF  }
0xc3: {  	_ =	shalt  }
tec
execute0_lowered:
.L_overlay_start_1:
0x0: {  	(tag) =	ssettag $0x1  }
0x1: {  	s0 =	rddreg [dreg:$0x0]  }
0x2: {  	s1 =	rddreg [dreg:$0x1]  }
0x3: {  	s3 =	srdreg.scid;
	s5 =	stileid.u32;
	s2 =	simm.s32 $0x0  }
0x4: {  	s11 =	simm.s32 $0x7;
	s14 =	simm.s32 $0x1;
	s15 =	simm.s32 $0x3  }
0x5: {  	s16 =	simm.s32 $0x2;
	s4 =	sand.u32 $0x1, s3;
	s23 =	sshll.u32 s5, $0x1  }
0x6: {  	s17 =	simm.s32 $0x4;
	[smem:$0x7FF] =	sst s2;
	s5 =	sor.u32 s4, s23  }
0x7: {  	s6 =	sshll.u32 s5, $0x1;
	s25 =	sshll.u32 s5, $0xD;
	s5 =	sshll.u32 s5, $0x6  }
0x8: {  	s18 =	simm.s32 $0x5;
	_ =	strace $0x80000047;
	s1 =	sadd.s32 s1, s5  }
0x9: {  	s24 =	ssub.s32 $0x2, s4;
	s4 =	sadd.s32 s0, s25;
	[dreg:$0x4] =	wrdreg s1  }
0xa: {  	s19 =	simm.s32 $0x6;
	s28 =	sadd.s32 $0x800, s4;
	[dreg:$0x3] =	wrdreg s4  }
0xb: {  	s7 =	sshrl.u32 s24, $0x1;
	s29 =	sadd.s32 $0x1000, s4;
	[dreg:$0x5] =	wrdreg s28  }
0xc: {  	s9 =	sadd.s32 s6, s0;
	s30 =	sadd.s32 $0x1800, s4;
	[dreg:$0x6] =	wrdreg s29  }
0xd: {  	s26 =	ssub.s32 s24, s7;
	s31 =	sadd.s32 $0x1C6A00, s9;
	[dreg:$0x7] =	wrdreg s30  }
0xe: {  	s3 =	sadd.s32 $0x40000, s0;
	s0 =	smax.u32 s26, $0x1;
	[dreg:$0x8] =	wrdreg s31  }
0xf: {  	s21 =	simm.s32 $0x0;
	s4 =	simm.s32 $0x4200;
	[dreg:$0x9] =	wrdreg s0  }
.LBB2_1:
0x10: {  	s0 =	rddreg [dreg:$0x4]  }
0x11: {  	[tilespmem:s2], [sflag:$0x7] =	stream.linear.gather [hbm4b:s0+s2], $0x200, $0x38;
	[tilespmem:$0x18280] =	vst v63  }
0x12: {  	_ =	swait.ge [sflag:s11], $0x200  }
0x13: {  	[sflag:s11] =	ssyncset.done $0x0  }
0x14: {  	s1 =	simm.s32 $0x200;
	s30 =	rddreg [dreg:$0x3];
	[sflag:s11] =	ssyncadd.s32 $0xFFFFFE00  }
0x15: {  	[tilespmem:s1], [sflag:$0x1] =	stream.linear.gather [hbm4b:s30+s2], $0x4000, $0x38;
	[tilespmem:$0x18280] =	vst v63  }
0x16: {  	s31 =	rddreg [dreg:$0x5]  }
0x17: {  	[tilespmem:s4], [sflag:$0x2] =	stream.linear.gather [hbm4b:s31+s2], $0x4000, $0x38;
	[tilespmem:$0x18280] =	vst v63  }
0x18: {  	v0 =	vld [tilespmem:s2+$0x0];
	_ =	sdelay $0x4  }
0x19: {  	v0 =	vshll.u32 v0, $0x4  }
0x1a: {  	(v2sf) =	vpush v0, $0x0  }
0x1b: {  	(v2sf) =	vpush v0, $0x1  }
0x1c: {  	(v2sf) =	vpush v0, $0x2;
	_ =	sdelay $0x1  }
0x1d: {  	(v2sf) =	vpush v0, $0x4;
	_ =	sdelay $0x1  }
0x1e: {  	(v2sf) =	vpush v0, $0x3  }
0x1f: {  	(v2sf) =	vpush v0, $0x5  }
0x20: {  	s24 =	simm.s32 $0x2000;
	s23 =	simm.s32 $0x0;
	s25 =	simm.s32 $0x0;
	(v2sf) =	vpush v0, $0x6  }
.LBB2_2:
0x21: {  	p0 =	sne.s32 s24, $0xE000  }
0x22: {  	s13 =	sadd.s32 $0x8280, s23;
	s30 =	sadd.s32 $0x8780, s23;
	s26 =	smov.u32 s24  }
0x23: {  	s24 =	sadd.s32 $0x2000, s24;
	s1 =	sadd.s32 $0x8580, s23;
	s28 =	sadd.s32 $0x8800, s23;
	(v2sf) =	vpush v0, $0x7  }
0x24: {  	s12 =	sadd.s32 $0x8480, s23;
	s31 =	sadd.s32 $0x8600, s23;
	s29 =	sadd.s32 $0x8880, s23  }
0x25: {  	s5 =	sadd.s32 $0x8200, s23;
	s6 =	sadd.s32 $0x8400, s23;
	(v2sf) =	vpush v0, $0x8  }
0x26: {  	s22 =	simm.s32 $0x0;
	s7 =	sadd.s32 $0x8500, s23;
	s25 =	sadd.s32 $0x10, s25  }
0x27: {  	s8 =	sadd.s32 $0x8300, s23;
	s0 =	sadd.s32 $0x8700, s23;
	s20 =	spop (v2sf);
	(v2sf) =	vpush v0, $0x9  }
0x28: {  	s9 =	sand.u32 $0x1FFFFFF0, s20;
	s20 =	sadd.s32 $0x8680, s23;
	s10 =	spop (v2sf)  }
0x29: {  	s9 =	sadd.s32 s3, s9;
	s10 =	sand.u32 $0x1FFFFFF0, s10;
	s4 =	spop (v2sf);
	(v2sf) =	vpush v0, $0xA  }
0x2a: {  	[tilespmem:s5], [sflag:$0x3] =	stream.linear.gather [hbm4b:s9+s22], $0x80, $0x38;
	[tilespmem:$0x18280] =	vst v63  }
0x2b: {  	s5 =	sadd.s32 s3, s10;
	s9 =	sadd.s32 $0x8380, s23;
	s10 =	spop (v2sf);
	(v2sf) =	vpush v0, $0xB  }
0x2c: {  	[tilespmem:s13], [sflag:$0x3] =	stream.linear.gather [hbm4b:s5+s22], $0x80, $0x38;
	[tilespmem:$0x18280] =	vst v63  }
0x2d: {  	s4 =	sand.u32 $0x1FFFFFF0, s4;
	s5 =	sand.u32 $0x1FFFFFF0, s10;
	s10 =	spop (v2sf);
	(v2sf) =	vpush v0, $0xC  }
0x2e: {  	s4 =	sadd.s32 s3, s4;
	s10 =	sand.u32 $0x1FFFFFF0, s10;
	s13 =	spop (v2sf)  }
0x2f: {  	[tilespmem:s8], [sflag:$0x3] =	stream.linear.gather [hbm4b:s4+s22], $0x80, $0x38;
	(v2sf) =	vpush v0, $0xD;
	[tilespmem:$0x18280] =	vst v63  }
0x30: {  	s4 =	sadd.s32 s3, s10;
	s8 =	sand.u32 $0x1FFFFFF0, s13;
	s10 =	spop (v2sf)  }
0x31: {  	[tilespmem:s9], [sflag:$0x3] =	stream.linear.gather [hbm4b:s4+s22], $0x80, $0x38;
	(v2sf) =	vpush v0, $0xE;
	[tilespmem:$0x18280] =	vst v63  }
0x32: {  	s4 =	sadd.s32 s3, s5;
	s5 =	sand.u32 $0x1FFFFFF0, s10;
	s9 =	spop (v2sf)  }
0x33: {  	[tilespmem:s6], [sflag:$0x3] =	stream.linear.gather [hbm4b:s4+s22], $0x80, $0x38;
	(v2sf) =	vpush v0, $0xF;
	[tilespmem:$0x18280] =	vst v63  }
0x34: {  	s4 =	sadd.s32 s3, s8;
	s6 =	sand.u32 $0x1FFFFFF0, s9;
	s8 =	spop (v2sf)  }
0x35: {  	[tilespmem:s12], [sflag:$0x3] =	stream.linear.gather [hbm4b:s4+s22], $0x80, $0x38;
	[tilespmem:$0x18280] =	vst v63  }
0x36: {  	s4 =	sadd.s32 s3, s5;
	s5 =	sand.u32 $0x1FFFFFF0, s8;
	s8 =	spop (v2sf)  }
0x37: {  	[tilespmem:s7], [sflag:$0x3] =	stream.linear.gather [hbm4b:s4+s22], $0x80, $0x38;
	[tilespmem:$0x18280] =	vst v63  }
0x38: {  	s4 =	sadd.s32 s3, s6;
	s6 =	sand.u32 $0x1FFFFFF0, s8;
	s7 =	spop (v2sf)  }
0x39: {  	[tilespmem:s1], [sflag:$0x3] =	stream.linear.gather [hbm4b:s4+s22], $0x80, $0x38;
	[tilespmem:$0x18280] =	vst v63  }
0x3a: {  	s1 =	sadd.s32 s3, s5;
	s4 =	sand.u32 $0x1FFFFFF0, s7;
	s5 =	spop (v2sf)  }
0x3b: {  	[tilespmem:s31], [sflag:$0x3] =	stream.linear.gather [hbm4b:s1+s22], $0x80, $0x38;
	[tilespmem:$0x18280] =	vst v63  }
0x3c: {  	s1 =	sadd.s32 s3, s6;
	s5 =	sand.u32 $0x1FFFFFF0, s5;
	s6 =	spop (v2sf)  }
0x3d: {  	[tilespmem:s20], [sflag:$0x3] =	stream.linear.gather [hbm4b:s1+s22], $0x80, $0x38;
	[tilespmem:$0x18280] =	vst v63  }
0x3e: {  	s1 =	sadd.s32 s3, s4;
	s4 =	sand.u32 $0x1FFFFFF0, s6;
	s6 =	spop (v2sf)  }
0x3f: {  	[tilespmem:s0], [sflag:$0x3] =	stream.linear.gather [hbm4b:s1+s22], $0x80, $0x38;
	[tilespmem:$0x18280] =	vst v63  }
0x40: {  	s0 =	sadd.s32 s3, s5;
	s1 =	sand.u32 $0x1FFFFFF0, s6;
	s5 =	spop (v2sf)  }
0x41: {  	[tilespmem:s30], [sflag:$0x3] =	stream.linear.gather [hbm4b:s0+s22], $0x80, $0x38;
	[tilespmem:$0x18280] =	vst v63  }
0x42: {  	s0 =	sadd.s32 s3, s4;
	s4 =	sand.u32 $0x1FFFFFF0, s5;
	s5 =	spop (v2sf)  }
0x43: {  	[tilespmem:s28], [sflag:$0x3] =	stream.linear.gather [hbm4b:s0+s22], $0x80, $0x38;
	[tilespmem:$0x18280] =	vst v63  }
0x44: {  	s0 =	sadd.s32 s3, s1;
	s1 =	sand.u32 $0x1FFFFFF0, s5  }
0x45: {  	[tilespmem:s29], [sflag:$0x3] =	stream.linear.gather [hbm4b:s0+s22], $0x80, $0x38;
	[tilespmem:$0x18280] =	vst v63  }
0x46: {  	s4 =	sadd.s32 s3, s4;
	s0 =	sadd.s32 $0x8900, s23  }
0x47: {  	[tilespmem:s0], [sflag:$0x3] =	stream.linear.gather [hbm4b:s4+s22], $0x80, $0x38;
	[tilespmem:$0x18280] =	vst v63  }
0x48: {  	s1 =	sadd.s32 s3, s1;
	s0 =	sadd.s32 $0x8980, s23  }
0x49: {  	[tilespmem:s0], [sflag:$0x3] =	stream.linear.gather [hbm4b:s1+s22], $0x80, $0x38;
	[tilespmem:$0x18280] =	vst v63  }
0x4a: {  	v0 =	vld [tilespmem:s25+$0x0];
	_ =	sdelay $0x4  }
0x4b: {  	v0 =	vshll.u32 v0, $0x4  }
0x4c: {  	(v2sf) =	vpush v0, $0x0  }
0x4d: {  	(v2sf) =	vpush v0, $0x1  }
0x4e: {  	(v2sf) =	vpush v0, $0x2;
	_ =	sdelay $0x1  }
0x4f: {  	(v2sf) =	vpush v0, $0x4  }
.Ltmp0:
0x50: {  	(pc) =	sbr.rel @p0 .LBB2_2-.Ltmp0, $3  }
0x51: {  	(v2sf) =	vpush v0, $0x3  }
0x52: {  	(v2sf) =	vpush v0, $0x5;
	_ =	sdelay $0x1  }
0x53: {  	s23 =	sshra.s32 s26, $0x2;
	(v2sf) =	vpush v0, $0x6  }
0x54: {  	_ =	sdelay $0x1  }
0x55: {  	s4 =	sadd.s32 $0x8280, s23;
	s24 =	sadd.s32 $0x8780, s23  }
0x56: {  	s5 =	sadd.s32 $0x8580, s23;
	s0 =	sadd.s32 $0x8800, s23;
	(v2sf) =	vpush v0, $0x7;
	s6 =	sadd.s32 $0x8480, s23  }
0x57: {  	s7 =	sadd.s32 $0x8600, s23;
	s1 =	sadd.s32 $0x8880, s23;
	s8 =	sadd.s32 $0x8200, s23  }
0x58: {  	s9 =	sadd.s32 $0x8400, s23;
	s10 =	sadd.s32 $0x8500, s23;
	(v2sf) =	vpush v0, $0x8;
	s12 =	spop (v2sf)  }
0x59: {  	s13 =	sadd.s32 $0x8300, s23;
	s12 =	sand.u32 $0x1FFFFFF0, s12;
	s20 =	spop (v2sf)  }
0x5a: {  	(v2sf) =	vpush v0, $0x9;
	s12 =	sadd.s32 s3, s12;
	s20 =	sand.u32 $0x1FFFFFF0, s20;
	s25 =	spop (v2sf)  }
0x5b: {  	[tilespmem:s8], [sflag:$0x3] =	stream.linear.gather [hbm4b:s12+s22], $0x80, $0x38;
	[tilespmem:$0x18280] =	vst v63  }
0x5c: {  	(v2sf) =	vpush v0, $0xA;
	s26 =	sadd.s32 s3, s20;
	s29 =	sand.u32 $0x1FFFFFF0, s25;
	s28 =	spop (v2sf)  }
0x5d: {  	[tilespmem:s4], [sflag:$0x3] =	stream.linear.gather [hbm4b:s26+s22], $0x80, $0x38;
	[tilespmem:$0x18280] =	vst v63  }
0x5e: {  	s8 =	sadd.s32 $0x8700, s23;
	(v2sf) =	vpush v0, $0xB;
	s12 =	sadd.s32 s3, s29;
	s30 =	spop (v2sf)  }
0x5f: {  	s4 =	sadd.s32 $0x8680, s23;
	s26 =	sadd.s32 $0x8380, s23;
	s25 =	sand.u32 $0x1FFFFFF0, s30  }
0x60: {  	(v2sf) =	vpush v0, $0xC;
	[tilespmem:s13], [sflag:$0x3] =	stream.linear.gather [hbm4b:s12+s22], $0x80, $0x38;
	[tilespmem:$0x18280] =	vst v63  }
0x61: {  	s31 =	sand.u32 $0x1FFFFFF0, s28;
	s28 =	spop (v2sf);
	s29 =	sadd.s32 s3, s25  }
0x62: {  	(v2sf) =	vpush v0, $0xD;
	[tilespmem:s26], [sflag:$0x3] =	stream.linear.gather [hbm4b:s29+s22], $0x80, $0x38;
	[tilespmem:$0x18280] =	vst v63  }
0x63: {  	s12 =	sadd.s32 s3, s31;
	s13 =	sand.u32 $0x1FFFFFF0, s28;
	s30 =	spop (v2sf)  }
0x64: {  	(v2sf) =	vpush v0, $0xE;
	[tilespmem:s9], [sflag:$0x3] =	stream.linear.gather [hbm4b:s12+s22], $0x80, $0x38;
	[tilespmem:$0x18280] =	vst v63  }
0x65: {  	s13 =	sadd.s32 s3, s13;
	s31 =	sand.u32 $0x1FFFFFF0, s30;
	s20 =	spop (v2sf)  }
0x66: {  	(v2sf) =	vpush v0, $0xF;
	[tilespmem:s6], [sflag:$0x3] =	stream.linear.gather [hbm4b:s13+s22], $0x80, $0x38;
	[tilespmem:$0x18280] =	vst v63  }
0x67: {  	s25 =	sand.u32 $0x1FFFFFF0, s20;
	s26 =	spop (v2sf);
	s9 =	sadd.s32 s3, s31  }
0x68: {  	[tilespmem:s10], [sflag:$0x3] =	stream.linear.gather [hbm4b:s9+s22], $0x80, $0x38;
	[tilespmem:$0x18280] =	vst v63  }
0x69: {  	s28 =	sand.u32 $0x1FFFFFF0, s26;
	s6 =	sadd.s32 s3, s25;
	s29 =	spop (v2sf)  }
0x6a: {  	[tilespmem:s5], [sflag:$0x3] =	stream.linear.gather [hbm4b:s6+s22], $0x80, $0x38;
	[tilespmem:$0x18280] =	vst v63  }
0x6b: {  	s9 =	sadd.s32 s3, s28;
	s30 =	sand.u32 $0x1FFFFFF0, s29;
	s31 =	spop (v2sf)  }
0x6c: {  	[tilespmem:s7], [sflag:$0x3] =	stream.linear.gather [hbm4b:s9+s22], $0x80, $0x38;
	[tilespmem:$0x18280] =	vst v63  }
0x6d: {  	s6 =	sand.u32 $0x1FFFFFF0, s31;
	s5 =	sadd.s32 s3, s30;
	s10 =	spop (v2sf)  }
0x6e: {  	[tilespmem:s4], [sflag:$0x3] =	stream.linear.gather [hbm4b:s5+s22], $0x80, $0x38;
	[tilespmem:$0x18280] =	vst v63  }
0x6f: {  	s6 =	sadd.s32 s3, s6;
	s12 =	sand.u32 $0x1FFFFFF0, s10;
	s13 =	spop (v2sf)  }
0x70: {  	[tilespmem:s8], [sflag:$0x3] =	stream.linear.gather [hbm4b:s6+s22], $0x80, $0x38;
	[tilespmem:$0x18280] =	vst v63  }
0x71: {  	s4 =	sadd.s32 s3, s12;
	s5 =	sand.u32 $0x1FFFFFF0, s13;
	s20 =	spop (v2sf)  }
0x72: {  	[tilespmem:s24], [sflag:$0x3] =	stream.linear.gather [hbm4b:s4+s22], $0x80, $0x38;
	[tilespmem:$0x18280] =	vst v63  }
0x73: {  	s5 =	sadd.s32 s3, s5;
	s25 =	spop (v2sf);
	s24 =	sand.u32 $0x1FFFFFF0, s20  }
0x74: {  	[tilespmem:s0], [sflag:$0x3] =	stream.linear.gather [hbm4b:s5+s22], $0x80, $0x38;
	[tilespmem:$0x18280] =	vst v63  }
0x75: {  	s26 =	sand.u32 $0x1FFFFFF0, s25;
	s28 =	spop (v2sf);
	s4 =	sadd.s32 s3, s24  }
0x76: {  	[tilespmem:s1], [sflag:$0x3] =	stream.linear.gather [hbm4b:s4+s22], $0x80, $0x38;
	[tilespmem:$0x18280] =	vst v63  }
0x77: {  	s30 =	sadd.s32 $0x8900, s23;
	s29 =	sand.u32 $0x1FFFFFF0, s28;
	s0 =	sadd.s32 s3, s26  }
0x78: {  	[tilespmem:s30], [sflag:$0x3] =	stream.linear.gather [hbm4b:s0+s22], $0x80, $0x38;
	[tilespmem:$0x18280] =	vst v63  }
0x79: {  	s31 =	sadd.s32 $0x8980, s23;
	s23 =	simm.s32 $0x80;
	s1 =	sadd.s32 s3, s29  }
0x7a: {  	[tilespmem:s31], [sflag:$0x3] =	stream.linear.gather [hbm4b:s1+s22], $0x80, $0x38;
	[tilespmem:$0x18280] =	vst v63  }
0x7b: {  	v0 =	vld [tilespmem:s23+$0x0];
	_ =	sdelay $0x4  }
0x7c: {  	v0 =	vshll.u32 v0, $0x4  }
0x7d: {  	(v2sf) =	vpush v0, $0x0  }
0x7e: {  	(v2sf) =	vpush v0, $0x1  }
0x7f: {  	(v2sf) =	vpush v0, $0x2;
	_ =	sdelay $0x1  }
0x80: {  	(v2sf) =	vpush v0, $0x4;
	_ =	sdelay $0x1  }
0x81: {  	(v2sf) =	vpush v0, $0x3  }
0x82: {  	(v2sf) =	vpush v0, $0x5  }
0x83: {  	s24 =	simm.s32 $0x2000;
	s22 =	simm.s32 $0x0;
	(v2sf) =	vpush v0, $0x6  }
.LBB2_4:
0x84: {  	p0 =	sne.s32 s24, $0xE000  }
0x85: {  	s4 =	sadd.s32 $0xC280, s22;
	s29 =	sadd.s32 $0xC780, s22;
	s25 =	smov.u32 s24  }
0x86: {  	s24 =	sadd.s32 $0x2000, s24;
	s30 =	sadd.s32 $0xC580, s22;
	s26 =	sadd.s32 $0xC800, s22;
	(v2sf) =	vpush v0, $0x7  }
0x87: {  	s12 =	sadd.s32 $0xC480, s22;
	s1 =	sadd.s32 $0xC600, s22;
	s28 =	sadd.s32 $0xC880, s22  }
0x88: {  	s5 =	sadd.s32 $0xC200, s22;
	s6 =	sadd.s32 $0xC400, s22;
	(v2sf) =	vpush v0, $0x8  }
0x89: {  	s7 =	sadd.s32 $0xC500, s22;
	s23 =	sadd.s32 $0x10, s23  }
0x8a: {  	s8 =	sadd.s32 $0xC300, s22;
	s0 =	sadd.s32 $0xC700, s22;
	s9 =	spop (v2sf);
	(v2sf) =	vpush v0, $0x9  }
0x8b: {  	s20 =	sadd.s32 $0xC680, s22;
	s9 =	sand.u32 $0x1FFFFFF0, s9;
	s10 =	spop (v2sf)  }
0x8c: {  	s9 =	sadd.s32 s3, s9;
	s10 =	sand.u32 $0x1FFFFFF0, s10;
	s13 =	spop (v2sf);
	(v2sf) =	vpush v0, $0xA  }
0x8d: {  	[tilespmem:s5], [sflag:$0x4] =	stream.linear.gather [hbm4b:s9+s2], $0x80, $0x38;
	[tilespmem:$0x18280] =	vst v63  }
0x8e: {  	s5 =	sadd.s32 s3, s10;
	s9 =	sadd.s32 $0xC380, s22;
	s10 =	spop (v2sf);
	(v2sf) =	vpush v0, $0xB  }
0x8f: {  	[tilespmem:s4], [sflag:$0x4] =	stream.linear.gather [hbm4b:s5+s2], $0x80, $0x38;
	[tilespmem:$0x18280] =	vst v63  }
0x90: {  	s4 =	sand.u32 $0x1FFFFFF0, s13;
	s5 =	sand.u32 $0x1FFFFFF0, s10;
	s10 =	spop (v2sf);
	(v2sf) =	vpush v0, $0xC  }
0x91: {  	s4 =	sadd.s32 s3, s4;
	s10 =	sand.u32 $0x1FFFFFF0, s10;
	s13 =	spop (v2sf)  }
0x92: {  	[tilespmem:s8], [sflag:$0x4] =	stream.linear.gather [hbm4b:s4+s2], $0x80, $0x38;
	(v2sf) =	vpush v0, $0xD;
	[tilespmem:$0x18280] =	vst v63  }
0x93: {  	s4 =	sadd.s32 s3, s10;
	s8 =	sand.u32 $0x1FFFFFF0, s13;
	s10 =	spop (v2sf)  }
0x94: {  	[tilespmem:s9], [sflag:$0x4] =	stream.linear.gather [hbm4b:s4+s2], $0x80, $0x38;
	(v2sf) =	vpush v0, $0xE;
	[tilespmem:$0x18280] =	vst v63  }
0x95: {  	s4 =	sadd.s32 s3, s5;
	s5 =	sand.u32 $0x1FFFFFF0, s10;
	s9 =	spop (v2sf)  }
0x96: {  	[tilespmem:s6], [sflag:$0x4] =	stream.linear.gather [hbm4b:s4+s2], $0x80, $0x38;
	(v2sf) =	vpush v0, $0xF;
	[tilespmem:$0x18280] =	vst v63  }
0x97: {  	s4 =	sadd.s32 s3, s8;
	s6 =	sand.u32 $0x1FFFFFF0, s9;
	s8 =	spop (v2sf)  }
0x98: {  	[tilespmem:s12], [sflag:$0x4] =	stream.linear.gather [hbm4b:s4+s2], $0x80, $0x38;
	[tilespmem:$0x18280] =	vst v63  }
0x99: {  	s4 =	sadd.s32 s3, s5;
	s5 =	sand.u32 $0x1FFFFFF0, s8;
	s8 =	spop (v2sf)  }
0x9a: {  	[tilespmem:s7], [sflag:$0x4] =	stream.linear.gather [hbm4b:s4+s2], $0x80, $0x38;
	[tilespmem:$0x18280] =	vst v63  }
0x9b: {  	s4 =	sadd.s32 s3, s6;
	s6 =	sand.u32 $0x1FFFFFF0, s8;
	s7 =	spop (v2sf)  }
0x9c: {  	[tilespmem:s30], [sflag:$0x4] =	stream.linear.gather [hbm4b:s4+s2], $0x80, $0x38;
	[tilespmem:$0x18280] =	vst v63  }
0x9d: {  	s4 =	sadd.s32 s3, s5;
	s5 =	sand.u32 $0x1FFFFFF0, s7;
	s7 =	spop (v2sf)  }
0x9e: {  	[tilespmem:s1], [sflag:$0x4] =	stream.linear.gather [hbm4b:s4+s2], $0x80, $0x38;
	[tilespmem:$0x18280] =	vst v63  }
0x9f: {  	s1 =	sadd.s32 s3, s6;
	s4 =	sand.u32 $0x1FFFFFF0, s7;
	s6 =	spop (v2sf)  }
0xa0: {  	[tilespmem:s20], [sflag:$0x4] =	stream.linear.gather [hbm4b:s1+s2], $0x80, $0x38;
	[tilespmem:$0x18280] =	vst v63  }
0xa1: {  	s1 =	sadd.s32 s3, s5;
	s5 =	sand.u32 $0x1FFFFFF0, s6;
	s6 =	spop (v2sf)  }
0xa2: {  	[tilespmem:s0], [sflag:$0x4] =	stream.linear.gather [hbm4b:s1+s2], $0x80, $0x38;
	[tilespmem:$0x18280] =	vst v63  }
0xa3: {  	s0 =	sadd.s32 s3, s4;
	s1 =	sand.u32 $0x1FFFFFF0, s6;
	s4 =	spop (v2sf)  }
0xa4: {  	[tilespmem:s29], [sflag:$0x4] =	stream.linear.gather [hbm4b:s0+s2], $0x80, $0x38;
	[tilespmem:$0x18280] =	vst v63  }
0xa5: {  	s0 =	sadd.s32 s3, s5;
	s4 =	sand.u32 $0x1FFFFFF0, s4;
	s5 =	spop (v2sf)  }
0xa6: {  	[tilespmem:s26], [sflag:$0x4] =	stream.linear.gather [hbm4b:s0+s2], $0x80, $0x38;
	[tilespmem:$0x18280] =	vst v63  }
0xa7: {  	s0 =	sadd.s32 s3, s1;
	s1 =	sand.u32 $0x1FFFFFF0, s5  }
0xa8: {  	[tilespmem:s28], [sflag:$0x4] =	stream.linear.gather [hbm4b:s0+s2], $0x80, $0x38;
	[tilespmem:$0x18280] =	vst v63  }
0xa9: {  	s4 =	sadd.s32 s3, s4;
	s0 =	sadd.s32 $0xC900, s22  }
0xaa: {  	[tilespmem:s0], [sflag:$0x4] =	stream.linear.gather [hbm4b:s4+s2], $0x80, $0x38;
	[tilespmem:$0x18280] =	vst v63  }
0xab: {  	s1 =	sadd.s32 s3, s1;
	s0 =	sadd.s32 $0xC980, s22  }
0xac: {  	[tilespmem:s0], [sflag:$0x4] =	stream.linear.gather [hbm4b:s1+s2], $0x80, $0x38;
	[tilespmem:$0x18280] =	vst v63  }
0xad: {  	v0 =	vld [tilespmem:s23+$0x0];
	_ =	sdelay $0x4  }
0xae: {  	v0 =	vshll.u32 v0, $0x4  }
0xaf: {  	(v2sf) =	vpush v0, $0x0  }
0xb0: {  	(v2sf) =	vpush v0, $0x1  }
0xb1: {  	(v2sf) =	vpush v0, $0x2;
	_ =	sdelay $0x1  }
0xb2: {  	(v2sf) =	vpush v0, $0x4  }
.Ltmp1:
0xb3: {  	(pc) =	sbr.rel @p0 .LBB2_4-.Ltmp1, $3  }
0xb4: {  	(v2sf) =	vpush v0, $0x3  }
0xb5: {  	(v2sf) =	vpush v0, $0x5;
	_ =	sdelay $0x1  }
0xb6: {  	s22 =	sshra.s32 s25, $0x2;
	(v2sf) =	vpush v0, $0x6  }
0xb7: {  	_ =	sdelay $0x1  }
0xb8: {  	s4 =	sadd.s32 $0xC280, s22;
	s23 =	sadd.s32 $0xC780, s22  }
0xb9: {  	s5 =	sadd.s32 $0xC580, s22;
	s0 =	sadd.s32 $0xC800, s22;
	(v2sf) =	vpush v0, $0x7;
	s6 =	sadd.s32 $0xC480, s22  }
0xba: {  	s7 =	sadd.s32 $0xC600, s22;
	s1 =	sadd.s32 $0xC880, s22;
	s8 =	sadd.s32 $0xC200, s22  }
0xbb: {  	s9 =	sadd.s32 $0xC400, s22;
	s10 =	sadd.s32 $0xC500, s22;
	(v2sf) =	vpush v0, $0x8;
	s12 =	spop (v2sf)  }
0xbc: {  	s13 =	sadd.s32 $0xC300, s22;
	s12 =	sand.u32 $0x1FFFFFF0, s12;
	s20 =	spop (v2sf)  }
0xbd: {  	(v2sf) =	vpush v0, $0x9;
	s12 =	sadd.s32 s3, s12;
	s20 =	sand.u32 $0x1FFFFFF0, s20;
	s24 =	spop (v2sf)  }
0xbe: {  	[tilespmem:s8], [sflag:$0x4] =	stream.linear.gather [hbm4b:s12+s2], $0x80, $0x38;
	[tilespmem:$0x18280] =	vst v63  }
0xbf: {  	s25 =	sadd.s32 $0xC380, s22;
	(v2sf) =	vpush v0, $0xA;
	s30 =	sadd.s32 s3, s20;
	s31 =	spop (v2sf)  }
0xc0: {  	[tilespmem:s4], [sflag:$0x4] =	stream.linear.gather [hbm4b:s30+s2], $0x80, $0x38;
	[tilespmem:$0x18280] =	vst v63  }
0xc1: {  	s8 =	sadd.s32 $0xC700, s22;
	s24 =	sand.u32 $0x1FFFFFF0, s24;
	(v2sf) =	vpush v0, $0xB;
	s26 =	spop (v2sf)  }
0xc2: {  	s12 =	sadd.s32 s3, s24;
	s4 =	sadd.s32 $0xC680, s22;
	s24 =	sand.u32 $0x1FFFFFF0, s26  }
0xc3: {  	(v2sf) =	vpush v0, $0xC;
	[tilespmem:s13], [sflag:$0x4] =	stream.linear.gather [hbm4b:s12+s2], $0x80, $0x38;
	[tilespmem:$0x18280] =	vst v63  }
0xc4: {  	s28 =	sand.u32 $0x1FFFFFF0, s31;
	s29 =	spop (v2sf);
	s30 =	sadd.s32 s3, s24  }
0xc5: {  	(v2sf) =	vpush v0, $0xD;
	[tilespmem:s25], [sflag:$0x4] =	stream.linear.gather [hbm4b:s30+s2], $0x80, $0x38;
	[tilespmem:$0x18280] =	vst v63  }
0xc6: {  	s12 =	sadd.s32 s3, s28;
	s13 =	sand.u32 $0x1FFFFFF0, s29;
	s31 =	spop (v2sf)  }
0xc7: {  	(v2sf) =	vpush v0, $0xE;
	[tilespmem:s9], [sflag:$0x4] =	stream.linear.gather [hbm4b:s12+s2], $0x80, $0x38;
	[tilespmem:$0x18280] =	vst v63  }
0xc8: {  	s13 =	sadd.s32 s3, s13;
	s20 =	sand.u32 $0x1FFFFFF0, s31;
	s24 =	spop (v2sf)  }
0xc9: {  	(v2sf) =	vpush v0, $0xF;
	[tilespmem:s6], [sflag:$0x4] =	stream.linear.gather [hbm4b:s13+s2], $0x80, $0x38;
	[tilespmem:$0x18280] =	vst v63  }
0xca: {  	s25 =	sand.u32 $0x1FFFFFF0, s24;
	s26 =	spop (v2sf);
	s9 =	sadd.s32 s3, s20  }
0xcb: {  	[tilespmem:s10], [sflag:$0x4] =	stream.linear.gather [hbm4b:s9+s2], $0x80, $0x38;
	[tilespmem:$0x18280] =	vst v63  }
0xcc: {  	s28 =	sand.u32 $0x1FFFFFF0, s26;
	s6 =	sadd.s32 s3, s25;
	s29 =	spop (v2sf)  }
0xcd: {  	[tilespmem:s5], [sflag:$0x4] =	stream.linear.gather [hbm4b:s6+s2], $0x80, $0x38;
	[tilespmem:$0x18280] =	vst v63  }
0xce: {  	s9 =	sadd.s32 s3, s28;
	s30 =	sand.u32 $0x1FFFFFF0, s29;
	s31 =	spop (v2sf)  }
0xcf: {  	[tilespmem:s7], [sflag:$0x4] =	stream.linear.gather [hbm4b:s9+s2], $0x80, $0x38;
	[tilespmem:$0x18280] =	vst v63  }
0xd0: {  	s6 =	sand.u32 $0x1FFFFFF0, s31;
	s5 =	sadd.s32 s3, s30;
	s10 =	spop (v2sf)  }
0xd1: {  	[tilespmem:s4], [sflag:$0x4] =	stream.linear.gather [hbm4b:s5+s2], $0x80, $0x38;
	[tilespmem:$0x18280] =	vst v63  }
0xd2: {  	s6 =	sadd.s32 s3, s6;
	s12 =	sand.u32 $0x1FFFFFF0, s10;
	s13 =	spop (v2sf)  }
0xd3: {  	[tilespmem:s8], [sflag:$0x4] =	stream.linear.gather [hbm4b:s6+s2], $0x80, $0x38;
	[tilespmem:$0x18280] =	vst v63  }
0xd4: {  	s4 =	sadd.s32 s3, s12;
	s5 =	sand.u32 $0x1FFFFFF0, s13;
	s20 =	spop (v2sf)  }
0xd5: {  	[tilespmem:s23], [sflag:$0x4] =	stream.linear.gather [hbm4b:s4+s2], $0x80, $0x38;
	[tilespmem:$0x18280] =	vst v63  }
0xd6: {  	s24 =	sand.u32 $0x1FFFFFF0, s20;
	s5 =	sadd.s32 s3, s5;
	s25 =	spop (v2sf)  }
0xd7: {  	[tilespmem:s0], [sflag:$0x4] =	stream.linear.gather [hbm4b:s5+s2], $0x80, $0x38;
	[tilespmem:$0x18280] =	vst v63  }
0xd8: {  	s26 =	sand.u32 $0x1FFFFFF0, s25;
	s28 =	spop (v2sf);
	s4 =	sadd.s32 s3, s24  }
0xd9: {  	[tilespmem:s1], [sflag:$0x4] =	stream.linear.gather [hbm4b:s4+s2], $0x80, $0x38;
	[tilespmem:$0x18280] =	vst v63  }
0xda: {  	s30 =	sadd.s32 $0xC900, s22;
	s29 =	sand.u32 $0x1FFFFFF0, s28;
	s0 =	sadd.s32 s3, s26  }
0xdb: {  	[tilespmem:s30], [sflag:$0x4] =	stream.linear.gather [hbm4b:s0+s2], $0x80, $0x38;
	[tilespmem:$0x18280] =	vst v63  }
0xdc: {  	s31 =	sadd.s32 $0xC980, s22;
	s1 =	sadd.s32 s3, s29  }
0xdd: {  	[tilespmem:s31], [sflag:$0x4] =	stream.linear.gather [hbm4b:s1+s2], $0x80, $0x38;
	[tilespmem:$0x18280] =	vst v63  }
0xde: {  	_ =	swait.ge [sflag:s14], $0x4000  }
0xdf: {  	[sflag:s14] =	ssyncset.done $0x0  }
0xe0: {  	[sflag:s14] =	ssyncadd.s32 $0xFFFFC000  }
0xe1: {  	_ =	swait.ge [sflag:s15], $0x4000  }
0xe2: {  	[sflag:s15] =	ssyncset.done $0x0  }
0xe3: {  	s24 =	simm.s32 $0x100;
	[sflag:s15] =	ssyncadd.s32 $0xFFFFC000  }
0xe4: {  	v0 =	vld [tilespmem:s24+$0x0];
	_ =	sdelay $0x4  }
0xe5: {  	v0 =	vshll.u32 v0, $0x4  }
0xe6: {  	(v2sf) =	vpush v0, $0x0  }
0xe7: {  	(v2sf) =	vpush v0, $0x1  }
0xe8: {  	(v2sf) =	vpush v0, $0x2;
	_ =	sdelay $0x1  }
0xe9: {  	(v2sf) =	vpush v0, $0x4;
	_ =	sdelay $0x1  }
0xea: {  	(v2sf) =	vpush v0, $0x3  }
0xeb: {  	(v2sf) =	vpush v0, $0x5  }
0xec: {  	s22 =	simm.s32 $0x0;
	s25 =	simm.s32 $0x2000;
	s23 =	simm.s32 $0x0;
	(v2sf) =	vpush v0, $0x6  }
.LBB2_6:
0xed: {  	p0 =	sne.s32 s25, $0xE000  }
0xee: {  	s4 =	sadd.s32 $0x10280, s23;
	s30 =	sadd.s32 $0x10780, s23;
	s26 =	smov.u32 s25  }
0xef: {  	s25 =	sadd.s32 $0x2000, s25;
	s31 =	sadd.s32 $0x10580, s23;
	s28 =	sadd.s32 $0x10800, s23;
	(v2sf) =	vpush v0, $0x7  }
0xf0: {  	s12 =	sadd.s32 $0x10480, s23;
	s1 =	sadd.s32 $0x10600, s23;
	s29 =	sadd.s32 $0x10880, s23  }
0xf1: {  	s5 =	sadd.s32 $0x10200, s23;
	s6 =	sadd.s32 $0x10400, s23;
	(v2sf) =	vpush v0, $0x8  }
0xf2: {  	s7 =	sadd.s32 $0x10500, s23;
	s24 =	sadd.s32 $0x10, s24  }
0xf3: {  	s8 =	sadd.s32 $0x10300, s23;
	s0 =	sadd.s32 $0x10700, s23;
	s9 =	spop (v2sf);
	(v2sf) =	vpush v0, $0x9  }
0xf4: {  	s20 =	sadd.s32 $0x10680, s23;
	s9 =	sand.u32 $0x1FFFFFF0, s9;
	s10 =	spop (v2sf)  }
0xf5: {  	s9 =	sadd.s32 s3, s9;
	s10 =	sand.u32 $0x1FFFFFF0, s10;
	s13 =	spop (v2sf);
	(v2sf) =	vpush v0, $0xA  }
0xf6: {  	[tilespmem:s5], [sflag:$0x5] =	stream.linear.gather [hbm4b:s9+s22], $0x80, $0x38;
	[tilespmem:$0x18280] =	vst v63  }
0xf7: {  	s5 =	sadd.s32 s3, s10;
	s9 =	sadd.s32 $0x10380, s23;
	s10 =	spop (v2sf);
	(v2sf) =	vpush v0, $0xB  }
0xf8: {  	[tilespmem:s4], [sflag:$0x5] =	stream.linear.gather [hbm4b:s5+s22], $0x80, $0x38;
	[tilespmem:$0x18280] =	vst v63  }
0xf9: {  	s4 =	sand.u32 $0x1FFFFFF0, s13;
	s5 =	sand.u32 $0x1FFFFFF0, s10;
	s10 =	spop (v2sf);
	(v2sf) =	vpush v0, $0xC  }
0xfa: {  	s4 =	sadd.s32 s3, s4;
	s10 =	sand.u32 $0x1FFFFFF0, s10;
	s13 =	spop (v2sf)  }
0xfb: {  	[tilespmem:s8], [sflag:$0x5] =	stream.linear.gather [hbm4b:s4+s22], $0x80, $0x38;
	(v2sf) =	vpush v0, $0xD;
	[tilespmem:$0x18280] =	vst v63  }
0xfc: {  	s4 =	sadd.s32 s3, s10;
	s8 =	sand.u32 $0x1FFFFFF0, s13;
	s10 =	spop (v2sf)  }
0xfd: {  	[tilespmem:s9], [sflag:$0x5] =	stream.linear.gather [hbm4b:s4+s22], $0x80, $0x38;
	(v2sf) =	vpush v0, $0xE;
	[tilespmem:$0x18280] =	vst v63  }
0xfe: {  	s4 =	sadd.s32 s3, s5;
	s5 =	sand.u32 $0x1FFFFFF0, s10;
	s9 =	spop (v2sf)  }
0xff: {  	[tilespmem:s6], [sflag:$0x5] =	stream.linear.gather [hbm4b:s4+s22], $0x80, $0x38;
	(v2sf) =	vpush v0, $0xF;
	[tilespmem:$0x18280] =	vst v63  }
0x100: {  	s4 =	sadd.s32 s3, s8;
	s6 =	sand.u32 $0x1FFFFFF0, s9;
	s8 =	spop (v2sf)  }
0x101: {  	[tilespmem:s12], [sflag:$0x5] =	stream.linear.gather [hbm4b:s4+s22], $0x80, $0x38;
	[tilespmem:$0x18280] =	vst v63  }
0x102: {  	s4 =	sadd.s32 s3, s5;
	s5 =	sand.u32 $0x1FFFFFF0, s8;
	s8 =	spop (v2sf)  }
0x103: {  	[tilespmem:s7], [sflag:$0x5] =	stream.linear.gather [hbm4b:s4+s22], $0x80, $0x38;
	[tilespmem:$0x18280] =	vst v63  }
0x104: {  	s4 =	sadd.s32 s3, s6;
	s6 =	sand.u32 $0x1FFFFFF0, s8;
	s7 =	spop (v2sf)  }
0x105: {  	[tilespmem:s31], [sflag:$0x5] =	stream.linear.gather [hbm4b:s4+s22], $0x80, $0x38;
	[tilespmem:$0x18280] =	vst v63  }
0x106: {  	s4 =	sadd.s32 s3, s5;
	s5 =	sand.u32 $0x1FFFFFF0, s7;
	s7 =	spop (v2sf)  }
0x107: {  	[tilespmem:s1], [sflag:$0x5] =	stream.linear.gather [hbm4b:s4+s22], $0x80, $0x38;
	[tilespmem:$0x18280] =	vst v63  }
0x108: {  	s1 =	sadd.s32 s3, s6;
	s4 =	sand.u32 $0x1FFFFFF0, s7;
	s6 =	spop (v2sf)  }
0x109: {  	[tilespmem:s20], [sflag:$0x5] =	stream.linear.gather [hbm4b:s1+s22], $0x80, $0x38;
	[tilespmem:$0x18280] =	vst v63  }
0x10a: {  	s1 =	sadd.s32 s3, s5;
	s5 =	sand.u32 $0x1FFFFFF0, s6;
	s6 =	spop (v2sf)  }
0x10b: {  	[tilespmem:s0], [sflag:$0x5] =	stream.linear.gather [hbm4b:s1+s22], $0x80, $0x38;
	[tilespmem:$0x18280] =	vst v63  }
0x10c: {  	s0 =	sadd.s32 s3, s4;
	s1 =	sand.u32 $0x1FFFFFF0, s6;
	s4 =	spop (v2sf)  }
0x10d: {  	[tilespmem:s30], [sflag:$0x5] =	stream.linear.gather [hbm4b:s0+s22], $0x80, $0x38;
	[tilespmem:$0x18280] =	vst v63  }
0x10e: {  	s0 =	sadd.s32 s3, s5;
	s4 =	sand.u32 $0x1FFFFFF0, s4;
	s5 =	spop (v2sf)  }
0x10f: {  	[tilespmem:s28], [sflag:$0x5] =	stream.linear.gather [hbm4b:s0+s22], $0x80, $0x38;
	[tilespmem:$0x18280] =	vst v63  }
0x110: {  	s0 =	sadd.s32 s3, s1;
	s1 =	sand.u32 $0x1FFFFFF0, s5  }
0x111: {  	[tilespmem:s29], [sflag:$0x5] =	stream.linear.gather [hbm4b:s0+s22], $0x80, $0x38;
	[tilespmem:$0x18280] =	vst v63  }
0x112: {  	s4 =	sadd.s32 s3, s4;
	s0 =	sadd.s32 $0x10900, s23  }
0x113: {  	[tilespmem:s0], [sflag:$0x5] =	stream.linear.gather [hbm4b:s4+s22], $0x80, $0x38;
	[tilespmem:$0x18280] =	vst v63  }
0x114: {  	s1 =	sadd.s32 s3, s1;
	s0 =	sadd.s32 $0x10980, s23  }
0x115: {  	[tilespmem:s0], [sflag:$0x5] =	stream.linear.gather [hbm4b:s1+s22], $0x80, $0x38;
	[tilespmem:$0x18280] =	vst v63  }
0x116: {  	v0 =	vld [tilespmem:s24+$0x0];
	_ =	sdelay $0x4  }
0x117: {  	v0 =	vshll.u32 v0, $0x4  }
0x118: {  	(v2sf) =	vpush v0, $0x0  }
0x119: {  	(v2sf) =	vpush v0, $0x1  }
0x11a: {  	(v2sf) =	vpush v0, $0x2;
	_ =	sdelay $0x1  }
0x11b: {  	(v2sf) =	vpush v0, $0x4  }
.Ltmp2:
0x11c: {  	(pc) =	sbr.rel @p0 .LBB2_6-.Ltmp2, $3  }
0x11d: {  	(v2sf) =	vpush v0, $0x3  }
0x11e: {  	(v2sf) =	vpush v0, $0x5;
	_ =	sdelay $0x1  }
0x11f: {  	s23 =	sshra.s32 s26, $0x2;
	(v2sf) =	vpush v0, $0x6  }
0x120: {  	_ =	sdelay $0x1  }
0x121: {  	s4 =	sadd.s32 $0x10280, s23;
	s24 =	sadd.s32 $0x10780, s23  }
0x122: {  	s5 =	sadd.s32 $0x10580, s23;
	s0 =	sadd.s32 $0x10800, s23;
	(v2sf) =	vpush v0, $0x7;
	s6 =	sadd.s32 $0x10480, s23  }
0x123: {  	s7 =	sadd.s32 $0x10600, s23;
	s1 =	sadd.s32 $0x10880, s23;
	s8 =	sadd.s32 $0x10200, s23  }
0x124: {  	s9 =	sadd.s32 $0x10400, s23;
	s10 =	sadd.s32 $0x10500, s23;
	(v2sf) =	vpush v0, $0x8;
	s12 =	spop (v2sf)  }
0x125: {  	s13 =	sadd.s32 $0x10300, s23;
	s12 =	sand.u32 $0x1FFFFFF0, s12;
	s20 =	spop (v2sf)  }
0x126: {  	(v2sf) =	vpush v0, $0x9;
	s12 =	sadd.s32 s3, s12;
	s20 =	sand.u32 $0x1FFFFFF0, s20;
	s25 =	spop (v2sf)  }
0x127: {  	[tilespmem:s8], [sflag:$0x5] =	stream.linear.gather [hbm4b:s12+s22], $0x80, $0x38;
	[tilespmem:$0x18280] =	vst v63  }
0x128: {  	(v2sf) =	vpush v0, $0xA;
	s26 =	sadd.s32 s3, s20;
	s29 =	sand.u32 $0x1FFFFFF0, s25;
	s28 =	spop (v2sf)  }
0x129: {  	[tilespmem:s4], [sflag:$0x5] =	stream.linear.gather [hbm4b:s26+s22], $0x80, $0x38;
	[tilespmem:$0x18280] =	vst v63  }
0x12a: {  	s8 =	sadd.s32 $0x10700, s23;
	(v2sf) =	vpush v0, $0xB;
	s12 =	sadd.s32 s3, s29;
	s30 =	spop (v2sf)  }
0x12b: {  	s4 =	sadd.s32 $0x10680, s23;
	s26 =	sadd.s32 $0x10380, s23;
	s25 =	sand.u32 $0x1FFFFFF0, s30  }
0x12c: {  	(v2sf) =	vpush v0, $0xC;
	[tilespmem:s13], [sflag:$0x5] =	stream.linear.gather [hbm4b:s12+s22], $0x80, $0x38;
	[tilespmem:$0x18280] =	vst v63  }
0x12d: {  	s31 =	sand.u32 $0x1FFFFFF0, s28;
	s28 =	spop (v2sf);
	s29 =	sadd.s32 s3, s25  }
0x12e: {  	(v2sf) =	vpush v0, $0xD;
	[tilespmem:s26], [sflag:$0x5] =	stream.linear.gather [hbm4b:s29+s22], $0x80, $0x38;
	[tilespmem:$0x18280] =	vst v63  }
0x12f: {  	s12 =	sadd.s32 s3, s31;
	s13 =	sand.u32 $0x1FFFFFF0, s28;
	s30 =	spop (v2sf)  }
0x130: {  	(v2sf) =	vpush v0, $0xE;
	[tilespmem:s9], [sflag:$0x5] =	stream.linear.gather [hbm4b:s12+s22], $0x80, $0x38;
	[tilespmem:$0x18280] =	vst v63  }
0x131: {  	s13 =	sadd.s32 s3, s13;
	s31 =	sand.u32 $0x1FFFFFF0, s30;
	s20 =	spop (v2sf)  }
0x132: {  	(v2sf) =	vpush v0, $0xF;
	[tilespmem:s6], [sflag:$0x5] =	stream.linear.gather [hbm4b:s13+s22], $0x80, $0x38;
	[tilespmem:$0x18280] =	vst v63  }
0x133: {  	s25 =	sand.u32 $0x1FFFFFF0, s20;
	s26 =	spop (v2sf);
	s9 =	sadd.s32 s3, s31  }
0x134: {  	[tilespmem:s10], [sflag:$0x5] =	stream.linear.gather [hbm4b:s9+s22], $0x80, $0x38;
	[tilespmem:$0x18280] =	vst v63  }
0x135: {  	s28 =	sand.u32 $0x1FFFFFF0, s26;
	s6 =	sadd.s32 s3, s25;
	s29 =	spop (v2sf)  }
0x136: {  	[tilespmem:s5], [sflag:$0x5] =	stream.linear.gather [hbm4b:s6+s22], $0x80, $0x38;
	[tilespmem:$0x18280] =	vst v63  }
0x137: {  	s9 =	sadd.s32 s3, s28;
	s30 =	sand.u32 $0x1FFFFFF0, s29;
	s31 =	spop (v2sf)  }
0x138: {  	[tilespmem:s7], [sflag:$0x5] =	stream.linear.gather [hbm4b:s9+s22], $0x80, $0x38;
	[tilespmem:$0x18280] =	vst v63  }
0x139: {  	s6 =	sand.u32 $0x1FFFFFF0, s31;
	s5 =	sadd.s32 s3, s30;
	s9 =	spop (v2sf)  }
0x13a: {  	[tilespmem:s4], [sflag:$0x5] =	stream.linear.gather [hbm4b:s5+s22], $0x80, $0x38;
	[tilespmem:$0x18280] =	vst v63  }
0x13b: {  	s6 =	sadd.s32 s3, s6;
	s10 =	sand.u32 $0x1FFFFFF0, s9;
	s12 =	spop (v2sf)  }
0x13c: {  	[tilespmem:s8], [sflag:$0x5] =	stream.linear.gather [hbm4b:s6+s22], $0x80, $0x38;
	[tilespmem:$0x18280] =	vst v63  }
0x13d: {  	s4 =	sadd.s32 s3, s10;
	s5 =	sand.u32 $0x1FFFFFF0, s12;
	s13 =	spop (v2sf)  }
0x13e: {  	[tilespmem:s24], [sflag:$0x5] =	stream.linear.gather [hbm4b:s4+s22], $0x80, $0x38;
	[tilespmem:$0x18280] =	vst v63  }
0x13f: {  	s20 =	sand.u32 $0x1FFFFFF0, s13;
	s5 =	sadd.s32 s3, s5;
	s24 =	spop (v2sf)  }
0x140: {  	[tilespmem:s0], [sflag:$0x5] =	stream.linear.gather [hbm4b:s5+s22], $0x80, $0x38;
	[tilespmem:$0x18280] =	vst v63  }
0x141: {  	s4 =	sadd.s32 s3, s20;
	s25 =	sand.u32 $0x1FFFFFF0, s24;
	s26 =	spop (v2sf)  }
0x142: {  	[tilespmem:s1], [sflag:$0x5] =	stream.linear.gather [hbm4b:s4+s22], $0x80, $0x38;
	[tilespmem:$0x18280] =	vst v63  }
0x143: {  	s29 =	sadd.s32 $0x10900, s23;
	s28 =	sand.u32 $0x1FFFFFF0, s26;
	s0 =	sadd.s32 s3, s25  }
0x144: {  	[tilespmem:s29], [sflag:$0x5] =	stream.linear.gather [hbm4b:s0+s22], $0x80, $0x38;
	[tilespmem:$0x18280] =	vst v63  }
0x145: {  	s30 =	sadd.s32 $0x10980, s23;
	s31 =	simm.s32 $0x0;
	s1 =	sadd.s32 s3, s28  }
0x146: {  	[tilespmem:s30], [sflag:$0x5] =	stream.linear.gather [hbm4b:s1+s22], $0x80, $0x38;
	[tilespmem:$0x18280] =	vst v63  }
0x147: {  	v0 =	vld [tilespmem:s31+$0x200]  }
0x148: {  	v2 =	vld [tilespmem:s31+$0x8200]  }
0x149: {  	v6 =	vld [tilespmem:s31+$0x210]  }
0x14a: {  	v8 =	vld [tilespmem:s31+$0x8210]  }
0x14b: {  	v1 =	vld [tilespmem:s31+$0x220]  }
0x14c: {  	v4 =	vld [tilespmem:s31+$0x8220]  }
0x14d: {  	v3 =	vld [tilespmem:s31+$0x8230];
	v7 =	vsub.f32 v0, v2  }
0x14e: {  	s0 =	simm.s32 $0x80;
	v0 =	vld [tilespmem:s31+$0x230]  }
0x14f: {  	v5 =	vimm.f32 $0.0e+00;
	s1 =	simm.s32 $0x400;
	v2 =	vld [tilespmem:s0+$0x200];
	v6 =	vsub.f32 v6, v8;
	v7 =	vmul.f32 v7, v7  }
.LBB2_8:
0x150: {  	p0 =	sne.s32 s1, $0xFE00;
	v8 =	vld [tilespmem:s0+$0x8200]  }
0x151: {  	v9 =	vld [tilespmem:s0+$0x210];
	v5 =	vadd.f32 v7, v5;
	v6 =	vmul.f32 v6, v6;
	v4 =	vsub.f32 v1, v4  }
0x152: {  	v10 =	vld [tilespmem:s0+$0x8210]  }
.Ltmp3:
0x153: {  	v1 =	vld [tilespmem:s0+$0x220];
	v5 =	vadd.f32 v6, v5;
	v6 =	vmul.f32 v4, v4;
	v3 =	vsub.f32 v0, v3;
	(pc) =	sbr.rel @p0 .LBB2_8-.Ltmp3, $4  }
0x154: {  	v4 =	vld [tilespmem:s0+$0x8220]  }
0x155: {  	v7 =	vsub.f32 v2, v8;
	v0 =	vld [tilespmem:s0+$0x230];
	v5 =	vadd.f32 v6, v5;
	v8 =	vmul.f32 v3, v3  }
0x156: {  	v3 =	vld [tilespmem:s0+$0x8230];
	s0 =	sshra.s32 s1, $0x2  }
0x157: {  	s1 =	sadd.s32 $0x200, s1;
	v2 =	vld [tilespmem:s0+$0x200];
	v7 =	vmul.f32 v7, v7;
	v6 =	vsub.f32 v9, v10;
	v5 =	vadd.f32 v8, v5  }
0x158: {  	v8 =	vld [tilespmem:s0+$0x8200]  }
0x159: {  	v9 =	vld [tilespmem:s0+$0x210]  }
0x15a: {  	v10 =	vld [tilespmem:s0+$0x8210]  }
0x15b: {  	v11 =	vld [tilespmem:s0+$0x220]  }
0x15c: {  	v12 =	vld [tilespmem:s0+$0x8220]  }
0x15d: {  	v13 =	vld [tilespmem:s0+$0x230];
	s22 =	simm.s32 $0x0;
	s31 =	rddreg [dreg:$0x6];
	s1 =	simm.s32 $0x200  }
0x15e: {  	v14 =	vld [tilespmem:s0+$0x8230];
	[tilespmem:s1], [sflag:$0x1] =	stream.linear.gather [hbm4b:s31+s22], $0x4000, $0x38  }
0x15f: {  	_ =	swait.ge [sflag:s16], $0x4000  }
0x160: {  	[sflag:s16] =	ssyncset.done $0x0  }
0x161: {  	[sflag:s16] =	ssyncadd.s32 $0xFFFFC000  }
0x162: {  	_ =	swait.ge [sflag:s17], $0x4000  }
0x163: {  	[sflag:s17] =	ssyncset.done $0x0  }
0x164: {  	s24 =	simm.s32 $0x180;
	v5 =	vadd.f32 v7, v5;
	v1 =	vsub.f32 v1, v4;
	v62 =	vmul.f32 v6, v6;
	[sflag:s17] =	ssyncadd.s32 $0xFFFFC000  }
0x165: {  	v0 =	vsub.f32 v0, v3;
	v3 =	vld [tilespmem:s24+$0x0]  }
0x166: {  	v4 =	vadd.f32 v62, v5;
	v1 =	vmul.f32 v1, v1;
	_ =	sdelay $0x1  }
0x167: {  	v2 =	vsub.f32 v2, v8;
	v1 =	vadd.f32 v1, v4;
	v0 =	vmul.f32 v0, v0  }
0x168: {  	v63 =	vsub.f32 v9, v10  }
0x169: {  	v2 =	vmul.f32 v2, v2;
	v0 =	vadd.f32 v0, v1;
	v1 =	vshll.u32 v3, $0x4  }
0x16a: {  	(v2sf) =	vpush v1, $0x0  }
0x16b: {  	v0 =	vadd.f32 v2, v0;
	v2 =	vmul.f32 v63, v63;
	(v2sf) =	vpush v1, $0x1  }
0x16c: {  	v3 =	vsub.f32 v11, v12;
	(v2sf) =	vpush v1, $0x2  }
0x16d: {  	v0 =	vadd.f32 v2, v0  }
0x16e: {  	v2 =	vmul.f32 v3, v3;
	v3 =	vsub.f32 v13, v14;
	(v2sf) =	vpush v1, $0x4;
	_ =	sdelay $0x1  }
0x16f: {  	v0 =	vadd.f32 v2, v0;
	v2 =	vmul.f32 v3, v3;
	(v2sf) =	vpush v1, $0x3  }
0x170: {  	(v2sf) =	vpush v1, $0x5  }
0x171: {  	s25 =	simm.s32 $0x2000;
	s23 =	simm.s32 $0x0;
	v0 =	vadd.f32 v2, v0;
	(v2sf) =	vpush v1, $0x6  }
.LBB2_10:
0x172: {  	p0 =	sne.s32 s25, $0xE000  }
0x173: {  	s4 =	sadd.s32 $0x14280, s23;
	s30 =	sadd.s32 $0x14780, s23;
	s26 =	smov.u32 s25  }
0x174: {  	s25 =	sadd.s32 $0x2000, s25;
	s31 =	sadd.s32 $0x14580, s23;
	s28 =	sadd.s32 $0x14800, s23;
	(v2sf) =	vpush v1, $0x7  }
0x175: {  	s12 =	sadd.s32 $0x14480, s23;
	s1 =	sadd.s32 $0x14600, s23;
	s29 =	sadd.s32 $0x14880, s23  }
0x176: {  	s5 =	sadd.s32 $0x14200, s23;
	s6 =	sadd.s32 $0x14400, s23;
	(v2sf) =	vpush v1, $0x8  }
0x177: {  	s7 =	sadd.s32 $0x14500, s23;
	s24 =	sadd.s32 $0x10, s24  }
0x178: {  	s8 =	sadd.s32 $0x14300, s23;
	s0 =	sadd.s32 $0x14700, s23;
	s9 =	spop (v2sf);
	(v2sf) =	vpush v1, $0x9  }
0x179: {  	s20 =	sadd.s32 $0x14680, s23;
	s9 =	sand.u32 $0x1FFFFFF0, s9;
	s10 =	spop (v2sf)  }
0x17a: {  	s9 =	sadd.s32 s3, s9;
	s10 =	sand.u32 $0x1FFFFFF0, s10;
	s13 =	spop (v2sf);
	(v2sf) =	vpush v1, $0xA  }
0x17b: {  	[tilespmem:s5], [sflag:$0x6] =	stream.linear.gather [hbm4b:s9+s22], $0x80, $0x38;
	[tilespmem:$0x18280] =	vst v63  }
0x17c: {  	s5 =	sadd.s32 s3, s10;
	s9 =	sadd.s32 $0x14380, s23;
	s10 =	spop (v2sf);
	(v2sf) =	vpush v1, $0xB  }
0x17d: {  	[tilespmem:s4], [sflag:$0x6] =	stream.linear.gather [hbm4b:s5+s22], $0x80, $0x38;
	[tilespmem:$0x18280] =	vst v63  }
0x17e: {  	s4 =	sand.u32 $0x1FFFFFF0, s13;
	s5 =	sand.u32 $0x1FFFFFF0, s10;
	s10 =	spop (v2sf);
	(v2sf) =	vpush v1, $0xC  }
0x17f: {  	s4 =	sadd.s32 s3, s4;
	s10 =	sand.u32 $0x1FFFFFF0, s10;
	s13 =	spop (v2sf)  }
0x180: {  	[tilespmem:s8], [sflag:$0x6] =	stream.linear.gather [hbm4b:s4+s22], $0x80, $0x38;
	(v2sf) =	vpush v1, $0xD;
	[tilespmem:$0x18280] =	vst v63  }
0x181: {  	s4 =	sadd.s32 s3, s10;
	s8 =	sand.u32 $0x1FFFFFF0, s13;
	s10 =	spop (v2sf)  }
0x182: {  	[tilespmem:s9], [sflag:$0x6] =	stream.linear.gather [hbm4b:s4+s22], $0x80, $0x38;
	(v2sf) =	vpush v1, $0xE;
	[tilespmem:$0x18280] =	vst v63  }
0x183: {  	s4 =	sadd.s32 s3, s5;
	s5 =	sand.u32 $0x1FFFFFF0, s10;
	s9 =	spop (v2sf)  }
0x184: {  	[tilespmem:s6], [sflag:$0x6] =	stream.linear.gather [hbm4b:s4+s22], $0x80, $0x38;
	(v2sf) =	vpush v1, $0xF;
	[tilespmem:$0x18280] =	vst v63  }
0x185: {  	s4 =	sadd.s32 s3, s8;
	s6 =	sand.u32 $0x1FFFFFF0, s9;
	s8 =	spop (v2sf)  }
0x186: {  	[tilespmem:s12], [sflag:$0x6] =	stream.linear.gather [hbm4b:s4+s22], $0x80, $0x38;
	[tilespmem:$0x18280] =	vst v63  }
0x187: {  	s4 =	sadd.s32 s3, s5;
	s5 =	sand.u32 $0x1FFFFFF0, s8;
	s8 =	spop (v2sf)  }
0x188: {  	[tilespmem:s7], [sflag:$0x6] =	stream.linear.gather [hbm4b:s4+s22], $0x80, $0x38;
	[tilespmem:$0x18280] =	vst v63  }
0x189: {  	s4 =	sadd.s32 s3, s6;
	s6 =	sand.u32 $0x1FFFFFF0, s8;
	s7 =	spop (v2sf)  }
0x18a: {  	[tilespmem:s31], [sflag:$0x6] =	stream.linear.gather [hbm4b:s4+s22], $0x80, $0x38;
	[tilespmem:$0x18280] =	vst v63  }
0x18b: {  	s4 =	sadd.s32 s3, s5;
	s5 =	sand.u32 $0x1FFFFFF0, s7;
	s7 =	spop (v2sf)  }
0x18c: {  	[tilespmem:s1], [sflag:$0x6] =	stream.linear.gather [hbm4b:s4+s22], $0x80, $0x38;
	[tilespmem:$0x18280] =	vst v63  }
0x18d: {  	s1 =	sadd.s32 s3, s6;
	s4 =	sand.u32 $0x1FFFFFF0, s7;
	s6 =	spop (v2sf)  }
0x18e: {  	[tilespmem:s20], [sflag:$0x6] =	stream.linear.gather [hbm4b:s1+s22], $0x80, $0x38;
	[tilespmem:$0x18280] =	vst v63  }
0x18f: {  	s1 =	sadd.s32 s3, s5;
	s5 =	sand.u32 $0x1FFFFFF0, s6;
	s6 =	spop (v2sf)  }
0x190: {  	[tilespmem:s0], [sflag:$0x6] =	stream.linear.gather [hbm4b:s1+s22], $0x80, $0x38;
	[tilespmem:$0x18280] =	vst v63  }
0x191: {  	s0 =	sadd.s32 s3, s4;
	s1 =	sand.u32 $0x1FFFFFF0, s6;
	s4 =	spop (v2sf)  }
0x192: {  	[tilespmem:s30], [sflag:$0x6] =	stream.linear.gather [hbm4b:s0+s22], $0x80, $0x38;
	[tilespmem:$0x18280] =	vst v63  }
0x193: {  	s0 =	sadd.s32 s3, s5;
	s4 =	sand.u32 $0x1FFFFFF0, s4;
	s5 =	spop (v2sf)  }
0x194: {  	[tilespmem:s28], [sflag:$0x6] =	stream.linear.gather [hbm4b:s0+s22], $0x80, $0x38;
	[tilespmem:$0x18280] =	vst v63  }
0x195: {  	s0 =	sadd.s32 s3, s1;
	s1 =	sand.u32 $0x1FFFFFF0, s5  }
0x196: {  	[tilespmem:s29], [sflag:$0x6] =	stream.linear.gather [hbm4b:s0+s22], $0x80, $0x38;
	[tilespmem:$0x18280] =	vst v63  }
0x197: {  	s4 =	sadd.s32 s3, s4;
	s0 =	sadd.s32 $0x14900, s23  }
0x198: {  	[tilespmem:s0], [sflag:$0x6] =	stream.linear.gather [hbm4b:s4+s22], $0x80, $0x38;
	[tilespmem:$0x18280] =	vst v63  }
0x199: {  	s1 =	sadd.s32 s3, s1;
	s0 =	sadd.s32 $0x14980, s23  }
0x19a: {  	[tilespmem:s0], [sflag:$0x6] =	stream.linear.gather [hbm4b:s1+s22], $0x80, $0x38;
	[tilespmem:$0x18280] =	vst v63  }
0x19b: {  	v1 =	vld [tilespmem:s24+$0x0];
	_ =	sdelay $0x4  }
0x19c: {  	v1 =	vshll.u32 v1, $0x4  }
0x19d: {  	(v2sf) =	vpush v1, $0x0  }
0x19e: {  	(v2sf) =	vpush v1, $0x1  }
0x19f: {  	(v2sf) =	vpush v1, $0x2;
	_ =	sdelay $0x1  }
0x1a0: {  	(v2sf) =	vpush v1, $0x4  }
.Ltmp4:
0x1a1: {  	(pc) =	sbr.rel @p0 .LBB2_10-.Ltmp4, $3  }
0x1a2: {  	(v2sf) =	vpush v1, $0x3  }
0x1a3: {  	(v2sf) =	vpush v1, $0x5;
	_ =	sdelay $0x1  }
0x1a4: {  	s23 =	sshra.s32 s26, $0x2;
	(v2sf) =	vpush v1, $0x6  }
0x1a5: {  	_ =	sdelay $0x1  }
0x1a6: {  	s4 =	sadd.s32 $0x14280, s23;
	s24 =	sadd.s32 $0x14780, s23  }
0x1a7: {  	s5 =	sadd.s32 $0x14580, s23;
	s0 =	sadd.s32 $0x14800, s23;
	(v2sf) =	vpush v1, $0x7;
	s6 =	sadd.s32 $0x14480, s23  }
0x1a8: {  	s7 =	sadd.s32 $0x14600, s23;
	s1 =	sadd.s32 $0x14880, s23;
	s8 =	sadd.s32 $0x14200, s23  }
0x1a9: {  	s9 =	sadd.s32 $0x14400, s23;
	s10 =	sadd.s32 $0x14500, s23;
	(v2sf) =	vpush v1, $0x8;
	s12 =	spop (v2sf)  }
0x1aa: {  	s13 =	sadd.s32 $0x14300, s23;
	s12 =	sand.u32 $0x1FFFFFF0, s12;
	s20 =	spop (v2sf)  }
0x1ab: {  	(v2sf) =	vpush v1, $0x9;
	s12 =	sadd.s32 s3, s12;
	s20 =	sand.u32 $0x1FFFFFF0, s20;
	s25 =	spop (v2sf)  }
0x1ac: {  	[tilespmem:s8], [sflag:$0x6] =	stream.linear.gather [hbm4b:s12+s22], $0x80, $0x38;
	[tilespmem:$0x18280] =	vst v63  }
0x1ad: {  	(v2sf) =	vpush v1, $0xA;
	s26 =	sadd.s32 s3, s20;
	s29 =	sand.u32 $0x1FFFFFF0, s25;
	s28 =	spop (v2sf)  }
0x1ae: {  	[tilespmem:s4], [sflag:$0x6] =	stream.linear.gather [hbm4b:s26+s22], $0x80, $0x38;
	[tilespmem:$0x18280] =	vst v63  }
0x1af: {  	s8 =	sadd.s32 $0x14700, s23;
	(v2sf) =	vpush v1, $0xB;
	s12 =	sadd.s32 s3, s29;
	s30 =	spop (v2sf)  }
0x1b0: {  	s4 =	sadd.s32 $0x14680, s23;
	s26 =	sadd.s32 $0x14380, s23;
	s25 =	sand.u32 $0x1FFFFFF0, s30  }
0x1b1: {  	(v2sf) =	vpush v1, $0xC;
	[tilespmem:s13], [sflag:$0x6] =	stream.linear.gather [hbm4b:s12+s22], $0x80, $0x38;
	[tilespmem:$0x18280] =	vst v63  }
0x1b2: {  	s31 =	sand.u32 $0x1FFFFFF0, s28;
	s28 =	spop (v2sf);
	s29 =	sadd.s32 s3, s25  }
0x1b3: {  	(v2sf) =	vpush v1, $0xD;
	[tilespmem:s26], [sflag:$0x6] =	stream.linear.gather [hbm4b:s29+s22], $0x80, $0x38;
	[tilespmem:$0x18280] =	vst v63  }
0x1b4: {  	s12 =	sadd.s32 s3, s31;
	s13 =	sand.u32 $0x1FFFFFF0, s28;
	s30 =	spop (v2sf)  }
0x1b5: {  	(v2sf) =	vpush v1, $0xE;
	[tilespmem:s9], [sflag:$0x6] =	stream.linear.gather [hbm4b:s12+s22], $0x80, $0x38;
	[tilespmem:$0x18280] =	vst v63  }
0x1b6: {  	s13 =	sadd.s32 s3, s13;
	s31 =	sand.u32 $0x1FFFFFF0, s30;
	s20 =	spop (v2sf)  }
0x1b7: {  	(v2sf) =	vpush v1, $0xF;
	[tilespmem:s6], [sflag:$0x6] =	stream.linear.gather [hbm4b:s13+s22], $0x80, $0x38;
	[tilespmem:$0x18280] =	vst v63  }
0x1b8: {  	s25 =	sand.u32 $0x1FFFFFF0, s20;
	s26 =	spop (v2sf);
	s9 =	sadd.s32 s3, s31  }
0x1b9: {  	[tilespmem:s10], [sflag:$0x6] =	stream.linear.gather [hbm4b:s9+s22], $0x80, $0x38;
	[tilespmem:$0x18280] =	vst v63  }
0x1ba: {  	s28 =	sand.u32 $0x1FFFFFF0, s26;
	s6 =	sadd.s32 s3, s25;
	s29 =	spop (v2sf)  }
0x1bb: {  	[tilespmem:s5], [sflag:$0x6] =	stream.linear.gather [hbm4b:s6+s22], $0x80, $0x38;
	[tilespmem:$0x18280] =	vst v63  }
0x1bc: {  	s9 =	sadd.s32 s3, s28;
	s30 =	sand.u32 $0x1FFFFFF0, s29;
	s31 =	spop (v2sf)  }
0x1bd: {  	[tilespmem:s7], [sflag:$0x6] =	stream.linear.gather [hbm4b:s9+s22], $0x80, $0x38;
	[tilespmem:$0x18280] =	vst v63  }
0x1be: {  	s6 =	sand.u32 $0x1FFFFFF0, s31;
	s5 =	sadd.s32 s3, s30;
	s9 =	spop (v2sf)  }
0x1bf: {  	[tilespmem:s4], [sflag:$0x6] =	stream.linear.gather [hbm4b:s5+s22], $0x80, $0x38;
	[tilespmem:$0x18280] =	vst v63  }
0x1c0: {  	s6 =	sadd.s32 s3, s6;
	s10 =	sand.u32 $0x1FFFFFF0, s9;
	s12 =	spop (v2sf)  }
0x1c1: {  	[tilespmem:s8], [sflag:$0x6] =	stream.linear.gather [hbm4b:s6+s22], $0x80, $0x38;
	[tilespmem:$0x18280] =	vst v63  }
0x1c2: {  	s4 =	sadd.s32 s3, s10;
	s5 =	sand.u32 $0x1FFFFFF0, s12;
	s13 =	spop (v2sf)  }
0x1c3: {  	[tilespmem:s24], [sflag:$0x6] =	stream.linear.gather [hbm4b:s4+s22], $0x80, $0x38;
	[tilespmem:$0x18280] =	vst v63  }
0x1c4: {  	s20 =	sand.u32 $0x1FFFFFF0, s13;
	s5 =	sadd.s32 s3, s5;
	s24 =	spop (v2sf)  }
0x1c5: {  	[tilespmem:s0], [sflag:$0x6] =	stream.linear.gather [hbm4b:s5+s22], $0x80, $0x38;
	[tilespmem:$0x18280] =	vst v63  }
0x1c6: {  	s4 =	sadd.s32 s3, s20;
	s25 =	sand.u32 $0x1FFFFFF0, s24;
	s26 =	spop (v2sf)  }
0x1c7: {  	[tilespmem:s1], [sflag:$0x6] =	stream.linear.gather [hbm4b:s4+s22], $0x80, $0x38;
	[tilespmem:$0x18280] =	vst v63  }
0x1c8: {  	s29 =	sadd.s32 $0x14900, s23;
	s28 =	sand.u32 $0x1FFFFFF0, s26;
	s0 =	sadd.s32 s3, s25  }
0x1c9: {  	[tilespmem:s29], [sflag:$0x6] =	stream.linear.gather [hbm4b:s0+s22], $0x80, $0x38;
	[tilespmem:$0x18280] =	vst v63  }
0x1ca: {  	s30 =	sadd.s32 $0x14980, s23;
	s31 =	simm.s32 $0x0;
	s1 =	sadd.s32 s3, s28  }
0x1cb: {  	[tilespmem:s30], [sflag:$0x6] =	stream.linear.gather [hbm4b:s1+s22], $0x80, $0x38;
	[tilespmem:$0x18280] =	vst v63  }
0x1cc: {  	v1 =	vld [tilespmem:s31+$0x4200]  }
0x1cd: {  	v3 =	vld [tilespmem:s31+$0xC200]  }
0x1ce: {  	v6 =	vld [tilespmem:s31+$0x4210]  }
0x1cf: {  	v8 =	vld [tilespmem:s31+$0xC210]  }
0x1d0: {  	v2 =	vld [tilespmem:s31+$0x4220]  }
0x1d1: {  	v5 =	vld [tilespmem:s31+$0xC220]  }
0x1d2: {  	v4 =	vld [tilespmem:s31+$0xC230];
	v7 =	vsub.f32 v1, v3  }
0x1d3: {  	s0 =	simm.s32 $0x80;
	v1 =	vld [tilespmem:s31+$0x4230]  }
0x1d4: {  	s1 =	simm.s32 $0x400;
	v3 =	vld [tilespmem:s0+$0x4200];
	v6 =	vsub.f32 v6, v8;
	v7 =	vmul.f32 v7, v7  }
.LBB2_12:
0x1d5: {  	p0 =	sne.s32 s1, $0xFE00;
	v8 =	vld [tilespmem:s0+$0xC200]  }
0x1d6: {  	v9 =	vld [tilespmem:s0+$0x4210];
	v0 =	vadd.f32 v7, v0;
	v6 =	vmul.f32 v6, v6;
	v5 =	vsub.f32 v2, v5  }
0x1d7: {  	v10 =	vld [tilespmem:s0+$0xC210]  }
.Ltmp5:
0x1d8: {  	v2 =	vld [tilespmem:s0+$0x4220];
	v0 =	vadd.f32 v6, v0;
	v6 =	vmul.f32 v5, v5;
	v4 =	vsub.f32 v1, v4;
	(pc) =	sbr.rel @p0 .LBB2_12-.Ltmp5, $4  }
0x1d9: {  	v5 =	vld [tilespmem:s0+$0xC220]  }
0x1da: {  	v7 =	vsub.f32 v3, v8;
	v1 =	vld [tilespmem:s0+$0x4230];
	v0 =	vadd.f32 v6, v0;
	v8 =	vmul.f32 v4, v4  }
0x1db: {  	v4 =	vld [tilespmem:s0+$0xC230];
	s0 =	sshra.s32 s1, $0x2  }
0x1dc: {  	s1 =	sadd.s32 $0x200, s1;
	v3 =	vld [tilespmem:s0+$0x4200];
	v7 =	vmul.f32 v7, v7;
	v6 =	vsub.f32 v9, v10;
	v0 =	vadd.f32 v8, v0  }
0x1dd: {  	v8 =	vld [tilespmem:s0+$0xC200]  }
0x1de: {  	v9 =	vld [tilespmem:s0+$0x4210]  }
0x1df: {  	v10 =	vld [tilespmem:s0+$0xC210]  }
0x1e0: {  	v11 =	vld [tilespmem:s0+$0x4220]  }
0x1e1: {  	v12 =	vld [tilespmem:s0+$0xC220]  }
0x1e2: {  	v13 =	vld [tilespmem:s0+$0x4230];
	s30 =	simm.s32 $0x0;
	s1 =	rddreg [dreg:$0x7];
	s4 =	simm.s32 $0x4200  }
0x1e3: {  	v14 =	vld [tilespmem:s0+$0xC230];
	[tilespmem:s4], [sflag:$0x2] =	stream.linear.gather [hbm4b:s1+s30], $0x4000, $0x38  }
0x1e4: {  	v0 =	vadd.f32 v7, v0;
	v2 =	vsub.f32 v2, v5;
	v5 =	vmul.f32 v6, v6;
	_ =	swait.ge [sflag:s14], $0x4000  }
0x1e5: {  	[sflag:s14] =	ssyncset.done $0x0  }
0x1e6: {  	v0 =	vadd.f32 v5, v0;
	v1 =	vsub.f32 v1, v4;
	v2 =	vmul.f32 v2, v2;
	[sflag:s14] =	ssyncadd.s32 $0xFFFFC000  }
0x1e7: {  	_ =	swait.ge [sflag:s18], $0x4000  }
0x1e8: {  	v3 =	vsub.f32 v3, v8;
	v0 =	vadd.f32 v2, v0;
	v1 =	vmul.f32 v1, v1;
	[sflag:s18] =	ssyncset.done $0x0  }
0x1e9: {  	s31 =	simm.s32 $0x0;
	[sflag:s18] =	ssyncadd.s32 $0xFFFFC000  }
0x1ea: {  	v2 =	vmul.f32 v3, v3;
	v3 =	vsub.f32 v9, v10;
	v0 =	vadd.f32 v1, v0;
	v1 =	vld [tilespmem:s31+$0x200]  }
0x1eb: {  	v4 =	vld [tilespmem:s31+$0x10200]  }
0x1ec: {  	v6 =	vld [tilespmem:s31+$0x210];
	v0 =	vadd.f32 v2, v0;
	v2 =	vmul.f32 v3, v3;
	v3 =	vsub.f32 v11, v12  }
0x1ed: {  	v8 =	vld [tilespmem:s31+$0x10210]  }
0x1ee: {  	v7 =	vsub.f32 v13, v14;
	v2 =	vadd.f32 v2, v0;
	v5 =	vmul.f32 v3, v3;
	v0 =	vld [tilespmem:s31+$0x220]  }
0x1ef: {  	v3 =	vld [tilespmem:s31+$0x10220]  }
0x1f0: {  	v2 =	vadd.f32 v5, v2;
	v5 =	vmul.f32 v7, v7;
	v7 =	vsub.f32 v1, v4;
	v1 =	vld [tilespmem:s31+$0x230]  }
0x1f1: {  	s0 =	simm.s32 $0x80;
	v4 =	vld [tilespmem:s31+$0x10230]  }
0x1f2: {  	s1 =	simm.s32 $0x400;
	v6 =	vsub.f32 v6, v8;
	v5 =	vadd.f32 v5, v2;
	v2 =	vld [tilespmem:s0+$0x200];
	v7 =	vmul.f32 v7, v7  }
.LBB2_14:
0x1f3: {  	p0 =	sne.s32 s1, $0xFE00;
	v8 =	vld [tilespmem:s0+$0x10200]  }
0x1f4: {  	v9 =	vld [tilespmem:s0+$0x210];
	v5 =	vadd.f32 v7, v5;
	v6 =	vmul.f32 v6, v6;
	v3 =	vsub.f32 v0, v3  }
0x1f5: {  	v10 =	vld [tilespmem:s0+$0x10210]  }
.Ltmp6:
0x1f6: {  	v0 =	vld [tilespmem:s0+$0x220];
	v5 =	vadd.f32 v6, v5;
	v6 =	vmul.f32 v3, v3;
	v4 =	vsub.f32 v1, v4;
	(pc) =	sbr.rel @p0 .LBB2_14-.Ltmp6, $4  }
0x1f7: {  	v3 =	vld [tilespmem:s0+$0x10220]  }
0x1f8: {  	v7 =	vsub.f32 v2, v8;
	v1 =	vld [tilespmem:s0+$0x230];
	v5 =	vadd.f32 v6, v5;
	v8 =	vmul.f32 v4, v4  }
0x1f9: {  	v4 =	vld [tilespmem:s0+$0x10230];
	s0 =	sshra.s32 s1, $0x2  }
0x1fa: {  	s1 =	sadd.s32 $0x200, s1;
	v2 =	vld [tilespmem:s0+$0x200];
	v7 =	vmul.f32 v7, v7;
	v6 =	vsub.f32 v9, v10;
	v5 =	vadd.f32 v8, v5  }
0x1fb: {  	v8 =	vld [tilespmem:s0+$0x10200]  }
0x1fc: {  	v9 =	vld [tilespmem:s0+$0x210]  }
0x1fd: {  	v10 =	vld [tilespmem:s0+$0x10210]  }
0x1fe: {  	v11 =	vld [tilespmem:s0+$0x220]  }
0x1ff: {  	v12 =	vld [tilespmem:s0+$0x10220]  }
0x200: {  	v13 =	vld [tilespmem:s0+$0x230]  }
0x201: {  	v14 =	vld [tilespmem:s0+$0x10230];
	_ =	swait.ge [sflag:s16], $0x4000;
	v5 =	vadd.f32 v7, v5;
	v0 =	vsub.f32 v0, v3;
	v3 =	vmul.f32 v6, v6  }
0x202: {  	[sflag:s16] =	ssyncset.done $0x0  }
0x203: {  	[sflag:s16] =	ssyncadd.s32 $0xFFFFC000;
	v3 =	vadd.f32 v3, v5;
	v1 =	vsub.f32 v1, v4;
	v0 =	vmul.f32 v0, v0  }
0x204: {  	_ =	swait.ge [sflag:s19], $0x4000  }
0x205: {  	[sflag:s19] =	ssyncset.done $0x0;
	v2 =	vsub.f32 v2, v8;
	v0 =	vadd.f32 v0, v3;
	v1 =	vmul.f32 v1, v1  }
0x206: {  	s1 =	simm.s32 $0x0;
	[sflag:s19] =	ssyncadd.s32 $0xFFFFC000  }
0x207: {  	v3 =	vsub.f32 v9, v10;
	v4 =	vld [tilespmem:s1+$0x14200];
	v2 =	vmul.f32 v2, v2;
	v0 =	vadd.f32 v1, v0  }
0x208: {  	v1 =	vld [tilespmem:s1+$0x4200]  }
0x209: {  	v7 =	vld [tilespmem:s1+$0x4210];
	v0 =	vadd.f32 v2, v0;
	v2 =	vmul.f32 v3, v3;
	v3 =	vsub.f32 v11, v12  }
0x20a: {  	v8 =	vld [tilespmem:s1+$0x14210]  }
0x20b: {  	v6 =	vsub.f32 v13, v14;
	v5 =	vadd.f32 v2, v0;
	v3 =	vmul.f32 v3, v3;
	v0 =	vld [tilespmem:s1+$0x4220]  }
0x20c: {  	v2 =	vld [tilespmem:s1+$0x14220]  }
0x20d: {  	v3 =	vadd.f32 v3, v5;
	v5 =	vmul.f32 v6, v6;
	v6 =	vsub.f32 v1, v4;
	v1 =	vld [tilespmem:s1+$0x4230]  }
0x20e: {  	s0 =	simm.s32 $0x80;
	v4 =	vld [tilespmem:s1+$0x14230]  }
0x20f: {  	v7 =	vsub.f32 v7, v8;
	s1 =	simm.s32 $0x400;
	v5 =	vadd.f32 v5, v3;
	v3 =	vld [tilespmem:s0+$0x4200];
	v6 =	vmul.f32 v6, v6  }
.LBB2_16:
0x210: {  	p0 =	sne.s32 s1, $0xFE00;
	v8 =	vld [tilespmem:s0+$0x14200]  }
0x211: {  	v9 =	vld [tilespmem:s0+$0x4210];
	v5 =	vadd.f32 v6, v5;
	v6 =	vmul.f32 v7, v7;
	v2 =	vsub.f32 v0, v2  }
0x212: {  	v7 =	vld [tilespmem:s0+$0x14210]  }
.Ltmp7:
0x213: {  	v0 =	vld [tilespmem:s0+$0x4220];
	v5 =	vadd.f32 v6, v5;
	v6 =	vmul.f32 v2, v2;
	v4 =	vsub.f32 v1, v4;
	(pc) =	sbr.rel @p0 .LBB2_16-.Ltmp7, $4  }
0x214: {  	v2 =	vld [tilespmem:s0+$0x14220]  }
0x215: {  	v8 =	vsub.f32 v3, v8;
	v1 =	vld [tilespmem:s0+$0x4230];
	v5 =	vadd.f32 v6, v5;
	v10 =	vmul.f32 v4, v4  }
0x216: {  	v4 =	vld [tilespmem:s0+$0x14230];
	s0 =	sshra.s32 s1, $0x2  }
0x217: {  	s1 =	sadd.s32 $0x200, s1;
	v3 =	vld [tilespmem:s0+$0x4200];
	v6 =	vmul.f32 v8, v8;
	v7 =	vsub.f32 v9, v7;
	v5 =	vadd.f32 v10, v5  }
0x218: {  	v8 =	vld [tilespmem:s0+$0x14200]  }
0x219: {  	v9 =	vld [tilespmem:s0+$0x4210];
	v5 =	vadd.f32 v6, v5;
	v53 =	vmul.f32 v7, v7;
	v0 =	vsub.f32 v0, v2  }
0x21a: {  	v54 =	vld [tilespmem:s0+$0x14210]  }
0x21b: {  	v55 =	vld [tilespmem:s0+$0x4220];
	v5 =	vadd.f32 v53, v5;
	v0 =	vmul.f32 v0, v0;
	v1 =	vsub.f32 v1, v4  }
0x21c: {  	v56 =	vld [tilespmem:s0+$0x14220]  }
0x21d: {  	v57 =	vld [tilespmem:s0+$0x4230];
	v3 =	vsub.f32 v3, v8;
	v0 =	vadd.f32 v0, v5;
	v1 =	vmul.f32 v1, v1  }
0x21e: {  	v58 =	vld [tilespmem:s0+$0x14230]  }
0x21f: {  	v2 =	vsub.f32 v9, v54;
	v3 =	vmul.f32 v3, v3;
	v0 =	vadd.f32 v1, v0;
	_ =	sdelay $0x1  }
0x220: {  	v60 =	vsub.f32 v55, v56;
	v59 =	vmul.f32 v2, v2;
	v0 =	vadd.f32 v3, v0;
	_ =	sdelay $0x1  }
0x221: {  	v62 =	vsub.f32 v57, v58;
	v61 =	vmul.f32 v60, v60;
	v0 =	vadd.f32 v59, v0;
	_ =	sdelay $0x1  }
0x222: {  	v63 =	vmul.f32 v62, v62;
	v0 =	vadd.f32 v61, v0;
	_ =	sdelay $0x1  }
0x223: {  	v0 =	vadd.f32 v63, v0;
	_ =	sdelay $0x1  }
0x224: {  	s30 =	rddreg [dreg:$0x8];
	s1 =	simm.s32 $0x18200;
	[tilespmem:$0x18200] =	vst v0  }
0x225: {  	[hbm4b:s30+s2] =	stream.linear.scatter [tilespmem:s1], [sflag:$0x7], $0x10, $0x38;
	[tilespmem:$0x18280] =	vst v63  }
0x226: {  	_ =	swait.ge [sflag:s11], $0x10  }
0x227: {  	s21 =	sadd.s32 $0x1, s21;
	s31 =	rddreg [dreg:$0x9]  }
0x228: {  	p0 =	sne.s32 s21, s31  }
.Ltmp8:
0x229: {  	_ = 	snop;
	(pc) =	sbr.rel @p0 .LBB2_1-.Ltmp8, $3  }
0x22a: {  	_ =	sdelay $0x1  }
0x22b: {  	[sflag:s11] =	ssyncset.done $0x0  }
0x22c: {  	[sflag:s11] =	ssyncadd.s32 $0xFFFFFFF0  }
0x22d: {  	_ =	sfence.sel $0x180000  }
0x22e: {  	[bflag:$0x0] =	sbarrier.arrive $0xFFFF  }
0x22f: {  	_ =	strace $0x90000047  }
0x230: {  	s0 =	stileid.u32;
	[bflag:$0x2] =	sbarrier.arrive $0xFFFF  }
0x231: {  	p0 =	sne.s32 s0, $0x0;
	s0 =	rddreg [dreg:$0x2]  }
0x232: {  	s0 =	sadd.s32 @!p0 $0x100000, s0  }
0x233: {  	[sflag:s0] =	ssyncadd.tile.s32 @!p0 $0x1;
	_ =	shalt  }
.Lfunc_end2:
_tile_overlayer_lowered:
.L_overlay_start_2:
0x234: {  	(tag) =	ssettag $0x2  }
0x235: {  	s0 =	rddreg [dreg:$0x0];
	s2 =	stileid.u32  }
0x236: {  	s1 =	rddreg [dreg:$0x1];
	p0 =	sne.s32 s2, $0x0  }
0x237: {  	s3 =	rddreg [dreg:$0x2];
	[bflag:$0x3] =	sbarrier.arrive $0xFFFF;
	s2 =	simm.s32 @!p0 $0x1C07  }
0x238: {  	[timem:s3], [sflag:s2] =	dma.local @!p0 [hbm:s0], s1  }
0x239: {  	s0 =	simm.s32 @!p0 $0x7  }
0x23a: {  	_ =	swait.ge @!p0 [sflag:s0], s1  }
0x23b: {  	s1 =	ssub.s32 @!p0 $0x0, s1;
	[sflag:s0] =	ssyncset.done @!p0 $0x0  }
0x23c: {  	[sflag:s0] =	ssyncadd.s32 @!p0 s1  }
0x23d: {  	[bflag:$0x3] =	sbarrier.arrive $0xFFFF  }
0x23e: {  	_ =	shalt  }

</sc_bundles>
